<compile_context>
chip_gen: v7x
topology: tpu7x:2x2x1
jax: 0.10.2.dev20260603
libtpu: 0.0.44.dev20260713+nightly
codegen_flags: <defaults>
</compile_context>

<pallas_src>
import functools

import jax
import jax.numpy as jnp
from jax import lax
from jax.experimental import pallas as pl
from jax.experimental.pallas import tpu as pltpu
from jax.experimental.pallas import tpu_sc as plsc

N = 10000
NPAD = 10240
E = 320000
D = 128
CHUNK = 128
NROWS = E // CHUNK
WCH = 80
LASTW = 31
LCH = NROWS - LASTW * WCH
GC = 16
NG = WCH // GC
SLAB = NPAD // 16
_SC_MESH = plsc.VectorSubcoreMesh(core_axis_name="c", subcore_axis_name="s")


def _deg_body(ei3, out, dst_v, ones_v, zb_v, deg_sh, sem):
  c = lax.axis_index("c")
  s = lax.axis_index("s")
  w = c * 16 + s

  @pl.when(w < LASTW)
  def _():
    pltpu.async_copy(ei3.at[1, pl.ds(w * WCH, WCH)], dst_v, sem)

  @pl.when(w == LASTW)
  def _():
    pltpu.async_copy(ei3.at[1, pl.ds(LASTW * WCH, GC)],
                     dst_v.at[pl.ds(0, GC)], sem)
    pltpu.async_copy(ei3.at[1, pl.ds(LASTW * WCH + GC, LCH - GC)],
                     dst_v.at[pl.ds(GC, LCH - GC)], sem)

  for t in range(8):
    ones_v[pl.ds(t * 16, 16)] = jnp.ones((16,), jnp.float32)

  @pl.loop(0, SLAB // 16)
  def _zb(i):
    zb_v[pl.ds(i * 16, 16)] = jnp.zeros((16,), jnp.float32)

  pltpu.sync_copy(zb_v, deg_sh.at[pl.ds(s * SLAB, SLAB)])

  @pl.when(w < LASTW)
  def _():
    pltpu.make_async_copy(ei3.at[1, pl.ds(0, WCH)], dst_v, sem).wait()

  @pl.when(w == LASTW)
  def _():
    pltpu.make_async_copy(ei3.at[1, pl.ds(0, GC)],
                          dst_v.at[pl.ds(0, GC)], sem).wait()
    pltpu.make_async_copy(ei3.at[1, pl.ds(0, LCH - GC)],
                          dst_v.at[pl.ds(GC, LCH - GC)], sem).wait()

  plsc.subcore_barrier()

  nch = jnp.where(w == LASTW, LCH, WCH)

  @pl.loop(0, nch)
  def _fire(j):
    pltpu.async_copy(ones_v, deg_sh.at[dst_v.at[j]], sem, add=True)

  @pl.loop(0, nch)
  def _drain(j):
    pltpu.make_async_copy(ones_v, deg_sh.at[dst_v.at[0]], sem).wait()

  plsc.subcore_barrier()
  pltpu.sync_copy(deg_sh.at[pl.ds(s * SLAB, SLAB)],
                  out.at[c, pl.ds(s * SLAB, SLAB)])


_deg_call = functools.partial(
    pl.kernel,
    out_type=jax.ShapeDtypeStruct((2, NPAD), jnp.float32),
    mesh=_SC_MESH,
    scratch_types=[
        pltpu.VMEM((WCH, CHUNK), jnp.int32),
        pltpu.VMEM((CHUNK,), jnp.float32),
        pltpu.VMEM((SLAB,), jnp.float32),
        pltpu.VMEM_SHARED((NPAD,), jnp.float32),
        pltpu.SemaphoreType.DMA,
    ],
)(_deg_body)


def _agg_body(y, ei3, out, src_a, dst_a, src_b, dst_b, buf0, buf1, acc_sh,
              sg0, sg1, ss0, ss1, sia, sib):
  c = lax.axis_index("c")
  s = lax.axis_index("s")
  w = c * 16 + s

  idx = [(src_a, dst_a, sia), (src_b, dst_b, sib)]

  def refill(g):
    sv, dv, sem = idx[g % 2]
    pltpu.async_copy(ei3.at[0, pl.ds(w * WCH + g * GC, GC)], sv, sem)
    pltpu.async_copy(ei3.at[1, pl.ds(w * WCH + g * GC, GC)], dv, sem)

  def refill_wait(g):
    sv, dv, sem = idx[g % 2]
    pltpu.make_async_copy(ei3.at[0, pl.ds(0, GC)], sv, sem).wait()
    pltpu.make_async_copy(ei3.at[1, pl.ds(0, GC)], dv, sem).wait()

  @pl.when(w < LASTW)
  def _prefetch():
    refill(0)
    refill(1)

  @pl.loop(0, CHUNK)
  def _zrow(r):
    for t in range(8):
      buf0[r, pl.ds(t * 16, 16)] = jnp.zeros((16,), jnp.float32)

  for k in range(SLAB // CHUNK):
    pltpu.sync_copy(buf0, acc_sh.at[pl.ds(s * SLAB + k * CHUNK, CHUNK)])
  plsc.subcore_barrier()

  @pl.when(w < LASTW)
  def _full_worker():
    refill_wait(0)
    pltpu.async_copy(y.at[src_a.at[0]], buf0, sg0)
    pltpu.async_copy(y.at[src_a.at[1]], buf1, sg1)

    for g in range(NG):
      sv, dv, _ = idx[g % 2]
      nsv, ndv, _ = idx[(g + 1) % 2]

      @pl.loop(0, GC // 2 - 1)
      def _pipe(i, sv=sv, dv=dv):
        a = 2 * i
        b = a + 1
        pltpu.make_async_copy(y.at[sv.at[0]], buf0, sg0).wait()
        pltpu.async_copy(buf0, acc_sh.at[dv.at[a]], ss0, add=True)
        pltpu.make_async_copy(y.at[sv.at[1]], buf1, sg1).wait()
        pltpu.make_async_copy(buf0, acc_sh.at[dv.at[0]], ss0).wait()
        pltpu.async_copy(y.at[sv.at[a + 2]], buf0, sg0)
        pltpu.async_copy(buf1, acc_sh.at[dv.at[b]], ss1, add=True)
        pltpu.make_async_copy(buf1, acc_sh.at[dv.at[0]], ss1).wait()
        pltpu.async_copy(y.at[sv.at[b + 2]], buf1, sg1)

      pltpu.make_async_copy(y.at[sv.at[0]], buf0, sg0).wait()
      pltpu.async_copy(buf0, acc_sh.at[dv.at[GC - 2]], ss0, add=True)
      pltpu.make_async_copy(y.at[sv.at[1]], buf1, sg1).wait()
      pltpu.make_async_copy(buf0, acc_sh.at[dv.at[0]], ss0).wait()
      if g + 1 < NG:
        refill_wait(g + 1)
        pltpu.async_copy(y.at[nsv.at[0]], buf0, sg0)
      pltpu.async_copy(buf1, acc_sh.at[dv.at[GC - 1]], ss1, add=True)
      pltpu.make_async_copy(buf1, acc_sh.at[dv.at[0]], ss1).wait()
      if g + 1 < NG:
        pltpu.async_copy(y.at[nsv.at[1]], buf1, sg1)
        if g + 2 < NG:
          refill(g + 2)

  @pl.when(w == LASTW)
  def _tail_worker():
    base = LASTW * WCH
    pltpu.sync_copy(ei3.at[0, pl.ds(base, GC)], src_a)
    pltpu.sync_copy(ei3.at[1, pl.ds(base, GC)], dst_a)
    pltpu.sync_copy(ei3.at[0, pl.ds(base + GC, LCH - GC)],
                    src_b.at[pl.ds(0, LCH - GC)])
    pltpu.sync_copy(ei3.at[1, pl.ds(base + GC, LCH - GC)],
                    dst_b.at[pl.ds(0, LCH - GC)])

    @pl.loop(0, GC)
    def _t0(j):
      pltpu.async_copy(y.at[src_a.at[j]], buf0, sg0).wait()
      pltpu.sync_copy(buf0, acc_sh.at[dst_a.at[j]], add=True)

    @pl.loop(0, LCH - GC)
    def _t1(j):
      pltpu.async_copy(y.at[src_b.at[j]], buf0, sg0).wait()
      pltpu.sync_copy(buf0, acc_sh.at[dst_b.at[j]], add=True)

  plsc.subcore_barrier()
  pltpu.sync_copy(acc_sh.at[pl.ds(s * SLAB, SLAB)],
                  out.at[c, pl.ds(s * SLAB, SLAB)])


_agg_call = functools.partial(
    pl.kernel,
    out_type=jax.ShapeDtypeStruct((2, NPAD, D), jnp.float32),
    mesh=_SC_MESH,
    scratch_types=[
        pltpu.VMEM((GC, CHUNK), jnp.int32),
        pltpu.VMEM((GC, CHUNK), jnp.int32),
        pltpu.VMEM((GC, CHUNK), jnp.int32),
        pltpu.VMEM((GC, CHUNK), jnp.int32),
        pltpu.VMEM((CHUNK, D), jnp.float32),
        pltpu.VMEM((CHUNK, D), jnp.float32),
        pltpu.VMEM_SHARED((NPAD, D), jnp.float32),
        pltpu.SemaphoreType.DMA,
        pltpu.SemaphoreType.DMA,
        pltpu.SemaphoreType.DMA,
        pltpu.SemaphoreType.DMA,
        pltpu.SemaphoreType.DMA,
        pltpu.SemaphoreType.DMA,
    ],
)(_agg_body)


def _scale_body(x_ref, deg_ref, wz_ref, lzt_ref, bz_ref, lzb_ref,
                wh_ref, lht_ref, bh_ref, lhb_ref,
                y_ref, wzp_ref, bzp_ref, whp_ref, bhp_ref):
  deg = deg_ref[0] + deg_ref[1]
  dinv = jnp.where(deg > 0.0, lax.rsqrt(deg), 0.0)
  d = jnp.reshape(dinv, (NPAD, 1))[:N]
  y_ref[...] = x_ref[...] * d
  lzt = lzt_ref[...]
  lht = lht_ref[...]
  wzp_ref[...] = jnp.dot(wz_ref[...], lzt, preferred_element_type=jnp.float32)
  bzp_ref[...] = jnp.dot(bz_ref[...], lzt,
                         preferred_element_type=jnp.float32) + lzb_ref[...]
  whp_ref[...] = jnp.dot(wh_ref[...], lht, preferred_element_type=jnp.float32)
  bhp_ref[...] = jnp.dot(bh_ref[...], lht,
                         preferred_element_type=jnp.float32) + lhb_ref[...]


_scale_call = pl.pallas_call(
    _scale_body,
    out_shape=(
        jax.ShapeDtypeStruct((N, D), jnp.float32),
        jax.ShapeDtypeStruct((D, D), jnp.float32),
        jax.ShapeDtypeStruct((1, D), jnp.float32),
        jax.ShapeDtypeStruct((D, D), jnp.float32),
        jax.ShapeDtypeStruct((1, D), jnp.float32),
    ),
)


_TBLK = 2048


def _tail_body(acc_ref, deg_ref, wzp_ref, bzp_ref, whp_ref, bhp_ref,
               wo_ref, bo_ref, out_ref):
  i = pl.program_id(0)
  deg = (deg_ref[0, pl.ds(i * _TBLK, _TBLK)]
         + deg_ref[1, pl.ds(i * _TBLK, _TBLK)])
  dinv = jnp.where(deg > 0.0, lax.rsqrt(deg), 0.0)
  d = jnp.reshape(dinv, (_TBLK, 1))
  p = (acc_ref[0] + acc_ref[1]) * d
  z = jax.nn.sigmoid(jnp.dot(p, wzp_ref[...],
                             preferred_element_type=jnp.float32) + bzp_ref[...])
  ht = jnp.tanh(jnp.dot(p, whp_ref[...],
                        preferred_element_type=jnp.float32) + bhp_ref[...])
  g = jnp.maximum((1.0 - z) * ht, 0.0)
  out_ref[...] = jnp.dot(g, wo_ref[...],
                         preferred_element_type=jnp.float32) + bo_ref[...]


_tail_call = pl.pallas_call(
    _tail_body,
    grid=(NPAD // _TBLK,),
    in_specs=[
        pl.BlockSpec((2, _TBLK, D), lambda i: (0, i, 0)),
        pl.BlockSpec((2, NPAD), lambda i: (0, 0)),
        pl.BlockSpec((D, D), lambda i: (0, 0)),
        pl.BlockSpec((1, D), lambda i: (0, 0)),
        pl.BlockSpec((D, D), lambda i: (0, 0)),
        pl.BlockSpec((1, D), lambda i: (0, 0)),
        pl.BlockSpec((D, D), lambda i: (0, 0)),
        pl.BlockSpec((1, D), lambda i: (0, 0)),
    ],
    out_specs=pl.BlockSpec((_TBLK, D), lambda i: (i, 0)),
    out_shape=jax.ShapeDtypeStruct((N, D), jnp.float32),
)


def kernel(x, edge_index, Wz, bz, Wr, br, Wh, bh, Lz_w, Lz_b, Lr_w, Lr_b,
           Lh_w, Lh_b, W_out, b_out):
  ei3 = edge_index.reshape(2, NROWS, CHUNK)
  degp = _deg_call(ei3)
  y, wzp, bzp, whp, bhp = _scale_call(
      x, degp, Wz, Lz_w[:D], bz.reshape(1, D),
      Lz_b.reshape(1, D), Wh, Lh_w[:D], bh.reshape(1, D), Lh_b.reshape(1, D))
  accp = _agg_call(y, ei3)
  return _tail_call(accp, degp, wzp, bzp, whp, bhp, W_out, b_out.reshape(1, D))

# --- scband reference (transcript-rebuilt; emitter-appended) ---
"""Pipeline reference for scband-temporal-gcn-88897233092609 (READ-ONLY COPY).

The authoritative reference and input builder live on the scoring server;
editing this copy changes nothing except your own understanding.
"""

import jax, jax.numpy as jnp
import numpy as np

N_NODES = 10000
N_EDGES = 320000
D_IN = 128
D_OUT = 128
D_FINAL = 128


def setup_inputs(seed: int = 0) -> dict:
    key = jax.random.key(seed)
    ks = jax.random.split(key, 16)
    x = jax.random.normal(ks[0], (N_NODES, D_IN), dtype=jnp.float32)
    edge_index = jax.random.randint(ks[1], (2, N_EDGES), 0, N_NODES, dtype=jnp.int64 if jax.config.jax_enable_x64 else jnp.int32).astype(jnp.int32)
    s = 0.05
    # GCNConv weights for z, r, h gates (in, out) and biases
    Wz = jax.random.normal(ks[2], (D_IN, D_OUT), dtype=jnp.float32) * s
    bz = jax.random.normal(ks[3], (D_OUT,), dtype=jnp.float32) * s
    Wr = jax.random.normal(ks[4], (D_IN, D_OUT), dtype=jnp.float32) * s
    br = jax.random.normal(ks[5], (D_OUT,), dtype=jnp.float32) * s
    Wh = jax.random.normal(ks[6], (D_IN, D_OUT), dtype=jnp.float32) * s
    bh = jax.random.normal(ks[7], (D_OUT,), dtype=jnp.float32) * s
    # Gate linear layers: Linear(2*out_channels, out_channels)
    Lz_w = jax.random.normal(ks[8], (2 * D_OUT, D_OUT), dtype=jnp.float32) * s
    Lz_b = jax.random.normal(ks[9], (D_OUT,), dtype=jnp.float32) * s
    Lr_w = jax.random.normal(ks[10], (2 * D_OUT, D_OUT), dtype=jnp.float32) * s
    Lr_b = jax.random.normal(ks[11], (D_OUT,), dtype=jnp.float32) * s
    Lh_w = jax.random.normal(ks[12], (2 * D_OUT, D_OUT), dtype=jnp.float32) * s
    Lh_b = jax.random.normal(ks[13], (D_OUT,), dtype=jnp.float32) * s
    # Final output linear
    W_out = jax.random.normal(ks[14], (D_OUT, D_FINAL), dtype=jnp.float32) * s
    b_out = jax.random.normal(ks[15], (D_FINAL,), dtype=jnp.float32) * s
    return {"x": x, "edge_index": edge_index, "Wz": Wz, "bz": bz, "Wr": Wr, "br": br, "Wh": Wh, "bh": bh, "Lz_w": Lz_w, "Lz_b": Lz_b, "Lr_w": Lr_w, "Lr_b": Lr_b, "Lh_w": Lh_w, "Lh_b": Lh_b, "W_out": W_out, "b_out": b_out}


def _gcn_conv(x, edge_index, W, b):
    # PyG GCNConv with add_self_loops=False: out = D^{-1/2} A D^{-1/2} (X W) + b
    n = x.shape[0]
    src = edge_index[0]
    dst = edge_index[1]
    xw = x @ W
    ones = jnp.ones((edge_index.shape[1],), dtype=x.dtype)
    deg = jnp.zeros((n,), dtype=x.dtype).at[dst].add(ones)
    deg_inv_sqrt = jnp.where(deg > 0, 1.0 / jnp.sqrt(deg), 0.0)
    norm = deg_inv_sqrt[src] * deg_inv_sqrt[dst]
    msg = xw[src] * norm[:, None]
    agg = jnp.zeros((n, W.shape[1]), dtype=x.dtype).at[dst].add(msg)
    return agg + b


def reference(x, edge_index, Wz, bz, Wr, br, Wh, bh, Lz_w, Lz_b, Lr_w, Lr_b, Lh_w, Lh_b, W_out, b_out):
    n = x.shape[0]
    d_out = Wz.shape[1]
    H = jnp.zeros((n, d_out), dtype=x.dtype)  # TGCN initial hidden state
    # update gate
    Z = jax.nn.sigmoid(jnp.concatenate([_gcn_conv(x, edge_index, Wz, bz), H], axis=1) @ Lz_w + Lz_b)
    # reset gate
    R = jax.nn.sigmoid(jnp.concatenate([_gcn_conv(x, edge_index, Wr, br), H], axis=1) @ Lr_w + Lr_b)
    # candidate state
    H_tilde = jnp.tanh(jnp.concatenate([_gcn_conv(x, edge_index, Wh, bh), R * H], axis=1) @ Lh_w + Lh_b)
    H_new = Z * H + (1.0 - Z) * H_tilde
    h = jax.nn.relu(H_new)
    return h @ W_out + b_out

if __name__ == "__main__":
    import jax
    _d = setup_inputs()
    print(jax.jit(kernel)(*tuple(_d.values())))

</pallas_src>

<mosaic_0001>
#map = affine_map<(d0, d1) -> (0, 0)>
#map1 = affine_map<(d0, d1) -> (0, 0, 0)>
module attributes {stable_mosaic.version = 14 : i64} {
  func.func @_agg_body(%arg0: i32, %arg1: i32, %arg2: memref<10000x128xf32, #tpu.memory_space<hbm>>, %arg3: memref<2x2500x128xi32, #tpu.memory_space<hbm>>, %arg4: memref<2x10240x128xf32, #tpu.memory_space<hbm>>, %arg5: memref<16x128xi32, #tpu.memory_space<vmem>>, %arg6: memref<16x128xi32, #tpu.memory_space<vmem>>, %arg7: memref<16x128xi32, #tpu.memory_space<vmem>>, %arg8: memref<16x128xi32, #tpu.memory_space<vmem>>, %arg9: memref<128x128xf32, #tpu.memory_space<vmem>>, %arg10: memref<128x128xf32, #tpu.memory_space<vmem>>, %arg11: memref<10240x128xf32, #tpu.memory_space<vmem_shared>>, %arg12: memref<!tpu.dma_semaphore, #tpu.memory_space<semaphore_mem>>, %arg13: memref<!tpu.dma_semaphore, #tpu.memory_space<semaphore_mem>>, %arg14: memref<!tpu.dma_semaphore, #tpu.memory_space<semaphore_mem>>, %arg15: memref<!tpu.dma_semaphore, #tpu.memory_space<semaphore_mem>>, %arg16: memref<!tpu.dma_semaphore, #tpu.memory_space<semaphore_mem>>, %arg17: memref<!tpu.dma_semaphore, #tpu.memory_space<semaphore_mem>>) attributes {dimension_semantics = [#tpu.dimension_semantics<core_parallel>, #tpu.dimension_semantics<subcore_parallel>], iteration_bounds = array<i64: 2, 16>, scalar_prefetch = 0 : i64, scratch_operands = 13 : i64, tpu.core_type = #tpu.core_type<sc_vector_subcore>, window_params = [{transform_indices = #map}, {transform_indices = #map1}, {transform_indices = #map1}]} {
    %mul3A = arith.constant 16 : i32
    %mul3A_0 = arith.muli %arg0, %mul3A : i32
    %add3A = arith.addi %mul3A_0, %arg1 : i32
    %lt3A = arith.constant 31 : i32
    %lt3A_1 = arith.cmpi slt, %add3A, %lt3A : i32
    %convert_element_type3A = arith.extui %lt3A_1 : i1 to i32
    %cond3A = arith.constant 0 : i32
    %cond3A_2 = arith.cmpi ne, %convert_element_type3A, %cond3A : i32
    scf.if %cond3A_2 {
      %mul3A_41 = arith.constant 80 : i32
      %mul3A_42 = arith.muli %add3A, %mul3A_41 : i32
      %add3A_43 = arith.constant 0 : i32
      %add3A_44 = arith.addi %mul3A_42, %add3A_43 : i32
      %dma_start3A = arith.constant 0 : i32
      %dma_start3A_45 = arith.constant 0 : i32
      %dma_start3A_46 = tpu.memref_slice %arg3[%dma_start3A, %add3A_44, %dma_start3A_45] : memref<2x2500x128xi32, #tpu.memory_space<hbm>> -> memref<1x16x128xi32, #tpu.memory_space<hbm>>
      %dma_start3A_47 = tpu.memref_squeeze %dma_start3A_46 : memref<1x16x128xi32, #tpu.memory_space<hbm>> -> memref<16x128xi32, #tpu.memory_space<hbm>>
      %dma_start3A_48 = arith.constant 0 : i32
      %dma_start3A_49 = tpu.memref_slice %arg3[%dma_start3A, %add3A_44, %dma_start3A_48] : memref<2x2500x128xi32, #tpu.memory_space<hbm>> -> memref<1x16x128xi32, #tpu.memory_space<hbm>>
      %dma_start3A_50 = tpu.memref_squeeze %dma_start3A_49 : memref<1x16x128xi32, #tpu.memory_space<hbm>> -> memref<16x128xi32, #tpu.memory_space<hbm>>
      tpu.enqueue_dma source(%dma_start3A_50 : memref<16x128xi32, #tpu.memory_space<hbm>>) target(%arg5 : memref<16x128xi32, #tpu.memory_space<vmem>>) target_semaphore(%arg16 : memref<!tpu.dma_semaphore, #tpu.memory_space<semaphore_mem>>)
      %mul3A_51 = arith.constant 80 : i32
      %mul3A_52 = arith.muli %add3A, %mul3A_51 : i32
      %add3A_53 = arith.constant 0 : i32
      %add3A_54 = arith.addi %mul3A_52, %add3A_53 : i32
      %dma_start3A_55 = arith.constant 1 : i32
      %dma_start3A_56 = arith.constant 0 : i32
      %dma_start3A_57 = tpu.memref_slice %arg3[%dma_start3A_55, %add3A_54, %dma_start3A_56] : memref<2x2500x128xi32, #tpu.memory_space<hbm>> -> memref<1x16x128xi32, #tpu.memory_space<hbm>>
      %dma_start3A_58 = tpu.memref_squeeze %dma_start3A_57 : memref<1x16x128xi32, #tpu.memory_space<hbm>> -> memref<16x128xi32, #tpu.memory_space<hbm>>
      %dma_start3A_59 = arith.constant 0 : i32
      %dma_start3A_60 = tpu.memref_slice %arg3[%dma_start3A_55, %add3A_54, %dma_start3A_59] : memref<2x2500x128xi32, #tpu.memory_space<hbm>> -> memref<1x16x128xi32, #tpu.memory_space<hbm>>
      %dma_start3A_61 = tpu.memref_squeeze %dma_start3A_60 : memref<1x16x128xi32, #tpu.memory_space<hbm>> -> memref<16x128xi32, #tpu.memory_space<hbm>>
      tpu.enqueue_dma source(%dma_start3A_61 : memref<16x128xi32, #tpu.memory_space<hbm>>) target(%arg6 : memref<16x128xi32, #tpu.memory_space<vmem>>) target_semaphore(%arg16 : memref<!tpu.dma_semaphore, #tpu.memory_space<semaphore_mem>>)
      %mul3A_62 = arith.constant 80 : i32
      %mul3A_63 = arith.muli %add3A, %mul3A_62 : i32
      %add3A_64 = arith.constant 16 : i32
      %add3A_65 = arith.addi %mul3A_63, %add3A_64 : i32
      %dma_start3A_66 = arith.constant 0 : i32
      %dma_start3A_67 = arith.constant 0 : i32
      %dma_start3A_68 = tpu.memref_slice %arg3[%dma_start3A_66, %add3A_65, %dma_start3A_67] : memref<2x2500x128xi32, #tpu.memory_space<hbm>> -> memref<1x16x128xi32, #tpu.memory_space<hbm>>
      %dma_start3A_69 = tpu.memref_squeeze %dma_start3A_68 : memref<1x16x128xi32, #tpu.memory_space<hbm>> -> memref<16x128xi32, #tpu.memory_space<hbm>>
      %dma_start3A_70 = arith.constant 0 : i32
      %dma_start3A_71 = tpu.memref_slice %arg3[%dma_start3A_66, %add3A_65, %dma_start3A_70] : memref<2x2500x128xi32, #tpu.memory_space<hbm>> -> memref<1x16x128xi32, #tpu.memory_space<hbm>>
      %dma_start3A_72 = tpu.memref_squeeze %dma_start3A_71 : memref<1x16x128xi32, #tpu.memory_space<hbm>> -> memref<16x128xi32, #tpu.memory_space<hbm>>
      tpu.enqueue_dma source(%dma_start3A_72 : memref<16x128xi32, #tpu.memory_space<hbm>>) target(%arg7 : memref<16x128xi32, #tpu.memory_space<vmem>>) target_semaphore(%arg17 : memref<!tpu.dma_semaphore, #tpu.memory_space<semaphore_mem>>)
      %mul3A_73 = arith.constant 80 : i32
      %mul3A_74 = arith.muli %add3A, %mul3A_73 : i32
      %add3A_75 = arith.constant 16 : i32
      %add3A_76 = arith.addi %mul3A_74, %add3A_75 : i32
      %dma_start3A_77 = arith.constant 1 : i32
      %dma_start3A_78 = arith.constant 0 : i32
      %dma_start3A_79 = tpu.memref_slice %arg3[%dma_start3A_77, %add3A_76, %dma_start3A_78] : memref<2x2500x128xi32, #tpu.memory_space<hbm>> -> memref<1x16x128xi32, #tpu.memory_space<hbm>>
      %dma_start3A_80 = tpu.memref_squeeze %dma_start3A_79 : memref<1x16x128xi32, #tpu.memory_space<hbm>> -> memref<16x128xi32, #tpu.memory_space<hbm>>
      %dma_start3A_81 = arith.constant 0 : i32
      %dma_start3A_82 = tpu.memref_slice %arg3[%dma_start3A_77, %add3A_76, %dma_start3A_81] : memref<2x2500x128xi32, #tpu.memory_space<hbm>> -> memref<1x16x128xi32, #tpu.memory_space<hbm>>
      %dma_start3A_83 = tpu.memref_squeeze %dma_start3A_82 : memref<1x16x128xi32, #tpu.memory_space<hbm>> -> memref<16x128xi32, #tpu.memory_space<hbm>>
      tpu.enqueue_dma source(%dma_start3A_83 : memref<16x128xi32, #tpu.memory_space<hbm>>) target(%arg8 : memref<16x128xi32, #tpu.memory_space<vmem>>) target_semaphore(%arg17 : memref<!tpu.dma_semaphore, #tpu.memory_space<semaphore_mem>>)
    } else {
    }
    %scan3A = arith.constant 0 : i32
    %scan3A_3 = arith.constant 128 : i32
    %scan3A_4 = arith.addi %scan3A, %scan3A_3 : i32
    %scan3A_5 = arith.constant 1 : i32
    scf.for %scan3A_41 = %scan3A to %scan3A_4 step %scan3A_5  : i32 {
      %mul3A_42 = arith.constant 1 : i32
      %mul3A_43 = arith.muli %scan3A_41, %mul3A_42 : i32
      %add3A_44 = arith.constant 0 : i32
      %add3A_45 = arith.addi %add3A_44, %mul3A_43 : i32
      %broadcast_in_dim3A = arith.constant 0.000000e+00 : f32
      %broadcast_in_dim3A_46 = vector.broadcast %broadcast_in_dim3A : f32 to vector<16xf32>
      %swap3A = arith.index_cast %add3A_45 : i32 to index
      %swap3A_47 = arith.constant 0 : index
      %swap3A_48 = tpu.vector_load %arg9[%swap3A, %swap3A_47] {strides = array<i32>} : memref<128x128xf32, #tpu.memory_space<vmem>>, vector<1x16xf32>,
      %swap3A_49 = vector.shape_cast %swap3A_48 : vector<1x16xf32> to vector<16xf32>
      %swap3A_50 = vector.shape_cast %broadcast_in_dim3A_46 : vector<16xf32> to vector<1x16xf32>
      tpu.vector_store %arg9[%swap3A, %swap3A_47], %swap3A_50 {strides = array<i32>} : memref<128x128xf32, #tpu.memory_space<vmem>>, vector<1x16xf32>,
      %broadcast_in_dim3A_51 = arith.constant 0.000000e+00 : f32
      %broadcast_in_dim3A_52 = vector.broadcast %broadcast_in_dim3A_51 : f32 to vector<16xf32>
      %swap3A_53 = arith.index_cast %add3A_45 : i32 to index
      %swap3A_54 = arith.constant 16 : index
      %swap3A_55 = tpu.vector_load %arg9[%swap3A_53, %swap3A_54] {strides = array<i32>} : memref<128x128xf32, #tpu.memory_space<vmem>>, vector<1x16xf32>,
      %swap3A_56 = vector.shape_cast %swap3A_55 : vector<1x16xf32> to vector<16xf32>
      %swap3A_57 = vector.shape_cast %broadcast_in_dim3A_52 : vector<16xf32> to vector<1x16xf32>
      tpu.vector_store %arg9[%swap3A_53, %swap3A_54], %swap3A_57 {strides = array<i32>} : memref<128x128xf32, #tpu.memory_space<vmem>>, vector<1x16xf32>,
      %broadcast_in_dim3A_58 = arith.constant 0.000000e+00 : f32
      %broadcast_in_dim3A_59 = vector.broadcast %broadcast_in_dim3A_58 : f32 to vector<16xf32>
      %swap3A_60 = arith.index_cast %add3A_45 : i32 to index
      %swap3A_61 = arith.constant 32 : index
      %swap3A_62 = tpu.vector_load %arg9[%swap3A_60, %swap3A_61] {strides = array<i32>} : memref<128x128xf32, #tpu.memory_space<vmem>>, vector<1x16xf32>,
      %swap3A_63 = vector.shape_cast %swap3A_62 : vector<1x16xf32> to vector<16xf32>
      %swap3A_64 = vector.shape_cast %broadcast_in_dim3A_59 : vector<16xf32> to vector<1x16xf32>
      tpu.vector_store %arg9[%swap3A_60, %swap3A_61], %swap3A_64 {strides = array<i32>} : memref<128x128xf32, #tpu.memory_space<vmem>>, vector<1x16xf32>,
      %broadcast_in_dim3A_65 = arith.constant 0.000000e+00 : f32
      %broadcast_in_dim3A_66 = vector.broadcast %broadcast_in_dim3A_65 : f32 to vector<16xf32>
      %swap3A_67 = arith.index_cast %add3A_45 : i32 to index
      %swap3A_68 = arith.constant 48 : index
      %swap3A_69 = tpu.vector_load %arg9[%swap3A_67, %swap3A_68] {strides = array<i32>} : memref<128x128xf32, #tpu.memory_space<vmem>>, vector<1x16xf32>,
      %swap3A_70 = vector.shape_cast %swap3A_69 : vector<1x16xf32> to vector<16xf32>
      %swap3A_71 = vector.shape_cast %broadcast_in_dim3A_66 : vector<16xf32> to vector<1x16xf32>
      tpu.vector_store %arg9[%swap3A_67, %swap3A_68], %swap3A_71 {strides = array<i32>} : memref<128x128xf32, #tpu.memory_space<vmem>>, vector<1x16xf32>,
      %broadcast_in_dim3A_72 = arith.constant 0.000000e+00 : f32
      %broadcast_in_dim3A_73 = vector.broadcast %broadcast_in_dim3A_72 : f32 to vector<16xf32>
      %swap3A_74 = arith.index_cast %add3A_45 : i32 to index
      %swap3A_75 = arith.constant 64 : index
      %swap3A_76 = tpu.vector_load %arg9[%swap3A_74, %swap3A_75] {strides = array<i32>} : memref<128x128xf32, #tpu.memory_space<vmem>>, vector<1x16xf32>,
      %swap3A_77 = vector.shape_cast %swap3A_76 : vector<1x16xf32> to vector<16xf32>
      %swap3A_78 = vector.shape_cast %broadcast_in_dim3A_73 : vector<16xf32> to vector<1x16xf32>
      tpu.vector_store %arg9[%swap3A_74, %swap3A_75], %swap3A_78 {strides = array<i32>} : memref<128x128xf32, #tpu.memory_space<vmem>>, vector<1x16xf32>,
      %broadcast_in_dim3A_79 = arith.constant 0.000000e+00 : f32
      %broadcast_in_dim3A_80 = vector.broadcast %broadcast_in_dim3A_79 : f32 to vector<16xf32>
      %swap3A_81 = arith.index_cast %add3A_45 : i32 to index
      %swap3A_82 = arith.constant 80 : index
      %swap3A_83 = tpu.vector_load %arg9[%swap3A_81, %swap3A_82] {strides = array<i32>} : memref<128x128xf32, #tpu.memory_space<vmem>>, vector<1x16xf32>,
      %swap3A_84 = vector.shape_cast %swap3A_83 : vector<1x16xf32> to vector<16xf32>
      %swap3A_85 = vector.shape_cast %broadcast_in_dim3A_80 : vector<16xf32> to vector<1x16xf32>
      tpu.vector_store %arg9[%swap3A_81, %swap3A_82], %swap3A_85 {strides = array<i32>} : memref<128x128xf32, #tpu.memory_space<vmem>>, vector<1x16xf32>,
      %broadcast_in_dim3A_86 = arith.constant 0.000000e+00 : f32
      %broadcast_in_dim3A_87 = vector.broadcast %broadcast_in_dim3A_86 : f32 to vector<16xf32>
      %swap3A_88 = arith.index_cast %add3A_45 : i32 to index
      %swap3A_89 = arith.constant 96 : index
      %swap3A_90 = tpu.vector_load %arg9[%swap3A_88, %swap3A_89] {strides = array<i32>} : memref<128x128xf32, #tpu.memory_space<vmem>>, vector<1x16xf32>,
      %swap3A_91 = vector.shape_cast %swap3A_90 : vector<1x16xf32> to vector<16xf32>
      %swap3A_92 = vector.shape_cast %broadcast_in_dim3A_87 : vector<16xf32> to vector<1x16xf32>
      tpu.vector_store %arg9[%swap3A_88, %swap3A_89], %swap3A_92 {strides = array<i32>} : memref<128x128xf32, #tpu.memory_space<vmem>>, vector<1x16xf32>,
      %broadcast_in_dim3A_93 = arith.constant 0.000000e+00 : f32
      %broadcast_in_dim3A_94 = vector.broadcast %broadcast_in_dim3A_93 : f32 to vector<16xf32>
      %swap3A_95 = arith.index_cast %add3A_45 : i32 to index
      %swap3A_96 = arith.constant 112 : index
      %swap3A_97 = tpu.vector_load %arg9[%swap3A_95, %swap3A_96] {strides = array<i32>} : memref<128x128xf32, #tpu.memory_space<vmem>>, vector<1x16xf32>,
      %swap3A_98 = vector.shape_cast %swap3A_97 : vector<1x16xf32> to vector<16xf32>
      %swap3A_99 = vector.shape_cast %broadcast_in_dim3A_94 : vector<16xf32> to vector<1x16xf32>
      tpu.vector_store %arg9[%swap3A_95, %swap3A_96], %swap3A_99 {strides = array<i32>} : memref<128x128xf32, #tpu.memory_space<vmem>>, vector<1x16xf32>,
    }
    %scan3A_6 = arith.constant 128 : i32
    %mul3A_7 = arith.constant 640 : i32
    %mul3A_8 = arith.muli %arg1, %mul3A_7 : i32
    %add3A_9 = arith.constant 0 : i32
    %add3A_10 = arith.addi %mul3A_8, %add3A_9 : i32
    "tpu.region"() ({
      %run_scoped3A = tpu.sem_alloc : memref<!tpu.dma_semaphore, #tpu.memory_space<semaphore_mem>>
      %dma_start3A = arith.constant 0 : i32
      %dma_start3A_41 = tpu.memref_slice %arg11[%add3A_10, %dma_start3A] : memref<10240x128xf32, #tpu.memory_space<vmem_shared>> -> memref<128x128xf32, #tpu.memory_space<vmem_shared>>
      %dma_start3A_42 = arith.constant 0 : i32
      %dma_start3A_43 = tpu.memref_slice %arg11[%add3A_10, %dma_start3A_42] : memref<10240x128xf32, #tpu.memory_space<vmem_shared>> -> memref<128x128xf32, #tpu.memory_space<vmem_shared>>
      tpu.enqueue_dma source(%arg9 : memref<128x128xf32, #tpu.memory_space<vmem>>) target(%dma_start3A_43 : memref<128x128xf32, #tpu.memory_space<vmem_shared>>) target_semaphore(%run_scoped3A : memref<!tpu.dma_semaphore, #tpu.memory_space<semaphore_mem>>)
      %dma_wait3A = arith.constant 0 : i32
      %dma_wait3A_44 = tpu.memref_slice %arg11[%add3A_10, %dma_wait3A] : memref<10240x128xf32, #tpu.memory_space<vmem_shared>> -> memref<128x128xf32, #tpu.memory_space<vmem_shared>>
      %dma_wait3A_45 = arith.constant 0 : i32
      %dma_wait3A_46 = tpu.memref_slice %arg11[%add3A_10, %dma_wait3A_45] : memref<10240x128xf32, #tpu.memory_space<vmem_shared>> -> memref<128x128xf32, #tpu.memory_space<vmem_shared>>
      tpu.wait_dma2 semaphore(%run_scoped3A : memref<!tpu.dma_semaphore, #tpu.memory_space<semaphore_mem>>) src(%arg9 : memref<128x128xf32, #tpu.memory_space<vmem>>) dst(%dma_wait3A_46 : memref<128x128xf32, #tpu.memory_space<vmem_shared>>)
      tpu.yield
    }) : () -> ()
    %mul3A_11 = arith.constant 640 : i32
    %mul3A_12 = arith.muli %arg1, %mul3A_11 : i32
    %add3A_13 = arith.constant 128 : i32
    %add3A_14 = arith.addi %mul3A_12, %add3A_13 : i32
    "tpu.region"() ({
      %run_scoped3A = tpu.sem_alloc : memref<!tpu.dma_semaphore, #tpu.memory_space<semaphore_mem>>
      %dma_start3A = arith.constant 0 : i32
      %dma_start3A_41 = tpu.memref_slice %arg11[%add3A_14, %dma_start3A] : memref<10240x128xf32, #tpu.memory_space<vmem_shared>> -> memref<128x128xf32, #tpu.memory_space<vmem_shared>>
      %dma_start3A_42 = arith.constant 0 : i32
      %dma_start3A_43 = tpu.memref_slice %arg11[%add3A_14, %dma_start3A_42] : memref<10240x128xf32, #tpu.memory_space<vmem_shared>> -> memref<128x128xf32, #tpu.memory_space<vmem_shared>>
      tpu.enqueue_dma source(%arg9 : memref<128x128xf32, #tpu.memory_space<vmem>>) target(%dma_start3A_43 : memref<128x128xf32, #tpu.memory_space<vmem_shared>>) target_semaphore(%run_scoped3A : memref<!tpu.dma_semaphore, #tpu.memory_space<semaphore_mem>>)
      %dma_wait3A = arith.constant 0 : i32
      %dma_wait3A_44 = tpu.memref_slice %arg11[%add3A_14, %dma_wait3A] : memref<10240x128xf32, #tpu.memory_space<vmem_shared>> -> memref<128x128xf32, #tpu.memory_space<vmem_shared>>
      %dma_wait3A_45 = arith.constant 0 : i32
      %dma_wait3A_46 = tpu.memref_slice %arg11[%add3A_14, %dma_wait3A_45] : memref<10240x128xf32, #tpu.memory_space<vmem_shared>> -> memref<128x128xf32, #tpu.memory_space<vmem_shared>>
      tpu.wait_dma2 semaphore(%run_scoped3A : memref<!tpu.dma_semaphore, #tpu.memory_space<semaphore_mem>>) src(%arg9 : memref<128x128xf32, #tpu.memory_space<vmem>>) dst(%dma_wait3A_46 : memref<128x128xf32, #tpu.memory_space<vmem_shared>>)
      tpu.yield
    }) : () -> ()
    %mul3A_15 = arith.constant 640 : i32
    %mul3A_16 = arith.muli %arg1, %mul3A_15 : i32
    %add3A_17 = arith.constant 256 : i32
    %add3A_18 = arith.addi %mul3A_16, %add3A_17 : i32
    "tpu.region"() ({
      %run_scoped3A = tpu.sem_alloc : memref<!tpu.dma_semaphore, #tpu.memory_space<semaphore_mem>>
      %dma_start3A = arith.constant 0 : i32
      %dma_start3A_41 = tpu.memref_slice %arg11[%add3A_18, %dma_start3A] : memref<10240x128xf32, #tpu.memory_space<vmem_shared>> -> memref<128x128xf32, #tpu.memory_space<vmem_shared>>
      %dma_start3A_42 = arith.constant 0 : i32
      %dma_start3A_43 = tpu.memref_slice %arg11[%add3A_18, %dma_start3A_42] : memref<10240x128xf32, #tpu.memory_space<vmem_shared>> -> memref<128x128xf32, #tpu.memory_space<vmem_shared>>
      tpu.enqueue_dma source(%arg9 : memref<128x128xf32, #tpu.memory_space<vmem>>) target(%dma_start3A_43 : memref<128x128xf32, #tpu.memory_space<vmem_shared>>) target_semaphore(%run_scoped3A : memref<!tpu.dma_semaphore, #tpu.memory_space<semaphore_mem>>)
      %dma_wait3A = arith.constant 0 : i32
      %dma_wait3A_44 = tpu.memref_slice %arg11[%add3A_18, %dma_wait3A] : memref<10240x128xf32, #tpu.memory_space<vmem_shared>> -> memref<128x128xf32, #tpu.memory_space<vmem_shared>>
      %dma_wait3A_45 = arith.constant 0 : i32
      %dma_wait3A_46 = tpu.memref_slice %arg11[%add3A_18, %dma_wait3A_45] : memref<10240x128xf32, #tpu.memory_space<vmem_shared>> -> memref<128x128xf32, #tpu.memory_space<vmem_shared>>
      tpu.wait_dma2 semaphore(%run_scoped3A : memref<!tpu.dma_semaphore, #tpu.memory_space<semaphore_mem>>) src(%arg9 : memref<128x128xf32, #tpu.memory_space<vmem>>) dst(%dma_wait3A_46 : memref<128x128xf32, #tpu.memory_space<vmem_shared>>)
      tpu.yield
    }) : () -> ()
    %mul3A_19 = arith.constant 640 : i32
    %mul3A_20 = arith.muli %arg1, %mul3A_19 : i32
    %add3A_21 = arith.constant 384 : i32
    %add3A_22 = arith.addi %mul3A_20, %add3A_21 : i32
    "tpu.region"() ({
      %run_scoped3A = tpu.sem_alloc : memref<!tpu.dma_semaphore, #tpu.memory_space<semaphore_mem>>
      %dma_start3A = arith.constant 0 : i32
      %dma_start3A_41 = tpu.memref_slice %arg11[%add3A_22, %dma_start3A] : memref<10240x128xf32, #tpu.memory_space<vmem_shared>> -> memref<128x128xf32, #tpu.memory_space<vmem_shared>>
      %dma_start3A_42 = arith.constant 0 : i32
      %dma_start3A_43 = tpu.memref_slice %arg11[%add3A_22, %dma_start3A_42] : memref<10240x128xf32, #tpu.memory_space<vmem_shared>> -> memref<128x128xf32, #tpu.memory_space<vmem_shared>>
      tpu.enqueue_dma source(%arg9 : memref<128x128xf32, #tpu.memory_space<vmem>>) target(%dma_start3A_43 : memref<128x128xf32, #tpu.memory_space<vmem_shared>>) target_semaphore(%run_scoped3A : memref<!tpu.dma_semaphore, #tpu.memory_space<semaphore_mem>>)
      %dma_wait3A = arith.constant 0 : i32
      %dma_wait3A_44 = tpu.memref_slice %arg11[%add3A_22, %dma_wait3A] : memref<10240x128xf32, #tpu.memory_space<vmem_shared>> -> memref<128x128xf32, #tpu.memory_space<vmem_shared>>
      %dma_wait3A_45 = arith.constant 0 : i32
      %dma_wait3A_46 = tpu.memref_slice %arg11[%add3A_22, %dma_wait3A_45] : memref<10240x128xf32, #tpu.memory_space<vmem_shared>> -> memref<128x128xf32, #tpu.memory_space<vmem_shared>>
      tpu.wait_dma2 semaphore(%run_scoped3A : memref<!tpu.dma_semaphore, #tpu.memory_space<semaphore_mem>>) src(%arg9 : memref<128x128xf32, #tpu.memory_space<vmem>>) dst(%dma_wait3A_46 : memref<128x128xf32, #tpu.memory_space<vmem_shared>>)
      tpu.yield
    }) : () -> ()
    %mul3A_23 = arith.constant 640 : i32
    %mul3A_24 = arith.muli %arg1, %mul3A_23 : i32
    %add3A_25 = arith.constant 512 : i32
    %add3A_26 = arith.addi %mul3A_24, %add3A_25 : i32
    "tpu.region"() ({
      %run_scoped3A = tpu.sem_alloc : memref<!tpu.dma_semaphore, #tpu.memory_space<semaphore_mem>>
      %dma_start3A = arith.constant 0 : i32
      %dma_start3A_41 = tpu.memref_slice %arg11[%add3A_26, %dma_start3A] : memref<10240x128xf32, #tpu.memory_space<vmem_shared>> -> memref<128x128xf32, #tpu.memory_space<vmem_shared>>
      %dma_start3A_42 = arith.constant 0 : i32
      %dma_start3A_43 = tpu.memref_slice %arg11[%add3A_26, %dma_start3A_42] : memref<10240x128xf32, #tpu.memory_space<vmem_shared>> -> memref<128x128xf32, #tpu.memory_space<vmem_shared>>
      tpu.enqueue_dma source(%arg9 : memref<128x128xf32, #tpu.memory_space<vmem>>) target(%dma_start3A_43 : memref<128x128xf32, #tpu.memory_space<vmem_shared>>) target_semaphore(%run_scoped3A : memref<!tpu.dma_semaphore, #tpu.memory_space<semaphore_mem>>)
      %dma_wait3A = arith.constant 0 : i32
      %dma_wait3A_44 = tpu.memref_slice %arg11[%add3A_26, %dma_wait3A] : memref<10240x128xf32, #tpu.memory_space<vmem_shared>> -> memref<128x128xf32, #tpu.memory_space<vmem_shared>>
      %dma_wait3A_45 = arith.constant 0 : i32
      %dma_wait3A_46 = tpu.memref_slice %arg11[%add3A_26, %dma_wait3A_45] : memref<10240x128xf32, #tpu.memory_space<vmem_shared>> -> memref<128x128xf32, #tpu.memory_space<vmem_shared>>
      tpu.wait_dma2 semaphore(%run_scoped3A : memref<!tpu.dma_semaphore, #tpu.memory_space<semaphore_mem>>) src(%arg9 : memref<128x128xf32, #tpu.memory_space<vmem>>) dst(%dma_wait3A_46 : memref<128x128xf32, #tpu.memory_space<vmem_shared>>)
      tpu.yield
    }) : () -> ()
    %barrier3A = arith.constant 0 : index
    tpu.barrier barrier_id(%barrier3A)
    %lt3A_27 = arith.constant 31 : i32
    %lt3A_28 = arith.cmpi slt, %add3A, %lt3A_27 : i32
    %convert_element_type3A_29 = arith.extui %lt3A_28 : i1 to i32
    %cond3A_30 = arith.constant 0 : i32
    %cond3A_31 = arith.cmpi ne, %convert_element_type3A_29, %cond3A_30 : i32
    scf.if %cond3A_31 {
      %dma_wait3A = arith.constant 0 : i32
      %dma_wait3A_41 = arith.constant 0 : i32
      %dma_wait3A_42 = arith.constant 0 : i32
      %dma_wait3A_43 = tpu.memref_slice %arg3[%dma_wait3A, %dma_wait3A_41, %dma_wait3A_42] : memref<2x2500x128xi32, #tpu.memory_space<hbm>> -> memref<1x16x128xi32, #tpu.memory_space<hbm>>
      %dma_wait3A_44 = tpu.memref_squeeze %dma_wait3A_43 : memref<1x16x128xi32, #tpu.memory_space<hbm>> -> memref<16x128xi32, #tpu.memory_space<hbm>>
      %dma_wait3A_45 = arith.constant 0 : i32
      %dma_wait3A_46 = arith.constant 0 : i32
      %dma_wait3A_47 = tpu.memref_slice %arg3[%dma_wait3A, %dma_wait3A_45, %dma_wait3A_46] : memref<2x2500x128xi32, #tpu.memory_space<hbm>> -> memref<1x16x128xi32, #tpu.memory_space<hbm>>
      %dma_wait3A_48 = tpu.memref_squeeze %dma_wait3A_47 : memref<1x16x128xi32, #tpu.memory_space<hbm>> -> memref<16x128xi32, #tpu.memory_space<hbm>>
      tpu.wait_dma2 semaphore(%arg16 : memref<!tpu.dma_semaphore, #tpu.memory_space<semaphore_mem>>) src(%dma_wait3A_48 : memref<16x128xi32, #tpu.memory_space<hbm>>) dst(%arg5 : memref<16x128xi32, #tpu.memory_space<vmem>>)
      %dma_wait3A_49 = arith.constant 1 : i32
      %dma_wait3A_50 = arith.constant 0 : i32
      %dma_wait3A_51 = arith.constant 0 : i32
      %dma_wait3A_52 = tpu.memref_slice %arg3[%dma_wait3A_49, %dma_wait3A_50, %dma_wait3A_51] : memref<2x2500x128xi32, #tpu.memory_space<hbm>> -> memref<1x16x128xi32, #tpu.memory_space<hbm>>
      %dma_wait3A_53 = tpu.memref_squeeze %dma_wait3A_52 : memref<1x16x128xi32, #tpu.memory_space<hbm>> -> memref<16x128xi32, #tpu.memory_space<hbm>>
      %dma_wait3A_54 = arith.constant 0 : i32
      %dma_wait3A_55 = arith.constant 0 : i32
      %dma_wait3A_56 = tpu.memref_slice %arg3[%dma_wait3A_49, %dma_wait3A_54, %dma_wait3A_55] : memref<2x2500x128xi32, #tpu.memory_space<hbm>> -> memref<1x16x128xi32, #tpu.memory_space<hbm>>
      %dma_wait3A_57 = tpu.memref_squeeze %dma_wait3A_56 : memref<1x16x128xi32, #tpu.memory_space<hbm>> -> memref<16x128xi32, #tpu.memory_space<hbm>>
      tpu.wait_dma2 semaphore(%arg16 : memref<!tpu.dma_semaphore, #tpu.memory_space<semaphore_mem>>) src(%dma_wait3A_57 : memref<16x128xi32, #tpu.memory_space<hbm>>) dst(%arg6 : memref<16x128xi32, #tpu.memory_space<vmem>>)
      %dma_start3A = arith.constant 0 : i32
      %dma_start3A_58 = arith.constant 0 : i32
      %dma_start3A_59 = tpu.memref_slice %arg5[%dma_start3A, %dma_start3A_58] : memref<16x128xi32, #tpu.memory_space<vmem>> -> memref<1x128xi32, #tpu.memory_space<vmem>>
      %dma_start3A_60 = tpu.memref_squeeze %dma_start3A_59 : memref<1x128xi32, #tpu.memory_space<vmem>> -> memref<128xi32, #tpu.memory_space<vmem>>
      %dma_start3A_61 = arith.constant 0 : i32
      %dma_start3A_62 = arith.constant 0 : i32
      %dma_start3A_63 = tpu.memref_slice %arg2[%dma_start3A_61, %dma_start3A_62] : memref<10000x128xf32, #tpu.memory_space<hbm>> -> memref<10000x128xf32, #tpu.memory_space<hbm>>
      tpu.enqueue_indirect_dma source(%dma_start3A_63 : memref<10000x128xf32, #tpu.memory_space<hbm>>) target(%arg9 : memref<128x128xf32, #tpu.memory_space<vmem>>) offsets(%dma_start3A_60 : memref<128xi32, #tpu.memory_space<vmem>>) semaphore(%arg12 : memref<!tpu.dma_semaphore, #tpu.memory_space<semaphore_mem>>)
      %dma_start3A_64 = arith.constant 1 : i32
      %dma_start3A_65 = arith.constant 0 : i32
      %dma_start3A_66 = tpu.memref_slice %arg5[%dma_start3A_64, %dma_start3A_65] : memref<16x128xi32, #tpu.memory_space<vmem>> -> memref<1x128xi32, #tpu.memory_space<vmem>>
      %dma_start3A_67 = tpu.memref_squeeze %dma_start3A_66 : memref<1x128xi32, #tpu.memory_space<vmem>> -> memref<128xi32, #tpu.memory_space<vmem>>
      %dma_start3A_68 = arith.constant 0 : i32
      %dma_start3A_69 = arith.constant 0 : i32
      %dma_start3A_70 = tpu.memref_slice %arg2[%dma_start3A_68, %dma_start3A_69] : memref<10000x128xf32, #tpu.memory_space<hbm>> -> memref<10000x128xf32, #tpu.memory_space<hbm>>
      tpu.enqueue_indirect_dma source(%dma_start3A_70 : memref<10000x128xf32, #tpu.memory_space<hbm>>) target(%arg10 : memref<128x128xf32, #tpu.memory_space<vmem>>) offsets(%dma_start3A_67 : memref<128xi32, #tpu.memory_space<vmem>>) semaphore(%arg13 : memref<!tpu.dma_semaphore, #tpu.memory_space<semaphore_mem>>)
      %scan3A_71 = arith.constant 0 : i32
      %scan3A_72 = arith.constant 7 : i32
      %scan3A_73 = arith.addi %scan3A_71, %scan3A_72 : i32
      %scan3A_74 = arith.constant 1 : i32
      scf.for %scan3A_500 = %scan3A_71 to %scan3A_73 step %scan3A_74  : i32 {
        %mul3A_501 = arith.constant 1 : i32
        %mul3A_502 = arith.muli %scan3A_500, %mul3A_501 : i32
        %add3A_503 = arith.constant 0 : i32
        %add3A_504 = arith.addi %add3A_503, %mul3A_502 : i32
        %mul3A_505 = arith.constant 2 : i32
        %mul3A_506 = arith.muli %mul3A_505, %add3A_504 : i32
        %add3A_507 = arith.constant 1 : i32
        %add3A_508 = arith.addi %mul3A_506, %add3A_507 : i32
        %dma_wait3A_509 = arith.constant 0 : i32
        %dma_wait3A_510 = arith.constant 0 : i32
        %dma_wait3A_511 = tpu.memref_slice %arg5[%dma_wait3A_509, %dma_wait3A_510] : memref<16x128xi32, #tpu.memory_space<vmem>> -> memref<1x128xi32, #tpu.memory_space<vmem>>
        %dma_wait3A_512 = tpu.memref_squeeze %dma_wait3A_511 : memref<1x128xi32, #tpu.memory_space<vmem>> -> memref<128xi32, #tpu.memory_space<vmem>>
        %dma_wait3A_513 = arith.constant 0 : i32
        %dma_wait3A_514 = arith.constant 0 : i32
        %dma_wait3A_515 = tpu.memref_slice %arg2[%dma_wait3A_513, %dma_wait3A_514] : memref<10000x128xf32, #tpu.memory_space<hbm>> -> memref<10000x128xf32, #tpu.memory_space<hbm>>
        tpu.wait_indirect_dma semaphore(%arg12 : memref<!tpu.dma_semaphore, #tpu.memory_space<semaphore_mem>>) src(%dma_wait3A_515 : memref<10000x128xf32, #tpu.memory_space<hbm>>) dst(%arg9 : memref<128x128xf32, #tpu.memory_space<vmem>>)
        %dma_start3A_516 = arith.constant 0 : i32
        %dma_start3A_517 = tpu.memref_slice %arg6[%mul3A_506, %dma_start3A_516] : memref<16x128xi32, #tpu.memory_space<vmem>> -> memref<1x128xi32, #tpu.memory_space<vmem>>
        %dma_start3A_518 = tpu.memref_squeeze %dma_start3A_517 : memref<1x128xi32, #tpu.memory_space<vmem>> -> memref<128xi32, #tpu.memory_space<vmem>>
        %dma_start3A_519 = arith.constant 0 : i32
        %dma_start3A_520 = arith.constant 0 : i32
        %dma_start3A_521 = tpu.memref_slice %arg11[%dma_start3A_519, %dma_start3A_520] : memref<10240x128xf32, #tpu.memory_space<vmem_shared>> -> memref<10240x128xf32, #tpu.memory_space<vmem_shared>>
        tpu.enqueue_indirect_dma source(%arg9 : memref<128x128xf32, #tpu.memory_space<vmem>>) target(%dma_start3A_521 : memref<10240x128xf32, #tpu.memory_space<vmem_shared>>) offsets(%dma_start3A_518 : memref<128xi32, #tpu.memory_space<vmem>>) semaphore(%arg14 : memref<!tpu.dma_semaphore, #tpu.memory_space<semaphore_mem>>) {add = true}
        %dma_wait3A_522 = arith.constant 1 : i32
        %dma_wait3A_523 = arith.constant 0 : i32
        %dma_wait3A_524 = tpu.memref_slice %arg5[%dma_wait3A_522, %dma_wait3A_523] : memref<16x128xi32, #tpu.memory_space<vmem>> -> memref<1x128xi32, #tpu.memory_space<vmem>>
        %dma_wait3A_525 = tpu.memref_squeeze %dma_wait3A_524 : memref<1x128xi32, #tpu.memory_space<vmem>> -> memref<128xi32, #tpu.memory_space<vmem>>
        %dma_wait3A_526 = arith.constant 0 : i32
        %dma_wait3A_527 = arith.constant 0 : i32
        %dma_wait3A_528 = tpu.memref_slice %arg2[%dma_wait3A_526, %dma_wait3A_527] : memref<10000x128xf32, #tpu.memory_space<hbm>> -> memref<10000x128xf32, #tpu.memory_space<hbm>>
        tpu.wait_indirect_dma semaphore(%arg13 : memref<!tpu.dma_semaphore, #tpu.memory_space<semaphore_mem>>) src(%dma_wait3A_528 : memref<10000x128xf32, #tpu.memory_space<hbm>>) dst(%arg10 : memref<128x128xf32, #tpu.memory_space<vmem>>)
        %dma_wait3A_529 = arith.constant 0 : i32
        %dma_wait3A_530 = arith.constant 0 : i32
        %dma_wait3A_531 = tpu.memref_slice %arg6[%dma_wait3A_529, %dma_wait3A_530] : memref<16x128xi32, #tpu.memory_space<vmem>> -> memref<1x128xi32, #tpu.memory_space<vmem>>
        %dma_wait3A_532 = tpu.memref_squeeze %dma_wait3A_531 : memref<1x128xi32, #tpu.memory_space<vmem>> -> memref<128xi32, #tpu.memory_space<vmem>>
        %dma_wait3A_533 = arith.constant 0 : i32
        %dma_wait3A_534 = arith.constant 0 : i32
        %dma_wait3A_535 = tpu.memref_slice %arg11[%dma_wait3A_533, %dma_wait3A_534] : memref<10240x128xf32, #tpu.memory_space<vmem_shared>> -> memref<10240x128xf32, #tpu.memory_space<vmem_shared>>
        tpu.wait_indirect_dma semaphore(%arg14 : memref<!tpu.dma_semaphore, #tpu.memory_space<semaphore_mem>>) src(%arg9 : memref<128x128xf32, #tpu.memory_space<vmem>>) dst(%dma_wait3A_535 : memref<10240x128xf32, #tpu.memory_space<vmem_shared>>)
        %add3A_536 = arith.constant 2 : i32
        %add3A_537 = arith.addi %mul3A_506, %add3A_536 : i32
        %dma_start3A_538 = arith.constant 0 : i32
        %dma_start3A_539 = tpu.memref_slice %arg5[%add3A_537, %dma_start3A_538] : memref<16x128xi32, #tpu.memory_space<vmem>> -> memref<1x128xi32, #tpu.memory_space<vmem>>
        %dma_start3A_540 = tpu.memref_squeeze %dma_start3A_539 : memref<1x128xi32, #tpu.memory_space<vmem>> -> memref<128xi32, #tpu.memory_space<vmem>>
        %dma_start3A_541 = arith.constant 0 : i32
        %dma_start3A_542 = arith.constant 0 : i32
        %dma_start3A_543 = tpu.memref_slice %arg2[%dma_start3A_541, %dma_start3A_542] : memref<10000x128xf32, #tpu.memory_space<hbm>> -> memref<10000x128xf32, #tpu.memory_space<hbm>>
        tpu.enqueue_indirect_dma source(%dma_start3A_543 : memref<10000x128xf32, #tpu.memory_space<hbm>>) target(%arg9 : memref<128x128xf32, #tpu.memory_space<vmem>>) offsets(%dma_start3A_540 : memref<128xi32, #tpu.memory_space<vmem>>) semaphore(%arg12 : memref<!tpu.dma_semaphore, #tpu.memory_space<semaphore_mem>>)
        %dma_start3A_544 = arith.constant 0 : i32
        %dma_start3A_545 = tpu.memref_slice %arg6[%add3A_508, %dma_start3A_544] : memref<16x128xi32, #tpu.memory_space<vmem>> -> memref<1x128xi32, #tpu.memory_space<vmem>>
        %dma_start3A_546 = tpu.memref_squeeze %dma_start3A_545 : memref<1x128xi32, #tpu.memory_space<vmem>> -> memref<128xi32, #tpu.memory_space<vmem>>
        %dma_start3A_547 = arith.constant 0 : i32
        %dma_start3A_548 = arith.constant 0 : i32
        %dma_start3A_549 = tpu.memref_slice %arg11[%dma_start3A_547, %dma_start3A_548] : memref<10240x128xf32, #tpu.memory_space<vmem_shared>> -> memref<10240x128xf32, #tpu.memory_space<vmem_shared>>
        tpu.enqueue_indirect_dma source(%arg10 : memref<128x128xf32, #tpu.memory_space<vmem>>) target(%dma_start3A_549 : memref<10240x128xf32, #tpu.memory_space<vmem_shared>>) offsets(%dma_start3A_546 : memref<128xi32, #tpu.memory_space<vmem>>) semaphore(%arg15 : memref<!tpu.dma_semaphore, #tpu.memory_space<semaphore_mem>>) {add = true}
        %dma_wait3A_550 = arith.constant 0 : i32
        %dma_wait3A_551 = arith.constant 0 : i32
        %dma_wait3A_552 = tpu.memref_slice %arg6[%dma_wait3A_550, %dma_wait3A_551] : memref<16x128xi32, #tpu.memory_space<vmem>> -> memref<1x128xi32, #tpu.memory_space<vmem>>
        %dma_wait3A_553 = tpu.memref_squeeze %dma_wait3A_552 : memref<1x128xi32, #tpu.memory_space<vmem>> -> memref<128xi32, #tpu.memory_space<vmem>>
        %dma_wait3A_554 = arith.constant 0 : i32
        %dma_wait3A_555 = arith.constant 0 : i32
        %dma_wait3A_556 = tpu.memref_slice %arg11[%dma_wait3A_554, %dma_wait3A_555] : memref<10240x128xf32, #tpu.memory_space<vmem_shared>> -> memref<10240x128xf32, #tpu.memory_space<vmem_shared>>
        tpu.wait_indirect_dma semaphore(%arg15 : memref<!tpu.dma_semaphore, #tpu.memory_space<semaphore_mem>>) src(%arg10 : memref<128x128xf32, #tpu.memory_space<vmem>>) dst(%dma_wait3A_556 : memref<10240x128xf32, #tpu.memory_space<vmem_shared>>)
        %add3A_557 = arith.constant 2 : i32
        %add3A_558 = arith.addi %add3A_508, %add3A_557 : i32
        %dma_start3A_559 = arith.constant 0 : i32
        %dma_start3A_560 = tpu.memref_slice %arg5[%add3A_558, %dma_start3A_559] : memref<16x128xi32, #tpu.memory_space<vmem>> -> memref<1x128xi32, #tpu.memory_space<vmem>>
        %dma_start3A_561 = tpu.memref_squeeze %dma_start3A_560 : memref<1x128xi32, #tpu.memory_space<vmem>> -> memref<128xi32, #tpu.memory_space<vmem>>
        %dma_start3A_562 = arith.constant 0 : i32
        %dma_start3A_563 = arith.constant 0 : i32
        %dma_start3A_564 = tpu.memref_slice %arg2[%dma_start3A_562, %dma_start3A_563] : memref<10000x128xf32, #tpu.memory_space<hbm>> -> memref<10000x128xf32, #tpu.memory_space<hbm>>
        tpu.enqueue_indirect_dma source(%dma_start3A_564 : memref<10000x128xf32, #tpu.memory_space<hbm>>) target(%arg10 : memref<128x128xf32, #tpu.memory_space<vmem>>) offsets(%dma_start3A_561 : memref<128xi32, #tpu.memory_space<vmem>>) semaphore(%arg13 : memref<!tpu.dma_semaphore, #tpu.memory_space<semaphore_mem>>)
      }
      %scan3A_75 = arith.constant 7 : i32
      %dma_wait3A_76 = arith.constant 0 : i32
      %dma_wait3A_77 = arith.constant 0 : i32
      %dma_wait3A_78 = tpu.memref_slice %arg5[%dma_wait3A_76, %dma_wait3A_77] : memref<16x128xi32, #tpu.memory_space<vmem>> -> memref<1x128xi32, #tpu.memory_space<vmem>>
      %dma_wait3A_79 = tpu.memref_squeeze %dma_wait3A_78 : memref<1x128xi32, #tpu.memory_space<vmem>> -> memref<128xi32, #tpu.memory_space<vmem>>
      %dma_wait3A_80 = arith.constant 0 : i32
      %dma_wait3A_81 = arith.constant 0 : i32
      %dma_wait3A_82 = tpu.memref_slice %arg2[%dma_wait3A_80, %dma_wait3A_81] : memref<10000x128xf32, #tpu.memory_space<hbm>> -> memref<10000x128xf32, #tpu.memory_space<hbm>>
      tpu.wait_indirect_dma semaphore(%arg12 : memref<!tpu.dma_semaphore, #tpu.memory_space<semaphore_mem>>) src(%dma_wait3A_82 : memref<10000x128xf32, #tpu.memory_space<hbm>>) dst(%arg9 : memref<128x128xf32, #tpu.memory_space<vmem>>)
      %dma_start3A_83 = arith.constant 14 : i32
      %dma_start3A_84 = arith.constant 0 : i32
      %dma_start3A_85 = tpu.memref_slice %arg6[%dma_start3A_83, %dma_start3A_84] : memref<16x128xi32, #tpu.memory_space<vmem>> -> memref<1x128xi32, #tpu.memory_space<vmem>>
      %dma_start3A_86 = tpu.memref_squeeze %dma_start3A_85 : memref<1x128xi32, #tpu.memory_space<vmem>> -> memref<128xi32, #tpu.memory_space<vmem>>
      %dma_start3A_87 = arith.constant 0 : i32
      %dma_start3A_88 = arith.constant 0 : i32
      %dma_start3A_89 = tpu.memref_slice %arg11[%dma_start3A_87, %dma_start3A_88] : memref<10240x128xf32, #tpu.memory_space<vmem_shared>> -> memref<10240x128xf32, #tpu.memory_space<vmem_shared>>
      tpu.enqueue_indirect_dma source(%arg9 : memref<128x128xf32, #tpu.memory_space<vmem>>) target(%dma_start3A_89 : memref<10240x128xf32, #tpu.memory_space<vmem_shared>>) offsets(%dma_start3A_86 : memref<128xi32, #tpu.memory_space<vmem>>) semaphore(%arg14 : memref<!tpu.dma_semaphore, #tpu.memory_space<semaphore_mem>>) {add = true}
      %dma_wait3A_90 = arith.constant 1 : i32
      %dma_wait3A_91 = arith.constant 0 : i32
      %dma_wait3A_92 = tpu.memref_slice %arg5[%dma_wait3A_90, %dma_wait3A_91] : memref<16x128xi32, #tpu.memory_space<vmem>> -> memref<1x128xi32, #tpu.memory_space<vmem>>
      %dma_wait3A_93 = tpu.memref_squeeze %dma_wait3A_92 : memref<1x128xi32, #tpu.memory_space<vmem>> -> memref<128xi32, #tpu.memory_space<vmem>>
      %dma_wait3A_94 = arith.constant 0 : i32
      %dma_wait3A_95 = arith.constant 0 : i32
      %dma_wait3A_96 = tpu.memref_slice %arg2[%dma_wait3A_94, %dma_wait3A_95] : memref<10000x128xf32, #tpu.memory_space<hbm>> -> memref<10000x128xf32, #tpu.memory_space<hbm>>
      tpu.wait_indirect_dma semaphore(%arg13 : memref<!tpu.dma_semaphore, #tpu.memory_space<semaphore_mem>>) src(%dma_wait3A_96 : memref<10000x128xf32, #tpu.memory_space<hbm>>) dst(%arg10 : memref<128x128xf32, #tpu.memory_space<vmem>>)
      %dma_wait3A_97 = arith.constant 0 : i32
      %dma_wait3A_98 = arith.constant 0 : i32
      %dma_wait3A_99 = tpu.memref_slice %arg6[%dma_wait3A_97, %dma_wait3A_98] : memref<16x128xi32, #tpu.memory_space<vmem>> -> memref<1x128xi32, #tpu.memory_space<vmem>>
      %dma_wait3A_100 = tpu.memref_squeeze %dma_wait3A_99 : memref<1x128xi32, #tpu.memory_space<vmem>> -> memref<128xi32, #tpu.memory_space<vmem>>
      %dma_wait3A_101 = arith.constant 0 : i32
      %dma_wait3A_102 = arith.constant 0 : i32
      %dma_wait3A_103 = tpu.memref_slice %arg11[%dma_wait3A_101, %dma_wait3A_102] : memref<10240x128xf32, #tpu.memory_space<vmem_shared>> -> memref<10240x128xf32, #tpu.memory_space<vmem_shared>>
      tpu.wait_indirect_dma semaphore(%arg14 : memref<!tpu.dma_semaphore, #tpu.memory_space<semaphore_mem>>) src(%arg9 : memref<128x128xf32, #tpu.memory_space<vmem>>) dst(%dma_wait3A_103 : memref<10240x128xf32, #tpu.memory_space<vmem_shared>>)
      %dma_wait3A_104 = arith.constant 0 : i32
      %dma_wait3A_105 = arith.constant 0 : i32
      %dma_wait3A_106 = arith.constant 0 : i32
      %dma_wait3A_107 = tpu.memref_slice %arg3[%dma_wait3A_104, %dma_wait3A_105, %dma_wait3A_106] : memref<2x2500x128xi32, #tpu.memory_space<hbm>> -> memref<1x16x128xi32, #tpu.memory_space<hbm>>
      %dma_wait3A_108 = tpu.memref_squeeze %dma_wait3A_107 : memref<1x16x128xi32, #tpu.memory_space<hbm>> -> memref<16x128xi32, #tpu.memory_space<hbm>>
      %dma_wait3A_109 = arith.constant 0 : i32
      %dma_wait3A_110 = arith.constant 0 : i32
      %dma_wait3A_111 = tpu.memref_slice %arg3[%dma_wait3A_104, %dma_wait3A_109, %dma_wait3A_110] : memref<2x2500x128xi32, #tpu.memory_space<hbm>> -> memref<1x16x128xi32, #tpu.memory_space<hbm>>
      %dma_wait3A_112 = tpu.memref_squeeze %dma_wait3A_111 : memref<1x16x128xi32, #tpu.memory_space<hbm>> -> memref<16x128xi32, #tpu.memory_space<hbm>>
      tpu.wait_dma2 semaphore(%arg17 : memref<!tpu.dma_semaphore, #tpu.memory_space<semaphore_mem>>) src(%dma_wait3A_112 : memref<16x128xi32, #tpu.memory_space<hbm>>) dst(%arg7 : memref<16x128xi32, #tpu.memory_space<vmem>>)
      %dma_wait3A_113 = arith.constant 1 : i32
      %dma_wait3A_114 = arith.constant 0 : i32
      %dma_wait3A_115 = arith.constant 0 : i32
      %dma_wait3A_116 = tpu.memref_slice %arg3[%dma_wait3A_113, %dma_wait3A_114, %dma_wait3A_115] : memref<2x2500x128xi32, #tpu.memory_space<hbm>> -> memref<1x16x128xi32, #tpu.memory_space<hbm>>
      %dma_wait3A_117 = tpu.memref_squeeze %dma_wait3A_116 : memref<1x16x128xi32, #tpu.memory_space<hbm>> -> memref<16x128xi32, #tpu.memory_space<hbm>>
      %dma_wait3A_118 = arith.constant 0 : i32
      %dma_wait3A_119 = arith.constant 0 : i32
      %dma_wait3A_120 = tpu.memref_slice %arg3[%dma_wait3A_113, %dma_wait3A_118, %dma_wait3A_119] : memref<2x2500x128xi32, #tpu.memory_space<hbm>> -> memref<1x16x128xi32, #tpu.memory_space<hbm>>
      %dma_wait3A_121 = tpu.memref_squeeze %dma_wait3A_120 : memref<1x16x128xi32, #tpu.memory_space<hbm>> -> memref<16x128xi32, #tpu.memory_space<hbm>>
      tpu.wait_dma2 semaphore(%arg17 : memref<!tpu.dma_semaphore, #tpu.memory_space<semaphore_mem>>) src(%dma_wait3A_121 : memref<16x128xi32, #tpu.memory_space<hbm>>) dst(%arg8 : memref<16x128xi32, #tpu.memory_space<vmem>>)
      %dma_start3A_122 = arith.constant 0 : i32
      %dma_start3A_123 = arith.constant 0 : i32
      %dma_start3A_124 = tpu.memref_slice %arg7[%dma_start3A_122, %dma_start3A_123] : memref<16x128xi32, #tpu.memory_space<vmem>> -> memref<1x128xi32, #tpu.memory_space<vmem>>
      %dma_start3A_125 = tpu.memref_squeeze %dma_start3A_124 : memref<1x128xi32, #tpu.memory_space<vmem>> -> memref<128xi32, #tpu.memory_space<vmem>>
      %dma_start3A_126 = arith.constant 0 : i32
      %dma_start3A_127 = arith.constant 0 : i32
      %dma_start3A_128 = tpu.memref_slice %arg2[%dma_start3A_126, %dma_start3A_127] : memref<10000x128xf32, #tpu.memory_space<hbm>> -> memref<10000x128xf32, #tpu.memory_space<hbm>>
      tpu.enqueue_indirect_dma source(%dma_start3A_128 : memref<10000x128xf32, #tpu.memory_space<hbm>>) target(%arg9 : memref<128x128xf32, #tpu.memory_space<vmem>>) offsets(%dma_start3A_125 : memref<128xi32, #tpu.memory_space<vmem>>) semaphore(%arg12 : memref<!tpu.dma_semaphore, #tpu.memory_space<semaphore_mem>>)
      %dma_start3A_129 = arith.constant 15 : i32
      %dma_start3A_130 = arith.constant 0 : i32
      %dma_start3A_131 = tpu.memref_slice %arg6[%dma_start3A_129, %dma_start3A_130] : memref<16x128xi32, #tpu.memory_space<vmem>> -> memref<1x128xi32, #tpu.memory_space<vmem>>
      %dma_start3A_132 = tpu.memref_squeeze %dma_start3A_131 : memref<1x128xi32, #tpu.memory_space<vmem>> -> memref<128xi32, #tpu.memory_space<vmem>>
      %dma_start3A_133 = arith.constant 0 : i32
      %dma_start3A_134 = arith.constant 0 : i32
      %dma_start3A_135 = tpu.memref_slice %arg11[%dma_start3A_133, %dma_start3A_134] : memref<10240x128xf32, #tpu.memory_space<vmem_shared>> -> memref<10240x128xf32, #tpu.memory_space<vmem_shared>>
      tpu.enqueue_indirect_dma source(%arg10 : memref<128x128xf32, #tpu.memory_space<vmem>>) target(%dma_start3A_135 : memref<10240x128xf32, #tpu.memory_space<vmem_shared>>) offsets(%dma_start3A_132 : memref<128xi32, #tpu.memory_space<vmem>>) semaphore(%arg15 : memref<!tpu.dma_semaphore, #tpu.memory_space<semaphore_mem>>) {add = true}
      %dma_wait3A_136 = arith.constant 0 : i32
      %dma_wait3A_137 = arith.constant 0 : i32
      %dma_wait3A_138 = tpu.memref_slice %arg6[%dma_wait3A_136, %dma_wait3A_137] : memref<16x128xi32, #tpu.memory_space<vmem>> -> memref<1x128xi32, #tpu.memory_space<vmem>>
      %dma_wait3A_139 = tpu.memref_squeeze %dma_wait3A_138 : memref<1x128xi32, #tpu.memory_space<vmem>> -> memref<128xi32, #tpu.memory_space<vmem>>
      %dma_wait3A_140 = arith.constant 0 : i32
      %dma_wait3A_141 = arith.constant 0 : i32
      %dma_wait3A_142 = tpu.memref_slice %arg11[%dma_wait3A_140, %dma_wait3A_141] : memref<10240x128xf32, #tpu.memory_space<vmem_shared>> -> memref<10240x128xf32, #tpu.memory_space<vmem_shared>>
      tpu.wait_indirect_dma semaphore(%arg15 : memref<!tpu.dma_semaphore, #tpu.memory_space<semaphore_mem>>) src(%arg10 : memref<128x128xf32, #tpu.memory_space<vmem>>) dst(%dma_wait3A_142 : memref<10240x128xf32, #tpu.memory_space<vmem_shared>>)
      %dma_start3A_143 = arith.constant 1 : i32
      %dma_start3A_144 = arith.constant 0 : i32
      %dma_start3A_145 = tpu.memref_slice %arg7[%dma_start3A_143, %dma_start3A_144] : memref<16x128xi32, #tpu.memory_space<vmem>> -> memref<1x128xi32, #tpu.memory_space<vmem>>
      %dma_start3A_146 = tpu.memref_squeeze %dma_start3A_145 : memref<1x128xi32, #tpu.memory_space<vmem>> -> memref<128xi32, #tpu.memory_space<vmem>>
      %dma_start3A_147 = arith.constant 0 : i32
      %dma_start3A_148 = arith.constant 0 : i32
      %dma_start3A_149 = tpu.memref_slice %arg2[%dma_start3A_147, %dma_start3A_148] : memref<10000x128xf32, #tpu.memory_space<hbm>> -> memref<10000x128xf32, #tpu.memory_space<hbm>>
      tpu.enqueue_indirect_dma source(%dma_start3A_149 : memref<10000x128xf32, #tpu.memory_space<hbm>>) target(%arg10 : memref<128x128xf32, #tpu.memory_space<vmem>>) offsets(%dma_start3A_146 : memref<128xi32, #tpu.memory_space<vmem>>) semaphore(%arg13 : memref<!tpu.dma_semaphore, #tpu.memory_space<semaphore_mem>>)
      %mul3A_150 = arith.constant 80 : i32
      %mul3A_151 = arith.muli %add3A, %mul3A_150 : i32
      %add3A_152 = arith.constant 32 : i32
      %add3A_153 = arith.addi %mul3A_151, %add3A_152 : i32
      %dma_start3A_154 = arith.constant 0 : i32
      %dma_start3A_155 = arith.constant 0 : i32
      %dma_start3A_156 = tpu.memref_slice %arg3[%dma_start3A_154, %add3A_153, %dma_start3A_155] : memref<2x2500x128xi32, #tpu.memory_space<hbm>> -> memref<1x16x128xi32, #tpu.memory_space<hbm>>
      %dma_start3A_157 = tpu.memref_squeeze %dma_start3A_156 : memref<1x16x128xi32, #tpu.memory_space<hbm>> -> memref<16x128xi32, #tpu.memory_space<hbm>>
      %dma_start3A_158 = arith.constant 0 : i32
      %dma_start3A_159 = tpu.memref_slice %arg3[%dma_start3A_154, %add3A_153, %dma_start3A_158] : memref<2x2500x128xi32, #tpu.memory_space<hbm>> -> memref<1x16x128xi32, #tpu.memory_space<hbm>>
      %dma_start3A_160 = tpu.memref_squeeze %dma_start3A_159 : memref<1x16x128xi32, #tpu.memory_space<hbm>> -> memref<16x128xi32, #tpu.memory_space<hbm>>
      tpu.enqueue_dma source(%dma_start3A_160 : memref<16x128xi32, #tpu.memory_space<hbm>>) target(%arg5 : memref<16x128xi32, #tpu.memory_space<vmem>>) target_semaphore(%arg16 : memref<!tpu.dma_semaphore, #tpu.memory_space<semaphore_mem>>)
      %mul3A_161 = arith.constant 80 : i32
      %mul3A_162 = arith.muli %add3A, %mul3A_161 : i32
      %add3A_163 = arith.constant 32 : i32
      %add3A_164 = arith.addi %mul3A_162, %add3A_163 : i32
      %dma_start3A_165 = arith.constant 1 : i32
      %dma_start3A_166 = arith.constant 0 : i32
      %dma_start3A_167 = tpu.memref_slice %arg3[%dma_start3A_165, %add3A_164, %dma_start3A_166] : memref<2x2500x128xi32, #tpu.memory_space<hbm>> -> memref<1x16x128xi32, #tpu.memory_space<hbm>>
      %dma_start3A_168 = tpu.memref_squeeze %dma_start3A_167 : memref<1x16x128xi32, #tpu.memory_space<hbm>> -> memref<16x128xi32, #tpu.memory_space<hbm>>
      %dma_start3A_169 = arith.constant 0 : i32
      %dma_start3A_170 = tpu.memref_slice %arg3[%dma_start3A_165, %add3A_164, %dma_start3A_169] : memref<2x2500x128xi32, #tpu.memory_space<hbm>> -> memref<1x16x128xi32, #tpu.memory_space<hbm>>
      %dma_start3A_171 = tpu.memref_squeeze %dma_start3A_170 : memref<1x16x128xi32, #tpu.memory_space<hbm>> -> memref<16x128xi32, #tpu.memory_space<hbm>>
      tpu.enqueue_dma source(%dma_start3A_171 : memref<16x128xi32, #tpu.memory_space<hbm>>) target(%arg6 : memref<16x128xi32, #tpu.memory_space<vmem>>) target_semaphore(%arg16 : memref<!tpu.dma_semaphore, #tpu.memory_space<semaphore_mem>>)
      %scan3A_172 = arith.constant 0 : i32
      %scan3A_173 = arith.constant 7 : i32
      %scan3A_174 = arith.addi %scan3A_172, %scan3A_173 : i32
      %scan3A_175 = arith.constant 1 : i32
      scf.for %scan3A_500 = %scan3A_172 to %scan3A_174 step %scan3A_175  : i32 {
        %mul3A_501 = arith.constant 1 : i32
        %mul3A_502 = arith.muli %scan3A_500, %mul3A_501 : i32
        %add3A_503 = arith.constant 0 : i32
        %add3A_504 = arith.addi %add3A_503, %mul3A_502 : i32
        %mul3A_505 = arith.constant 2 : i32
        %mul3A_506 = arith.muli %mul3A_505, %add3A_504 : i32
        %add3A_507 = arith.constant 1 : i32
        %add3A_508 = arith.addi %mul3A_506, %add3A_507 : i32
        %dma_wait3A_509 = arith.constant 0 : i32
        %dma_wait3A_510 = arith.constant 0 : i32
        %dma_wait3A_511 = tpu.memref_slice %arg7[%dma_wait3A_509, %dma_wait3A_510] : memref<16x128xi32, #tpu.memory_space<vmem>> -> memref<1x128xi32, #tpu.memory_space<vmem>>
        %dma_wait3A_512 = tpu.memref_squeeze %dma_wait3A_511 : memref<1x128xi32, #tpu.memory_space<vmem>> -> memref<128xi32, #tpu.memory_space<vmem>>
        %dma_wait3A_513 = arith.constant 0 : i32
        %dma_wait3A_514 = arith.constant 0 : i32
        %dma_wait3A_515 = tpu.memref_slice %arg2[%dma_wait3A_513, %dma_wait3A_514] : memref<10000x128xf32, #tpu.memory_space<hbm>> -> memref<10000x128xf32, #tpu.memory_space<hbm>>
        tpu.wait_indirect_dma semaphore(%arg12 : memref<!tpu.dma_semaphore, #tpu.memory_space<semaphore_mem>>) src(%dma_wait3A_515 : memref<10000x128xf32, #tpu.memory_space<hbm>>) dst(%arg9 : memref<128x128xf32, #tpu.memory_space<vmem>>)
        %dma_start3A_516 = arith.constant 0 : i32
        %dma_start3A_517 = tpu.memref_slice %arg8[%mul3A_506, %dma_start3A_516] : memref<16x128xi32, #tpu.memory_space<vmem>> -> memref<1x128xi32, #tpu.memory_space<vmem>>
        %dma_start3A_518 = tpu.memref_squeeze %dma_start3A_517 : memref<1x128xi32, #tpu.memory_space<vmem>> -> memref<128xi32, #tpu.memory_space<vmem>>
        %dma_start3A_519 = arith.constant 0 : i32
        %dma_start3A_520 = arith.constant 0 : i32
        %dma_start3A_521 = tpu.memref_slice %arg11[%dma_start3A_519, %dma_start3A_520] : memref<10240x128xf32, #tpu.memory_space<vmem_shared>> -> memref<10240x128xf32, #tpu.memory_space<vmem_shared>>
        tpu.enqueue_indirect_dma source(%arg9 : memref<128x128xf32, #tpu.memory_space<vmem>>) target(%dma_start3A_521 : memref<10240x128xf32, #tpu.memory_space<vmem_shared>>) offsets(%dma_start3A_518 : memref<128xi32, #tpu.memory_space<vmem>>) semaphore(%arg14 : memref<!tpu.dma_semaphore, #tpu.memory_space<semaphore_mem>>) {add = true}
        %dma_wait3A_522 = arith.constant 1 : i32
        %dma_wait3A_523 = arith.constant 0 : i32
        %dma_wait3A_524 = tpu.memref_slice %arg7[%dma_wait3A_522, %dma_wait3A_523] : memref<16x128xi32, #tpu.memory_space<vmem>> -> memref<1x128xi32, #tpu.memory_space<vmem>>
        %dma_wait3A_525 = tpu.memref_squeeze %dma_wait3A_524 : memref<1x128xi32, #tpu.memory_space<vmem>> -> memref<128xi32, #tpu.memory_space<vmem>>
        %dma_wait3A_526 = arith.constant 0 : i32
        %dma_wait3A_527 = arith.constant 0 : i32
        %dma_wait3A_528 = tpu.memref_slice %arg2[%dma_wait3A_526, %dma_wait3A_527] : memref<10000x128xf32, #tpu.memory_space<hbm>> -> memref<10000x128xf32, #tpu.memory_space<hbm>>
        tpu.wait_indirect_dma semaphore(%arg13 : memref<!tpu.dma_semaphore, #tpu.memory_space<semaphore_mem>>) src(%dma_wait3A_528 : memref<10000x128xf32, #tpu.memory_space<hbm>>) dst(%arg10 : memref<128x128xf32, #tpu.memory_space<vmem>>)
        %dma_wait3A_529 = arith.constant 0 : i32
        %dma_wait3A_530 = arith.constant 0 : i32
        %dma_wait3A_531 = tpu.memref_slice %arg8[%dma_wait3A_529, %dma_wait3A_530] : memref<16x128xi32, #tpu.memory_space<vmem>> -> memref<1x128xi32, #tpu.memory_space<vmem>>
        %dma_wait3A_532 = tpu.memref_squeeze %dma_wait3A_531 : memref<1x128xi32, #tpu.memory_space<vmem>> -> memref<128xi32, #tpu.memory_space<vmem>>
        %dma_wait3A_533 = arith.constant 0 : i32
        %dma_wait3A_534 = arith.constant 0 : i32
        %dma_wait3A_535 = tpu.memref_slice %arg11[%dma_wait3A_533, %dma_wait3A_534] : memref<10240x128xf32, #tpu.memory_space<vmem_shared>> -> memref<10240x128xf32, #tpu.memory_space<vmem_shared>>
        tpu.wait_indirect_dma semaphore(%arg14 : memref<!tpu.dma_semaphore, #tpu.memory_space<semaphore_mem>>) src(%arg9 : memref<128x128xf32, #tpu.memory_space<vmem>>) dst(%dma_wait3A_535 : memref<10240x128xf32, #tpu.memory_space<vmem_shared>>)
        %add3A_536 = arith.constant 2 : i32
        %add3A_537 = arith.addi %mul3A_506, %add3A_536 : i32
        %dma_start3A_538 = arith.constant 0 : i32
        %dma_start3A_539 = tpu.memref_slice %arg7[%add3A_537, %dma_start3A_538] : memref<16x128xi32, #tpu.memory_space<vmem>> -> memref<1x128xi32, #tpu.memory_space<vmem>>
        %dma_start3A_540 = tpu.memref_squeeze %dma_start3A_539 : memref<1x128xi32, #tpu.memory_space<vmem>> -> memref<128xi32, #tpu.memory_space<vmem>>
        %dma_start3A_541 = arith.constant 0 : i32
        %dma_start3A_542 = arith.constant 0 : i32
        %dma_start3A_543 = tpu.memref_slice %arg2[%dma_start3A_541, %dma_start3A_542] : memref<10000x128xf32, #tpu.memory_space<hbm>> -> memref<10000x128xf32, #tpu.memory_space<hbm>>
        tpu.enqueue_indirect_dma source(%dma_start3A_543 : memref<10000x128xf32, #tpu.memory_space<hbm>>) target(%arg9 : memref<128x128xf32, #tpu.memory_space<vmem>>) offsets(%dma_start3A_540 : memref<128xi32, #tpu.memory_space<vmem>>) semaphore(%arg12 : memref<!tpu.dma_semaphore, #tpu.memory_space<semaphore_mem>>)
        %dma_start3A_544 = arith.constant 0 : i32
        %dma_start3A_545 = tpu.memref_slice %arg8[%add3A_508, %dma_start3A_544] : memref<16x128xi32, #tpu.memory_space<vmem>> -> memref<1x128xi32, #tpu.memory_space<vmem>>
        %dma_start3A_546 = tpu.memref_squeeze %dma_start3A_545 : memref<1x128xi32, #tpu.memory_space<vmem>> -> memref<128xi32, #tpu.memory_space<vmem>>
        %dma_start3A_547 = arith.constant 0 : i32
        %dma_start3A_548 = arith.constant 0 : i32
        %dma_start3A_549 = tpu.memref_slice %arg11[%dma_start3A_547, %dma_start3A_548] : memref<10240x128xf32, #tpu.memory_space<vmem_shared>> -> memref<10240x128xf32, #tpu.memory_space<vmem_shared>>
        tpu.enqueue_indirect_dma source(%arg10 : memref<128x128xf32, #tpu.memory_space<vmem>>) target(%dma_start3A_549 : memref<10240x128xf32, #tpu.memory_space<vmem_shared>>) offsets(%dma_start3A_546 : memref<128xi32, #tpu.memory_space<vmem>>) semaphore(%arg15 : memref<!tpu.dma_semaphore, #tpu.memory_space<semaphore_mem>>) {add = true}
        %dma_wait3A_550 = arith.constant 0 : i32
        %dma_wait3A_551 = arith.constant 0 : i32
        %dma_wait3A_552 = tpu.memref_slice %arg8[%dma_wait3A_550, %dma_wait3A_551] : memref<16x128xi32, #tpu.memory_space<vmem>> -> memref<1x128xi32, #tpu.memory_space<vmem>>
        %dma_wait3A_553 = tpu.memref_squeeze %dma_wait3A_552 : memref<1x128xi32, #tpu.memory_space<vmem>> -> memref<128xi32, #tpu.memory_space<vmem>>
        %dma_wait3A_554 = arith.constant 0 : i32
        %dma_wait3A_555 = arith.constant 0 : i32
        %dma_wait3A_556 = tpu.memref_slice %arg11[%dma_wait3A_554, %dma_wait3A_555] : memref<10240x128xf32, #tpu.memory_space<vmem_shared>> -> memref<10240x128xf32, #tpu.memory_space<vmem_shared>>
        tpu.wait_indirect_dma semaphore(%arg15 : memref<!tpu.dma_semaphore, #tpu.memory_space<semaphore_mem>>) src(%arg10 : memref<128x128xf32, #tpu.memory_space<vmem>>) dst(%dma_wait3A_556 : memref<10240x128xf32, #tpu.memory_space<vmem_shared>>)
        %add3A_557 = arith.constant 2 : i32
        %add3A_558 = arith.addi %add3A_508, %add3A_557 : i32
        %dma_start3A_559 = arith.constant 0 : i32
        %dma_start3A_560 = tpu.memref_slice %arg7[%add3A_558, %dma_start3A_559] : memref<16x128xi32, #tpu.memory_space<vmem>> -> memref<1x128xi32, #tpu.memory_space<vmem>>
        %dma_start3A_561 = tpu.memref_squeeze %dma_start3A_560 : memref<1x128xi32, #tpu.memory_space<vmem>> -> memref<128xi32, #tpu.memory_space<vmem>>
        %dma_start3A_562 = arith.constant 0 : i32
        %dma_start3A_563 = arith.constant 0 : i32
        %dma_start3A_564 = tpu.memref_slice %arg2[%dma_start3A_562, %dma_start3A_563] : memref<10000x128xf32, #tpu.memory_space<hbm>> -> memref<10000x128xf32, #tpu.memory_space<hbm>>
        tpu.enqueue_indirect_dma source(%dma_start3A_564 : memref<10000x128xf32, #tpu.memory_space<hbm>>) target(%arg10 : memref<128x128xf32, #tpu.memory_space<vmem>>) offsets(%dma_start3A_561 : memref<128xi32, #tpu.memory_space<vmem>>) semaphore(%arg13 : memref<!tpu.dma_semaphore, #tpu.memory_space<semaphore_mem>>)
      }
      %scan3A_176 = arith.constant 7 : i32
      %dma_wait3A_177 = arith.constant 0 : i32
      %dma_wait3A_178 = arith.constant 0 : i32
      %dma_wait3A_179 = tpu.memref_slice %arg7[%dma_wait3A_177, %dma_wait3A_178] : memref<16x128xi32, #tpu.memory_space<vmem>> -> memref<1x128xi32, #tpu.memory_space<vmem>>
      %dma_wait3A_180 = tpu.memref_squeeze %dma_wait3A_179 : memref<1x128xi32, #tpu.memory_space<vmem>> -> memref<128xi32, #tpu.memory_space<vmem>>
      %dma_wait3A_181 = arith.constant 0 : i32
      %dma_wait3A_182 = arith.constant 0 : i32
      %dma_wait3A_183 = tpu.memref_slice %arg2[%dma_wait3A_181, %dma_wait3A_182] : memref<10000x128xf32, #tpu.memory_space<hbm>> -> memref<10000x128xf32, #tpu.memory_space<hbm>>
      tpu.wait_indirect_dma semaphore(%arg12 : memref<!tpu.dma_semaphore, #tpu.memory_space<semaphore_mem>>) src(%dma_wait3A_183 : memref<10000x128xf32, #tpu.memory_space<hbm>>) dst(%arg9 : memref<128x128xf32, #tpu.memory_space<vmem>>)
      %dma_start3A_184 = arith.constant 14 : i32
      %dma_start3A_185 = arith.constant 0 : i32
      %dma_start3A_186 = tpu.memref_slice %arg8[%dma_start3A_184, %dma_start3A_185] : memref<16x128xi32, #tpu.memory_space<vmem>> -> memref<1x128xi32, #tpu.memory_space<vmem>>
      %dma_start3A_187 = tpu.memref_squeeze %dma_start3A_186 : memref<1x128xi32, #tpu.memory_space<vmem>> -> memref<128xi32, #tpu.memory_space<vmem>>
      %dma_start3A_188 = arith.constant 0 : i32
      %dma_start3A_189 = arith.constant 0 : i32
      %dma_start3A_190 = tpu.memref_slice %arg11[%dma_start3A_188, %dma_start3A_189] : memref<10240x128xf32, #tpu.memory_space<vmem_shared>> -> memref<10240x128xf32, #tpu.memory_space<vmem_shared>>
      tpu.enqueue_indirect_dma source(%arg9 : memref<128x128xf32, #tpu.memory_space<vmem>>) target(%dma_start3A_190 : memref<10240x128xf32, #tpu.memory_space<vmem_shared>>) offsets(%dma_start3A_187 : memref<128xi32, #tpu.memory_space<vmem>>) semaphore(%arg14 : memref<!tpu.dma_semaphore, #tpu.memory_space<semaphore_mem>>) {add = true}
      %dma_wait3A_191 = arith.constant 1 : i32
      %dma_wait3A_192 = arith.constant 0 : i32
      %dma_wait3A_193 = tpu.memref_slice %arg7[%dma_wait3A_191, %dma_wait3A_192] : memref<16x128xi32, #tpu.memory_space<vmem>> -> memref<1x128xi32, #tpu.memory_space<vmem>>
      %dma_wait3A_194 = tpu.memref_squeeze %dma_wait3A_193 : memref<1x128xi32, #tpu.memory_space<vmem>> -> memref<128xi32, #tpu.memory_space<vmem>>
      %dma_wait3A_195 = arith.constant 0 : i32
      %dma_wait3A_196 = arith.constant 0 : i32
      %dma_wait3A_197 = tpu.memref_slice %arg2[%dma_wait3A_195, %dma_wait3A_196] : memref<10000x128xf32, #tpu.memory_space<hbm>> -> memref<10000x128xf32, #tpu.memory_space<hbm>>
      tpu.wait_indirect_dma semaphore(%arg13 : memref<!tpu.dma_semaphore, #tpu.memory_space<semaphore_mem>>) src(%dma_wait3A_197 : memref<10000x128xf32, #tpu.memory_space<hbm>>) dst(%arg10 : memref<128x128xf32, #tpu.memory_space<vmem>>)
      %dma_wait3A_198 = arith.constant 0 : i32
      %dma_wait3A_199 = arith.constant 0 : i32
      %dma_wait3A_200 = tpu.memref_slice %arg8[%dma_wait3A_198, %dma_wait3A_199] : memref<16x128xi32, #tpu.memory_space<vmem>> -> memref<1x128xi32, #tpu.memory_space<vmem>>
      %dma_wait3A_201 = tpu.memref_squeeze %dma_wait3A_200 : memref<1x128xi32, #tpu.memory_space<vmem>> -> memref<128xi32, #tpu.memory_space<vmem>>
      %dma_wait3A_202 = arith.constant 0 : i32
      %dma_wait3A_203 = arith.constant 0 : i32
      %dma_wait3A_204 = tpu.memref_slice %arg11[%dma_wait3A_202, %dma_wait3A_203] : memref<10240x128xf32, #tpu.memory_space<vmem_shared>> -> memref<10240x128xf32, #tpu.memory_space<vmem_shared>>
      tpu.wait_indirect_dma semaphore(%arg14 : memref<!tpu.dma_semaphore, #tpu.memory_space<semaphore_mem>>) src(%arg9 : memref<128x128xf32, #tpu.memory_space<vmem>>) dst(%dma_wait3A_204 : memref<10240x128xf32, #tpu.memory_space<vmem_shared>>)
      %dma_wait3A_205 = arith.constant 0 : i32
      %dma_wait3A_206 = arith.constant 0 : i32
      %dma_wait3A_207 = arith.constant 0 : i32
      %dma_wait3A_208 = tpu.memref_slice %arg3[%dma_wait3A_205, %dma_wait3A_206, %dma_wait3A_207] : memref<2x2500x128xi32, #tpu.memory_space<hbm>> -> memref<1x16x128xi32, #tpu.memory_space<hbm>>
      %dma_wait3A_209 = tpu.memref_squeeze %dma_wait3A_208 : memref<1x16x128xi32, #tpu.memory_space<hbm>> -> memref<16x128xi32, #tpu.memory_space<hbm>>
      %dma_wait3A_210 = arith.constant 0 : i32
      %dma_wait3A_211 = arith.constant 0 : i32
      %dma_wait3A_212 = tpu.memref_slice %arg3[%dma_wait3A_205, %dma_wait3A_210, %dma_wait3A_211] : memref<2x2500x128xi32, #tpu.memory_space<hbm>> -> memref<1x16x128xi32, #tpu.memory_space<hbm>>
      %dma_wait3A_213 = tpu.memref_squeeze %dma_wait3A_212 : memref<1x16x128xi32, #tpu.memory_space<hbm>> -> memref<16x128xi32, #tpu.memory_space<hbm>>
      tpu.wait_dma2 semaphore(%arg16 : memref<!tpu.dma_semaphore, #tpu.memory_space<semaphore_mem>>) src(%dma_wait3A_213 : memref<16x128xi32, #tpu.memory_space<hbm>>) dst(%arg5 : memref<16x128xi32, #tpu.memory_space<vmem>>)
      %dma_wait3A_214 = arith.constant 1 : i32
      %dma_wait3A_215 = arith.constant 0 : i32
      %dma_wait3A_216 = arith.constant 0 : i32
      %dma_wait3A_217 = tpu.memref_slice %arg3[%dma_wait3A_214, %dma_wait3A_215, %dma_wait3A_216] : memref<2x2500x128xi32, #tpu.memory_space<hbm>> -> memref<1x16x128xi32, #tpu.memory_space<hbm>>
      %dma_wait3A_218 = tpu.memref_squeeze %dma_wait3A_217 : memref<1x16x128xi32, #tpu.memory_space<hbm>> -> memref<16x128xi32, #tpu.memory_space<hbm>>
      %dma_wait3A_219 = arith.constant 0 : i32
      %dma_wait3A_220 = arith.constant 0 : i32
      %dma_wait3A_221 = tpu.memref_slice %arg3[%dma_wait3A_214, %dma_wait3A_219, %dma_wait3A_220] : memref<2x2500x128xi32, #tpu.memory_space<hbm>> -> memref<1x16x128xi32, #tpu.memory_space<hbm>>
      %dma_wait3A_222 = tpu.memref_squeeze %dma_wait3A_221 : memref<1x16x128xi32, #tpu.memory_space<hbm>> -> memref<16x128xi32, #tpu.memory_space<hbm>>
      tpu.wait_dma2 semaphore(%arg16 : memref<!tpu.dma_semaphore, #tpu.memory_space<semaphore_mem>>) src(%dma_wait3A_222 : memref<16x128xi32, #tpu.memory_space<hbm>>) dst(%arg6 : memref<16x128xi32, #tpu.memory_space<vmem>>)
      %dma_start3A_223 = arith.constant 0 : i32
      %dma_start3A_224 = arith.constant 0 : i32
      %dma_start3A_225 = tpu.memref_slice %arg5[%dma_start3A_223, %dma_start3A_224] : memref<16x128xi32, #tpu.memory_space<vmem>> -> memref<1x128xi32, #tpu.memory_space<vmem>>
      %dma_start3A_226 = tpu.memref_squeeze %dma_start3A_225 : memref<1x128xi32, #tpu.memory_space<vmem>> -> memref<128xi32, #tpu.memory_space<vmem>>
      %dma_start3A_227 = arith.constant 0 : i32
      %dma_start3A_228 = arith.constant 0 : i32
      %dma_start3A_229 = tpu.memref_slice %arg2[%dma_start3A_227, %dma_start3A_228] : memref<10000x128xf32, #tpu.memory_space<hbm>> -> memref<10000x128xf32, #tpu.memory_space<hbm>>
      tpu.enqueue_indirect_dma source(%dma_start3A_229 : memref<10000x128xf32, #tpu.memory_space<hbm>>) target(%arg9 : memref<128x128xf32, #tpu.memory_space<vmem>>) offsets(%dma_start3A_226 : memref<128xi32, #tpu.memory_space<vmem>>) semaphore(%arg12 : memref<!tpu.dma_semaphore, #tpu.memory_space<semaphore_mem>>)
      %dma_start3A_230 = arith.constant 15 : i32
      %dma_start3A_231 = arith.constant 0 : i32
      %dma_start3A_232 = tpu.memref_slice %arg8[%dma_start3A_230, %dma_start3A_231] : memref<16x128xi32, #tpu.memory_space<vmem>> -> memref<1x128xi32, #tpu.memory_space<vmem>>
      %dma_start3A_233 = tpu.memref_squeeze %dma_start3A_232 : memref<1x128xi32, #tpu.memory_space<vmem>> -> memref<128xi32, #tpu.memory_space<vmem>>
      %dma_start3A_234 = arith.constant 0 : i32
      %dma_start3A_235 = arith.constant 0 : i32
      %dma_start3A_236 = tpu.memref_slice %arg11[%dma_start3A_234, %dma_start3A_235] : memref<10240x128xf32, #tpu.memory_space<vmem_shared>> -> memref<10240x128xf32, #tpu.memory_space<vmem_shared>>
      tpu.enqueue_indirect_dma source(%arg10 : memref<128x128xf32, #tpu.memory_space<vmem>>) target(%dma_start3A_236 : memref<10240x128xf32, #tpu.memory_space<vmem_shared>>) offsets(%dma_start3A_233 : memref<128xi32, #tpu.memory_space<vmem>>) semaphore(%arg15 : memref<!tpu.dma_semaphore, #tpu.memory_space<semaphore_mem>>) {add = true}
      %dma_wait3A_237 = arith.constant 0 : i32
      %dma_wait3A_238 = arith.constant 0 : i32
      %dma_wait3A_239 = tpu.memref_slice %arg8[%dma_wait3A_237, %dma_wait3A_238] : memref<16x128xi32, #tpu.memory_space<vmem>> -> memref<1x128xi32, #tpu.memory_space<vmem>>
      %dma_wait3A_240 = tpu.memref_squeeze %dma_wait3A_239 : memref<1x128xi32, #tpu.memory_space<vmem>> -> memref<128xi32, #tpu.memory_space<vmem>>
      %dma_wait3A_241 = arith.constant 0 : i32
      %dma_wait3A_242 = arith.constant 0 : i32
      %dma_wait3A_243 = tpu.memref_slice %arg11[%dma_wait3A_241, %dma_wait3A_242] : memref<10240x128xf32, #tpu.memory_space<vmem_shared>> -> memref<10240x128xf32, #tpu.memory_space<vmem_shared>>
      tpu.wait_indirect_dma semaphore(%arg15 : memref<!tpu.dma_semaphore, #tpu.memory_space<semaphore_mem>>) src(%arg10 : memref<128x128xf32, #tpu.memory_space<vmem>>) dst(%dma_wait3A_243 : memref<10240x128xf32, #tpu.memory_space<vmem_shared>>)
      %dma_start3A_244 = arith.constant 1 : i32
      %dma_start3A_245 = arith.constant 0 : i32
      %dma_start3A_246 = tpu.memref_slice %arg5[%dma_start3A_244, %dma_start3A_245] : memref<16x128xi32, #tpu.memory_space<vmem>> -> memref<1x128xi32, #tpu.memory_space<vmem>>
      %dma_start3A_247 = tpu.memref_squeeze %dma_start3A_246 : memref<1x128xi32, #tpu.memory_space<vmem>> -> memref<128xi32, #tpu.memory_space<vmem>>
      %dma_start3A_248 = arith.constant 0 : i32
      %dma_start3A_249 = arith.constant 0 : i32
      %dma_start3A_250 = tpu.memref_slice %arg2[%dma_start3A_248, %dma_start3A_249] : memref<10000x128xf32, #tpu.memory_space<hbm>> -> memref<10000x128xf32, #tpu.memory_space<hbm>>
      tpu.enqueue_indirect_dma source(%dma_start3A_250 : memref<10000x128xf32, #tpu.memory_space<hbm>>) target(%arg10 : memref<128x128xf32, #tpu.memory_space<vmem>>) offsets(%dma_start3A_247 : memref<128xi32, #tpu.memory_space<vmem>>) semaphore(%arg13 : memref<!tpu.dma_semaphore, #tpu.memory_space<semaphore_mem>>)
      %mul3A_251 = arith.constant 80 : i32
      %mul3A_252 = arith.muli %add3A, %mul3A_251 : i32
      %add3A_253 = arith.constant 48 : i32
      %add3A_254 = arith.addi %mul3A_252, %add3A_253 : i32
      %dma_start3A_255 = arith.constant 0 : i32
      %dma_start3A_256 = arith.constant 0 : i32
      %dma_start3A_257 = tpu.memref_slice %arg3[%dma_start3A_255, %add3A_254, %dma_start3A_256] : memref<2x2500x128xi32, #tpu.memory_space<hbm>> -> memref<1x16x128xi32, #tpu.memory_space<hbm>>
      %dma_start3A_258 = tpu.memref_squeeze %dma_start3A_257 : memref<1x16x128xi32, #tpu.memory_space<hbm>> -> memref<16x128xi32, #tpu.memory_space<hbm>>
      %dma_start3A_259 = arith.constant 0 : i32
      %dma_start3A_260 = tpu.memref_slice %arg3[%dma_start3A_255, %add3A_254, %dma_start3A_259] : memref<2x2500x128xi32, #tpu.memory_space<hbm>> -> memref<1x16x128xi32, #tpu.memory_space<hbm>>
      %dma_start3A_261 = tpu.memref_squeeze %dma_start3A_260 : memref<1x16x128xi32, #tpu.memory_space<hbm>> -> memref<16x128xi32, #tpu.memory_space<hbm>>
      tpu.enqueue_dma source(%dma_start3A_261 : memref<16x128xi32, #tpu.memory_space<hbm>>) target(%arg7 : memref<16x128xi32, #tpu.memory_space<vmem>>) target_semaphore(%arg17 : memref<!tpu.dma_semaphore, #tpu.memory_space<semaphore_mem>>)
      %mul3A_262 = arith.constant 80 : i32
      %mul3A_263 = arith.muli %add3A, %mul3A_262 : i32
      %add3A_264 = arith.constant 48 : i32
      %add3A_265 = arith.addi %mul3A_263, %add3A_264 : i32
      %dma_start3A_266 = arith.constant 1 : i32
      %dma_start3A_267 = arith.constant 0 : i32
      %dma_start3A_268 = tpu.memref_slice %arg3[%dma_start3A_266, %add3A_265, %dma_start3A_267] : memref<2x2500x128xi32, #tpu.memory_space<hbm>> -> memref<1x16x128xi32, #tpu.memory_space<hbm>>
      %dma_start3A_269 = tpu.memref_squeeze %dma_start3A_268 : memref<1x16x128xi32, #tpu.memory_space<hbm>> -> memref<16x128xi32, #tpu.memory_space<hbm>>
      %dma_start3A_270 = arith.constant 0 : i32
      %dma_start3A_271 = tpu.memref_slice %arg3[%dma_start3A_266, %add3A_265, %dma_start3A_270] : memref<2x2500x128xi32, #tpu.memory_space<hbm>> -> memref<1x16x128xi32, #tpu.memory_space<hbm>>
      %dma_start3A_272 = tpu.memref_squeeze %dma_start3A_271 : memref<1x16x128xi32, #tpu.memory_space<hbm>> -> memref<16x128xi32, #tpu.memory_space<hbm>>
      tpu.enqueue_dma source(%dma_start3A_272 : memref<16x128xi32, #tpu.memory_space<hbm>>) target(%arg8 : memref<16x128xi32, #tpu.memory_space<vmem>>) target_semaphore(%arg17 : memref<!tpu.dma_semaphore, #tpu.memory_space<semaphore_mem>>)
      %scan3A_273 = arith.constant 0 : i32
      %scan3A_274 = arith.constant 7 : i32
      %scan3A_275 = arith.addi %scan3A_273, %scan3A_274 : i32
      %scan3A_276 = arith.constant 1 : i32
      scf.for %scan3A_500 = %scan3A_273 to %scan3A_275 step %scan3A_276  : i32 {
        %mul3A_501 = arith.constant 1 : i32
        %mul3A_502 = arith.muli %scan3A_500, %mul3A_501 : i32
        %add3A_503 = arith.constant 0 : i32
        %add3A_504 = arith.addi %add3A_503, %mul3A_502 : i32
        %mul3A_505 = arith.constant 2 : i32
        %mul3A_506 = arith.muli %mul3A_505, %add3A_504 : i32
        %add3A_507 = arith.constant 1 : i32
        %add3A_508 = arith.addi %mul3A_506, %add3A_507 : i32
        %dma_wait3A_509 = arith.constant 0 : i32
        %dma_wait3A_510 = arith.constant 0 : i32
        %dma_wait3A_511 = tpu.memref_slice %arg5[%dma_wait3A_509, %dma_wait3A_510] : memref<16x128xi32, #tpu.memory_space<vmem>> -> memref<1x128xi32, #tpu.memory_space<vmem>>
        %dma_wait3A_512 = tpu.memref_squeeze %dma_wait3A_511 : memref<1x128xi32, #tpu.memory_space<vmem>> -> memref<128xi32, #tpu.memory_space<vmem>>
        %dma_wait3A_513 = arith.constant 0 : i32
        %dma_wait3A_514 = arith.constant 0 : i32
        %dma_wait3A_515 = tpu.memref_slice %arg2[%dma_wait3A_513, %dma_wait3A_514] : memref<10000x128xf32, #tpu.memory_space<hbm>> -> memref<10000x128xf32, #tpu.memory_space<hbm>>
        tpu.wait_indirect_dma semaphore(%arg12 : memref<!tpu.dma_semaphore, #tpu.memory_space<semaphore_mem>>) src(%dma_wait3A_515 : memref<10000x128xf32, #tpu.memory_space<hbm>>) dst(%arg9 : memref<128x128xf32, #tpu.memory_space<vmem>>)
        %dma_start3A_516 = arith.constant 0 : i32
        %dma_start3A_517 = tpu.memref_slice %arg6[%mul3A_506, %dma_start3A_516] : memref<16x128xi32, #tpu.memory_space<vmem>> -> memref<1x128xi32, #tpu.memory_space<vmem>>
        %dma_start3A_518 = tpu.memref_squeeze %dma_start3A_517 : memref<1x128xi32, #tpu.memory_space<vmem>> -> memref<128xi32, #tpu.memory_space<vmem>>
        %dma_start3A_519 = arith.constant 0 : i32
        %dma_start3A_520 = arith.constant 0 : i32
        %dma_start3A_521 = tpu.memref_slice %arg11[%dma_start3A_519, %dma_start3A_520] : memref<10240x128xf32, #tpu.memory_space<vmem_shared>> -> memref<10240x128xf32, #tpu.memory_space<vmem_shared>>
        tpu.enqueue_indirect_dma source(%arg9 : memref<128x128xf32, #tpu.memory_space<vmem>>) target(%dma_start3A_521 : memref<10240x128xf32, #tpu.memory_space<vmem_shared>>) offsets(%dma_start3A_518 : memref<128xi32, #tpu.memory_space<vmem>>) semaphore(%arg14 : memref<!tpu.dma_semaphore, #tpu.memory_space<semaphore_mem>>) {add = true}
        %dma_wait3A_522 = arith.constant 1 : i32
        %dma_wait3A_523 = arith.constant 0 : i32
        %dma_wait3A_524 = tpu.memref_slice %arg5[%dma_wait3A_522, %dma_wait3A_523] : memref<16x128xi32, #tpu.memory_space<vmem>> -> memref<1x128xi32, #tpu.memory_space<vmem>>
        %dma_wait3A_525 = tpu.memref_squeeze %dma_wait3A_524 : memref<1x128xi32, #tpu.memory_space<vmem>> -> memref<128xi32, #tpu.memory_space<vmem>>
        %dma_wait3A_526 = arith.constant 0 : i32
        %dma_wait3A_527 = arith.constant 0 : i32
        %dma_wait3A_528 = tpu.memref_slice %arg2[%dma_wait3A_526, %dma_wait3A_527] : memref<10000x128xf32, #tpu.memory_space<hbm>> -> memref<10000x128xf32, #tpu.memory_space<hbm>>
        tpu.wait_indirect_dma semaphore(%arg13 : memref<!tpu.dma_semaphore, #tpu.memory_space<semaphore_mem>>) src(%dma_wait3A_528 : memref<10000x128xf32, #tpu.memory_space<hbm>>) dst(%arg10 : memref<128x128xf32, #tpu.memory_space<vmem>>)
        %dma_wait3A_529 = arith.constant 0 : i32
        %dma_wait3A_530 = arith.constant 0 : i32
        %dma_wait3A_531 = tpu.memref_slice %arg6[%dma_wait3A_529, %dma_wait3A_530] : memref<16x128xi32, #tpu.memory_space<vmem>> -> memref<1x128xi32, #tpu.memory_space<vmem>>
        %dma_wait3A_532 = tpu.memref_squeeze %dma_wait3A_531 : memref<1x128xi32, #tpu.memory_space<vmem>> -> memref<128xi32, #tpu.memory_space<vmem>>
        %dma_wait3A_533 = arith.constant 0 : i32
        %dma_wait3A_534 = arith.constant 0 : i32
        %dma_wait3A_535 = tpu.memref_slice %arg11[%dma_wait3A_533, %dma_wait3A_534] : memref<10240x128xf32, #tpu.memory_space<vmem_shared>> -> memref<10240x128xf32, #tpu.memory_space<vmem_shared>>
        tpu.wait_indirect_dma semaphore(%arg14 : memref<!tpu.dma_semaphore, #tpu.memory_space<semaphore_mem>>) src(%arg9 : memref<128x128xf32, #tpu.memory_space<vmem>>) dst(%dma_wait3A_535 : memref<10240x128xf32, #tpu.memory_space<vmem_shared>>)
        %add3A_536 = arith.constant 2 : i32
        %add3A_537 = arith.addi %mul3A_506, %add3A_536 : i32
        %dma_start3A_538 = arith.constant 0 : i32
        %dma_start3A_539 = tpu.memref_slice %arg5[%add3A_537, %dma_start3A_538] : memref<16x128xi32, #tpu.memory_space<vmem>> -> memref<1x128xi32, #tpu.memory_space<vmem>>
        %dma_start3A_540 = tpu.memref_squeeze %dma_start3A_539 : memref<1x128xi32, #tpu.memory_space<vmem>> -> memref<128xi32, #tpu.memory_space<vmem>>
        %dma_start3A_541 = arith.constant 0 : i32
        %dma_start3A_542 = arith.constant 0 : i32
        %dma_start3A_543 = tpu.memref_slice %arg2[%dma_start3A_541, %dma_start3A_542] : memref<10000x128xf32, #tpu.memory_space<hbm>> -> memref<10000x128xf32, #tpu.memory_space<hbm>>
        tpu.enqueue_indirect_dma source(%dma_start3A_543 : memref<10000x128xf32, #tpu.memory_space<hbm>>) target(%arg9 : memref<128x128xf32, #tpu.memory_space<vmem>>) offsets(%dma_start3A_540 : memref<128xi32, #tpu.memory_space<vmem>>) semaphore(%arg12 : memref<!tpu.dma_semaphore, #tpu.memory_space<semaphore_mem>>)
        %dma_start3A_544 = arith.constant 0 : i32
        %dma_start3A_545 = tpu.memref_slice %arg6[%add3A_508, %dma_start3A_544] : memref<16x128xi32, #tpu.memory_space<vmem>> -> memref<1x128xi32, #tpu.memory_space<vmem>>
        %dma_start3A_546 = tpu.memref_squeeze %dma_start3A_545 : memref<1x128xi32, #tpu.memory_space<vmem>> -> memref<128xi32, #tpu.memory_space<vmem>>
        %dma_start3A_547 = arith.constant 0 : i32
        %dma_start3A_548 = arith.constant 0 : i32
        %dma_start3A_549 = tpu.memref_slice %arg11[%dma_start3A_547, %dma_start3A_548] : memref<10240x128xf32, #tpu.memory_space<vmem_shared>> -> memref<10240x128xf32, #tpu.memory_space<vmem_shared>>
        tpu.enqueue_indirect_dma source(%arg10 : memref<128x128xf32, #tpu.memory_space<vmem>>) target(%dma_start3A_549 : memref<10240x128xf32, #tpu.memory_space<vmem_shared>>) offsets(%dma_start3A_546 : memref<128xi32, #tpu.memory_space<vmem>>) semaphore(%arg15 : memref<!tpu.dma_semaphore, #tpu.memory_space<semaphore_mem>>) {add = true}
        %dma_wait3A_550 = arith.constant 0 : i32
        %dma_wait3A_551 = arith.constant 0 : i32
        %dma_wait3A_552 = tpu.memref_slice %arg6[%dma_wait3A_550, %dma_wait3A_551] : memref<16x128xi32, #tpu.memory_space<vmem>> -> memref<1x128xi32, #tpu.memory_space<vmem>>
        %dma_wait3A_553 = tpu.memref_squeeze %dma_wait3A_552 : memref<1x128xi32, #tpu.memory_space<vmem>> -> memref<128xi32, #tpu.memory_space<vmem>>
        %dma_wait3A_554 = arith.constant 0 : i32
        %dma_wait3A_555 = arith.constant 0 : i32
        %dma_wait3A_556 = tpu.memref_slice %arg11[%dma_wait3A_554, %dma_wait3A_555] : memref<10240x128xf32, #tpu.memory_space<vmem_shared>> -> memref<10240x128xf32, #tpu.memory_space<vmem_shared>>
        tpu.wait_indirect_dma semaphore(%arg15 : memref<!tpu.dma_semaphore, #tpu.memory_space<semaphore_mem>>) src(%arg10 : memref<128x128xf32, #tpu.memory_space<vmem>>) dst(%dma_wait3A_556 : memref<10240x128xf32, #tpu.memory_space<vmem_shared>>)
        %add3A_557 = arith.constant 2 : i32
        %add3A_558 = arith.addi %add3A_508, %add3A_557 : i32
        %dma_start3A_559 = arith.constant 0 : i32
        %dma_start3A_560 = tpu.memref_slice %arg5[%add3A_558, %dma_start3A_559] : memref<16x128xi32, #tpu.memory_space<vmem>> -> memref<1x128xi32, #tpu.memory_space<vmem>>
        %dma_start3A_561 = tpu.memref_squeeze %dma_start3A_560 : memref<1x128xi32, #tpu.memory_space<vmem>> -> memref<128xi32, #tpu.memory_space<vmem>>
        %dma_start3A_562 = arith.constant 0 : i32
        %dma_start3A_563 = arith.constant 0 : i32
        %dma_start3A_564 = tpu.memref_slice %arg2[%dma_start3A_562, %dma_start3A_563] : memref<10000x128xf32, #tpu.memory_space<hbm>> -> memref<10000x128xf32, #tpu.memory_space<hbm>>
        tpu.enqueue_indirect_dma source(%dma_start3A_564 : memref<10000x128xf32, #tpu.memory_space<hbm>>) target(%arg10 : memref<128x128xf32, #tpu.memory_space<vmem>>) offsets(%dma_start3A_561 : memref<128xi32, #tpu.memory_space<vmem>>) semaphore(%arg13 : memref<!tpu.dma_semaphore, #tpu.memory_space<semaphore_mem>>)
      }
      %scan3A_277 = arith.constant 7 : i32
      %dma_wait3A_278 = arith.constant 0 : i32
      %dma_wait3A_279 = arith.constant 0 : i32
      %dma_wait3A_280 = tpu.memref_slice %arg5[%dma_wait3A_278, %dma_wait3A_279] : memref<16x128xi32, #tpu.memory_space<vmem>> -> memref<1x128xi32, #tpu.memory_space<vmem>>
      %dma_wait3A_281 = tpu.memref_squeeze %dma_wait3A_280 : memref<1x128xi32, #tpu.memory_space<vmem>> -> memref<128xi32, #tpu.memory_space<vmem>>
      %dma_wait3A_282 = arith.constant 0 : i32
      %dma_wait3A_283 = arith.constant 0 : i32
      %dma_wait3A_284 = tpu.memref_slice %arg2[%dma_wait3A_282, %dma_wait3A_283] : memref<10000x128xf32, #tpu.memory_space<hbm>> -> memref<10000x128xf32, #tpu.memory_space<hbm>>
      tpu.wait_indirect_dma semaphore(%arg12 : memref<!tpu.dma_semaphore, #tpu.memory_space<semaphore_mem>>) src(%dma_wait3A_284 : memref<10000x128xf32, #tpu.memory_space<hbm>>) dst(%arg9 : memref<128x128xf32, #tpu.memory_space<vmem>>)
      %dma_start3A_285 = arith.constant 14 : i32
      %dma_start3A_286 = arith.constant 0 : i32
      %dma_start3A_287 = tpu.memref_slice %arg6[%dma_start3A_285, %dma_start3A_286] : memref<16x128xi32, #tpu.memory_space<vmem>> -> memref<1x128xi32, #tpu.memory_space<vmem>>
      %dma_start3A_288 = tpu.memref_squeeze %dma_start3A_287 : memref<1x128xi32, #tpu.memory_space<vmem>> -> memref<128xi32, #tpu.memory_space<vmem>>
      %dma_start3A_289 = arith.constant 0 : i32
      %dma_start3A_290 = arith.constant 0 : i32
      %dma_start3A_291 = tpu.memref_slice %arg11[%dma_start3A_289, %dma_start3A_290] : memref<10240x128xf32, #tpu.memory_space<vmem_shared>> -> memref<10240x128xf32, #tpu.memory_space<vmem_shared>>
      tpu.enqueue_indirect_dma source(%arg9 : memref<128x128xf32, #tpu.memory_space<vmem>>) target(%dma_start3A_291 : memref<10240x128xf32, #tpu.memory_space<vmem_shared>>) offsets(%dma_start3A_288 : memref<128xi32, #tpu.memory_space<vmem>>) semaphore(%arg14 : memref<!tpu.dma_semaphore, #tpu.memory_space<semaphore_mem>>) {add = true}
      %dma_wait3A_292 = arith.constant 1 : i32
      %dma_wait3A_293 = arith.constant 0 : i32
      %dma_wait3A_294 = tpu.memref_slice %arg5[%dma_wait3A_292, %dma_wait3A_293] : memref<16x128xi32, #tpu.memory_space<vmem>> -> memref<1x128xi32, #tpu.memory_space<vmem>>
      %dma_wait3A_295 = tpu.memref_squeeze %dma_wait3A_294 : memref<1x128xi32, #tpu.memory_space<vmem>> -> memref<128xi32, #tpu.memory_space<vmem>>
      %dma_wait3A_296 = arith.constant 0 : i32
      %dma_wait3A_297 = arith.constant 0 : i32
      %dma_wait3A_298 = tpu.memref_slice %arg2[%dma_wait3A_296, %dma_wait3A_297] : memref<10000x128xf32, #tpu.memory_space<hbm>> -> memref<10000x128xf32, #tpu.memory_space<hbm>>
      tpu.wait_indirect_dma semaphore(%arg13 : memref<!tpu.dma_semaphore, #tpu.memory_space<semaphore_mem>>) src(%dma_wait3A_298 : memref<10000x128xf32, #tpu.memory_space<hbm>>) dst(%arg10 : memref<128x128xf32, #tpu.memory_space<vmem>>)
      %dma_wait3A_299 = arith.constant 0 : i32
      %dma_wait3A_300 = arith.constant 0 : i32
      %dma_wait3A_301 = tpu.memref_slice %arg6[%dma_wait3A_299, %dma_wait3A_300] : memref<16x128xi32, #tpu.memory_space<vmem>> -> memref<1x128xi32, #tpu.memory_space<vmem>>
      %dma_wait3A_302 = tpu.memref_squeeze %dma_wait3A_301 : memref<1x128xi32, #tpu.memory_space<vmem>> -> memref<128xi32, #tpu.memory_space<vmem>>
      %dma_wait3A_303 = arith.constant 0 : i32
      %dma_wait3A_304 = arith.constant 0 : i32
      %dma_wait3A_305 = tpu.memref_slice %arg11[%dma_wait3A_303, %dma_wait3A_304] : memref<10240x128xf32, #tpu.memory_space<vmem_shared>> -> memref<10240x128xf32, #tpu.memory_space<vmem_shared>>
      tpu.wait_indirect_dma semaphore(%arg14 : memref<!tpu.dma_semaphore, #tpu.memory_space<semaphore_mem>>) src(%arg9 : memref<128x128xf32, #tpu.memory_space<vmem>>) dst(%dma_wait3A_305 : memref<10240x128xf32, #tpu.memory_space<vmem_shared>>)
      %dma_wait3A_306 = arith.constant 0 : i32
      %dma_wait3A_307 = arith.constant 0 : i32
      %dma_wait3A_308 = arith.constant 0 : i32
      %dma_wait3A_309 = tpu.memref_slice %arg3[%dma_wait3A_306, %dma_wait3A_307, %dma_wait3A_308] : memref<2x2500x128xi32, #tpu.memory_space<hbm>> -> memref<1x16x128xi32, #tpu.memory_space<hbm>>
      %dma_wait3A_310 = tpu.memref_squeeze %dma_wait3A_309 : memref<1x16x128xi32, #tpu.memory_space<hbm>> -> memref<16x128xi32, #tpu.memory_space<hbm>>
      %dma_wait3A_311 = arith.constant 0 : i32
      %dma_wait3A_312 = arith.constant 0 : i32
      %dma_wait3A_313 = tpu.memref_slice %arg3[%dma_wait3A_306, %dma_wait3A_311, %dma_wait3A_312] : memref<2x2500x128xi32, #tpu.memory_space<hbm>> -> memref<1x16x128xi32, #tpu.memory_space<hbm>>
      %dma_wait3A_314 = tpu.memref_squeeze %dma_wait3A_313 : memref<1x16x128xi32, #tpu.memory_space<hbm>> -> memref<16x128xi32, #tpu.memory_space<hbm>>
      tpu.wait_dma2 semaphore(%arg17 : memref<!tpu.dma_semaphore, #tpu.memory_space<semaphore_mem>>) src(%dma_wait3A_314 : memref<16x128xi32, #tpu.memory_space<hbm>>) dst(%arg7 : memref<16x128xi32, #tpu.memory_space<vmem>>)
      %dma_wait3A_315 = arith.constant 1 : i32
      %dma_wait3A_316 = arith.constant 0 : i32
      %dma_wait3A_317 = arith.constant 0 : i32
      %dma_wait3A_318 = tpu.memref_slice %arg3[%dma_wait3A_315, %dma_wait3A_316, %dma_wait3A_317] : memref<2x2500x128xi32, #tpu.memory_space<hbm>> -> memref<1x16x128xi32, #tpu.memory_space<hbm>>
      %dma_wait3A_319 = tpu.memref_squeeze %dma_wait3A_318 : memref<1x16x128xi32, #tpu.memory_space<hbm>> -> memref<16x128xi32, #tpu.memory_space<hbm>>
      %dma_wait3A_320 = arith.constant 0 : i32
      %dma_wait3A_321 = arith.constant 0 : i32
      %dma_wait3A_322 = tpu.memref_slice %arg3[%dma_wait3A_315, %dma_wait3A_320, %dma_wait3A_321] : memref<2x2500x128xi32, #tpu.memory_space<hbm>> -> memref<1x16x128xi32, #tpu.memory_space<hbm>>
      %dma_wait3A_323 = tpu.memref_squeeze %dma_wait3A_322 : memref<1x16x128xi32, #tpu.memory_space<hbm>> -> memref<16x128xi32, #tpu.memory_space<hbm>>
      tpu.wait_dma2 semaphore(%arg17 : memref<!tpu.dma_semaphore, #tpu.memory_space<semaphore_mem>>) src(%dma_wait3A_323 : memref<16x128xi32, #tpu.memory_space<hbm>>) dst(%arg8 : memref<16x128xi32, #tpu.memory_space<vmem>>)
      %dma_start3A_324 = arith.constant 0 : i32
      %dma_start3A_325 = arith.constant 0 : i32
      %dma_start3A_326 = tpu.memref_slice %arg7[%dma_start3A_324, %dma_start3A_325] : memref<16x128xi32, #tpu.memory_space<vmem>> -> memref<1x128xi32, #tpu.memory_space<vmem>>
      %dma_start3A_327 = tpu.memref_squeeze %dma_start3A_326 : memref<1x128xi32, #tpu.memory_space<vmem>> -> memref<128xi32, #tpu.memory_space<vmem>>
      %dma_start3A_328 = arith.constant 0 : i32
      %dma_start3A_329 = arith.constant 0 : i32
      %dma_start3A_330 = tpu.memref_slice %arg2[%dma_start3A_328, %dma_start3A_329] : memref<10000x128xf32, #tpu.memory_space<hbm>> -> memref<10000x128xf32, #tpu.memory_space<hbm>>
      tpu.enqueue_indirect_dma source(%dma_start3A_330 : memref<10000x128xf32, #tpu.memory_space<hbm>>) target(%arg9 : memref<128x128xf32, #tpu.memory_space<vmem>>) offsets(%dma_start3A_327 : memref<128xi32, #tpu.memory_space<vmem>>) semaphore(%arg12 : memref<!tpu.dma_semaphore, #tpu.memory_space<semaphore_mem>>)
      %dma_start3A_331 = arith.constant 15 : i32
      %dma_start3A_332 = arith.constant 0 : i32
      %dma_start3A_333 = tpu.memref_slice %arg6[%dma_start3A_331, %dma_start3A_332] : memref<16x128xi32, #tpu.memory_space<vmem>> -> memref<1x128xi32, #tpu.memory_space<vmem>>
      %dma_start3A_334 = tpu.memref_squeeze %dma_start3A_333 : memref<1x128xi32, #tpu.memory_space<vmem>> -> memref<128xi32, #tpu.memory_space<vmem>>
      %dma_start3A_335 = arith.constant 0 : i32
      %dma_start3A_336 = arith.constant 0 : i32
      %dma_start3A_337 = tpu.memref_slice %arg11[%dma_start3A_335, %dma_start3A_336] : memref<10240x128xf32, #tpu.memory_space<vmem_shared>> -> memref<10240x128xf32, #tpu.memory_space<vmem_shared>>
      tpu.enqueue_indirect_dma source(%arg10 : memref<128x128xf32, #tpu.memory_space<vmem>>) target(%dma_start3A_337 : memref<10240x128xf32, #tpu.memory_space<vmem_shared>>) offsets(%dma_start3A_334 : memref<128xi32, #tpu.memory_space<vmem>>) semaphore(%arg15 : memref<!tpu.dma_semaphore, #tpu.memory_space<semaphore_mem>>) {add = true}
      %dma_wait3A_338 = arith.constant 0 : i32
      %dma_wait3A_339 = arith.constant 0 : i32
      %dma_wait3A_340 = tpu.memref_slice %arg6[%dma_wait3A_338, %dma_wait3A_339] : memref<16x128xi32, #tpu.memory_space<vmem>> -> memref<1x128xi32, #tpu.memory_space<vmem>>
      %dma_wait3A_341 = tpu.memref_squeeze %dma_wait3A_340 : memref<1x128xi32, #tpu.memory_space<vmem>> -> memref<128xi32, #tpu.memory_space<vmem>>
      %dma_wait3A_342 = arith.constant 0 : i32
      %dma_wait3A_343 = arith.constant 0 : i32
      %dma_wait3A_344 = tpu.memref_slice %arg11[%dma_wait3A_342, %dma_wait3A_343] : memref<10240x128xf32, #tpu.memory_space<vmem_shared>> -> memref<10240x128xf32, #tpu.memory_space<vmem_shared>>
      tpu.wait_indirect_dma semaphore(%arg15 : memref<!tpu.dma_semaphore, #tpu.memory_space<semaphore_mem>>) src(%arg10 : memref<128x128xf32, #tpu.memory_space<vmem>>) dst(%dma_wait3A_344 : memref<10240x128xf32, #tpu.memory_space<vmem_shared>>)
      %dma_start3A_345 = arith.constant 1 : i32
      %dma_start3A_346 = arith.constant 0 : i32
      %dma_start3A_347 = tpu.memref_slice %arg7[%dma_start3A_345, %dma_start3A_346] : memref<16x128xi32, #tpu.memory_space<vmem>> -> memref<1x128xi32, #tpu.memory_space<vmem>>
      %dma_start3A_348 = tpu.memref_squeeze %dma_start3A_347 : memref<1x128xi32, #tpu.memory_space<vmem>> -> memref<128xi32, #tpu.memory_space<vmem>>
      %dma_start3A_349 = arith.constant 0 : i32
      %dma_start3A_350 = arith.constant 0 : i32
      %dma_start3A_351 = tpu.memref_slice %arg2[%dma_start3A_349, %dma_start3A_350] : memref<10000x128xf32, #tpu.memory_space<hbm>> -> memref<10000x128xf32, #tpu.memory_space<hbm>>
      tpu.enqueue_indirect_dma source(%dma_start3A_351 : memref<10000x128xf32, #tpu.memory_space<hbm>>) target(%arg10 : memref<128x128xf32, #tpu.memory_space<vmem>>) offsets(%dma_start3A_348 : memref<128xi32, #tpu.memory_space<vmem>>) semaphore(%arg13 : memref<!tpu.dma_semaphore, #tpu.memory_space<semaphore_mem>>)
      %mul3A_352 = arith.constant 80 : i32
      %mul3A_353 = arith.muli %add3A, %mul3A_352 : i32
      %add3A_354 = arith.constant 64 : i32
      %add3A_355 = arith.addi %mul3A_353, %add3A_354 : i32
      %dma_start3A_356 = arith.constant 0 : i32
      %dma_start3A_357 = arith.constant 0 : i32
      %dma_start3A_358 = tpu.memref_slice %arg3[%dma_start3A_356, %add3A_355, %dma_start3A_357] : memref<2x2500x128xi32, #tpu.memory_space<hbm>> -> memref<1x16x128xi32, #tpu.memory_space<hbm>>
      %dma_start3A_359 = tpu.memref_squeeze %dma_start3A_358 : memref<1x16x128xi32, #tpu.memory_space<hbm>> -> memref<16x128xi32, #tpu.memory_space<hbm>>
      %dma_start3A_360 = arith.constant 0 : i32
      %dma_start3A_361 = tpu.memref_slice %arg3[%dma_start3A_356, %add3A_355, %dma_start3A_360] : memref<2x2500x128xi32, #tpu.memory_space<hbm>> -> memref<1x16x128xi32, #tpu.memory_space<hbm>>
      %dma_start3A_362 = tpu.memref_squeeze %dma_start3A_361 : memref<1x16x128xi32, #tpu.memory_space<hbm>> -> memref<16x128xi32, #tpu.memory_space<hbm>>
      tpu.enqueue_dma source(%dma_start3A_362 : memref<16x128xi32, #tpu.memory_space<hbm>>) target(%arg5 : memref<16x128xi32, #tpu.memory_space<vmem>>) target_semaphore(%arg16 : memref<!tpu.dma_semaphore, #tpu.memory_space<semaphore_mem>>)
      %mul3A_363 = arith.constant 80 : i32
      %mul3A_364 = arith.muli %add3A, %mul3A_363 : i32
      %add3A_365 = arith.constant 64 : i32
      %add3A_366 = arith.addi %mul3A_364, %add3A_365 : i32
      %dma_start3A_367 = arith.constant 1 : i32
      %dma_start3A_368 = arith.constant 0 : i32
      %dma_start3A_369 = tpu.memref_slice %arg3[%dma_start3A_367, %add3A_366, %dma_start3A_368] : memref<2x2500x128xi32, #tpu.memory_space<hbm>> -> memref<1x16x128xi32, #tpu.memory_space<hbm>>
      %dma_start3A_370 = tpu.memref_squeeze %dma_start3A_369 : memref<1x16x128xi32, #tpu.memory_space<hbm>> -> memref<16x128xi32, #tpu.memory_space<hbm>>
      %dma_start3A_371 = arith.constant 0 : i32
      %dma_start3A_372 = tpu.memref_slice %arg3[%dma_start3A_367, %add3A_366, %dma_start3A_371] : memref<2x2500x128xi32, #tpu.memory_space<hbm>> -> memref<1x16x128xi32, #tpu.memory_space<hbm>>
      %dma_start3A_373 = tpu.memref_squeeze %dma_start3A_372 : memref<1x16x128xi32, #tpu.memory_space<hbm>> -> memref<16x128xi32, #tpu.memory_space<hbm>>
      tpu.enqueue_dma source(%dma_start3A_373 : memref<16x128xi32, #tpu.memory_space<hbm>>) target(%arg6 : memref<16x128xi32, #tpu.memory_space<vmem>>) target_semaphore(%arg16 : memref<!tpu.dma_semaphore, #tpu.memory_space<semaphore_mem>>)
      %scan3A_374 = arith.constant 0 : i32
      %scan3A_375 = arith.constant 7 : i32
      %scan3A_376 = arith.addi %scan3A_374, %scan3A_375 : i32
      %scan3A_377 = arith.constant 1 : i32
      scf.for %scan3A_500 = %scan3A_374 to %scan3A_376 step %scan3A_377  : i32 {
        %mul3A_501 = arith.constant 1 : i32
        %mul3A_502 = arith.muli %scan3A_500, %mul3A_501 : i32
        %add3A_503 = arith.constant 0 : i32
        %add3A_504 = arith.addi %add3A_503, %mul3A_502 : i32
        %mul3A_505 = arith.constant 2 : i32
        %mul3A_506 = arith.muli %mul3A_505, %add3A_504 : i32
        %add3A_507 = arith.constant 1 : i32
        %add3A_508 = arith.addi %mul3A_506, %add3A_507 : i32
        %dma_wait3A_509 = arith.constant 0 : i32
        %dma_wait3A_510 = arith.constant 0 : i32
        %dma_wait3A_511 = tpu.memref_slice %arg7[%dma_wait3A_509, %dma_wait3A_510] : memref<16x128xi32, #tpu.memory_space<vmem>> -> memref<1x128xi32, #tpu.memory_space<vmem>>
        %dma_wait3A_512 = tpu.memref_squeeze %dma_wait3A_511 : memref<1x128xi32, #tpu.memory_space<vmem>> -> memref<128xi32, #tpu.memory_space<vmem>>
        %dma_wait3A_513 = arith.constant 0 : i32
        %dma_wait3A_514 = arith.constant 0 : i32
        %dma_wait3A_515 = tpu.memref_slice %arg2[%dma_wait3A_513, %dma_wait3A_514] : memref<10000x128xf32, #tpu.memory_space<hbm>> -> memref<10000x128xf32, #tpu.memory_space<hbm>>
        tpu.wait_indirect_dma semaphore(%arg12 : memref<!tpu.dma_semaphore, #tpu.memory_space<semaphore_mem>>) src(%dma_wait3A_515 : memref<10000x128xf32, #tpu.memory_space<hbm>>) dst(%arg9 : memref<128x128xf32, #tpu.memory_space<vmem>>)
        %dma_start3A_516 = arith.constant 0 : i32
        %dma_start3A_517 = tpu.memref_slice %arg8[%mul3A_506, %dma_start3A_516] : memref<16x128xi32, #tpu.memory_space<vmem>> -> memref<1x128xi32, #tpu.memory_space<vmem>>
        %dma_start3A_518 = tpu.memref_squeeze %dma_start3A_517 : memref<1x128xi32, #tpu.memory_space<vmem>> -> memref<128xi32, #tpu.memory_space<vmem>>
        %dma_start3A_519 = arith.constant 0 : i32
        %dma_start3A_520 = arith.constant 0 : i32
        %dma_start3A_521 = tpu.memref_slice %arg11[%dma_start3A_519, %dma_start3A_520] : memref<10240x128xf32, #tpu.memory_space<vmem_shared>> -> memref<10240x128xf32, #tpu.memory_space<vmem_shared>>
        tpu.enqueue_indirect_dma source(%arg9 : memref<128x128xf32, #tpu.memory_space<vmem>>) target(%dma_start3A_521 : memref<10240x128xf32, #tpu.memory_space<vmem_shared>>) offsets(%dma_start3A_518 : memref<128xi32, #tpu.memory_space<vmem>>) semaphore(%arg14 : memref<!tpu.dma_semaphore, #tpu.memory_space<semaphore_mem>>) {add = true}
        %dma_wait3A_522 = arith.constant 1 : i32
        %dma_wait3A_523 = arith.constant 0 : i32
        %dma_wait3A_524 = tpu.memref_slice %arg7[%dma_wait3A_522, %dma_wait3A_523] : memref<16x128xi32, #tpu.memory_space<vmem>> -> memref<1x128xi32, #tpu.memory_space<vmem>>
        %dma_wait3A_525 = tpu.memref_squeeze %dma_wait3A_524 : memref<1x128xi32, #tpu.memory_space<vmem>> -> memref<128xi32, #tpu.memory_space<vmem>>
        %dma_wait3A_526 = arith.constant 0 : i32
        %dma_wait3A_527 = arith.constant 0 : i32
        %dma_wait3A_528 = tpu.memref_slice %arg2[%dma_wait3A_526, %dma_wait3A_527] : memref<10000x128xf32, #tpu.memory_space<hbm>> -> memref<10000x128xf32, #tpu.memory_space<hbm>>
        tpu.wait_indirect_dma semaphore(%arg13 : memref<!tpu.dma_semaphore, #tpu.memory_space<semaphore_mem>>) src(%dma_wait3A_528 : memref<10000x128xf32, #tpu.memory_space<hbm>>) dst(%arg10 : memref<128x128xf32, #tpu.memory_space<vmem>>)
        %dma_wait3A_529 = arith.constant 0 : i32
        %dma_wait3A_530 = arith.constant 0 : i32
        %dma_wait3A_531 = tpu.memref_slice %arg8[%dma_wait3A_529, %dma_wait3A_530] : memref<16x128xi32, #tpu.memory_space<vmem>> -> memref<1x128xi32, #tpu.memory_space<vmem>>
        %dma_wait3A_532 = tpu.memref_squeeze %dma_wait3A_531 : memref<1x128xi32, #tpu.memory_space<vmem>> -> memref<128xi32, #tpu.memory_space<vmem>>
        %dma_wait3A_533 = arith.constant 0 : i32
        %dma_wait3A_534 = arith.constant 0 : i32
        %dma_wait3A_535 = tpu.memref_slice %arg11[%dma_wait3A_533, %dma_wait3A_534] : memref<10240x128xf32, #tpu.memory_space<vmem_shared>> -> memref<10240x128xf32, #tpu.memory_space<vmem_shared>>
        tpu.wait_indirect_dma semaphore(%arg14 : memref<!tpu.dma_semaphore, #tpu.memory_space<semaphore_mem>>) src(%arg9 : memref<128x128xf32, #tpu.memory_space<vmem>>) dst(%dma_wait3A_535 : memref<10240x128xf32, #tpu.memory_space<vmem_shared>>)
        %add3A_536 = arith.constant 2 : i32
        %add3A_537 = arith.addi %mul3A_506, %add3A_536 : i32
        %dma_start3A_538 = arith.constant 0 : i32
        %dma_start3A_539 = tpu.memref_slice %arg7[%add3A_537, %dma_start3A_538] : memref<16x128xi32, #tpu.memory_space<vmem>> -> memref<1x128xi32, #tpu.memory_space<vmem>>
        %dma_start3A_540 = tpu.memref_squeeze %dma_start3A_539 : memref<1x128xi32, #tpu.memory_space<vmem>> -> memref<128xi32, #tpu.memory_space<vmem>>
        %dma_start3A_541 = arith.constant 0 : i32
        %dma_start3A_542 = arith.constant 0 : i32
        %dma_start3A_543 = tpu.memref_slice %arg2[%dma_start3A_541, %dma_start3A_542] : memref<10000x128xf32, #tpu.memory_space<hbm>> -> memref<10000x128xf32, #tpu.memory_space<hbm>>
        tpu.enqueue_indirect_dma source(%dma_start3A_543 : memref<10000x128xf32, #tpu.memory_space<hbm>>) target(%arg9 : memref<128x128xf32, #tpu.memory_space<vmem>>) offsets(%dma_start3A_540 : memref<128xi32, #tpu.memory_space<vmem>>) semaphore(%arg12 : memref<!tpu.dma_semaphore, #tpu.memory_space<semaphore_mem>>)
        %dma_start3A_544 = arith.constant 0 : i32
        %dma_start3A_545 = tpu.memref_slice %arg8[%add3A_508, %dma_start3A_544] : memref<16x128xi32, #tpu.memory_space<vmem>> -> memref<1x128xi32, #tpu.memory_space<vmem>>
        %dma_start3A_546 = tpu.memref_squeeze %dma_start3A_545 : memref<1x128xi32, #tpu.memory_space<vmem>> -> memref<128xi32, #tpu.memory_space<vmem>>
        %dma_start3A_547 = arith.constant 0 : i32
        %dma_start3A_548 = arith.constant 0 : i32
        %dma_start3A_549 = tpu.memref_slice %arg11[%dma_start3A_547, %dma_start3A_548] : memref<10240x128xf32, #tpu.memory_space<vmem_shared>> -> memref<10240x128xf32, #tpu.memory_space<vmem_shared>>
        tpu.enqueue_indirect_dma source(%arg10 : memref<128x128xf32, #tpu.memory_space<vmem>>) target(%dma_start3A_549 : memref<10240x128xf32, #tpu.memory_space<vmem_shared>>) offsets(%dma_start3A_546 : memref<128xi32, #tpu.memory_space<vmem>>) semaphore(%arg15 : memref<!tpu.dma_semaphore, #tpu.memory_space<semaphore_mem>>) {add = true}
        %dma_wait3A_550 = arith.constant 0 : i32
        %dma_wait3A_551 = arith.constant 0 : i32
        %dma_wait3A_552 = tpu.memref_slice %arg8[%dma_wait3A_550, %dma_wait3A_551] : memref<16x128xi32, #tpu.memory_space<vmem>> -> memref<1x128xi32, #tpu.memory_space<vmem>>
        %dma_wait3A_553 = tpu.memref_squeeze %dma_wait3A_552 : memref<1x128xi32, #tpu.memory_space<vmem>> -> memref<128xi32, #tpu.memory_space<vmem>>
        %dma_wait3A_554 = arith.constant 0 : i32
        %dma_wait3A_555 = arith.constant 0 : i32
        %dma_wait3A_556 = tpu.memref_slice %arg11[%dma_wait3A_554, %dma_wait3A_555] : memref<10240x128xf32, #tpu.memory_space<vmem_shared>> -> memref<10240x128xf32, #tpu.memory_space<vmem_shared>>
        tpu.wait_indirect_dma semaphore(%arg15 : memref<!tpu.dma_semaphore, #tpu.memory_space<semaphore_mem>>) src(%arg10 : memref<128x128xf32, #tpu.memory_space<vmem>>) dst(%dma_wait3A_556 : memref<10240x128xf32, #tpu.memory_space<vmem_shared>>)
        %add3A_557 = arith.constant 2 : i32
        %add3A_558 = arith.addi %add3A_508, %add3A_557 : i32
        %dma_start3A_559 = arith.constant 0 : i32
        %dma_start3A_560 = tpu.memref_slice %arg7[%add3A_558, %dma_start3A_559] : memref<16x128xi32, #tpu.memory_space<vmem>> -> memref<1x128xi32, #tpu.memory_space<vmem>>
        %dma_start3A_561 = tpu.memref_squeeze %dma_start3A_560 : memref<1x128xi32, #tpu.memory_space<vmem>> -> memref<128xi32, #tpu.memory_space<vmem>>
        %dma_start3A_562 = arith.constant 0 : i32
        %dma_start3A_563 = arith.constant 0 : i32
        %dma_start3A_564 = tpu.memref_slice %arg2[%dma_start3A_562, %dma_start3A_563] : memref<10000x128xf32, #tpu.memory_space<hbm>> -> memref<10000x128xf32, #tpu.memory_space<hbm>>
        tpu.enqueue_indirect_dma source(%dma_start3A_564 : memref<10000x128xf32, #tpu.memory_space<hbm>>) target(%arg10 : memref<128x128xf32, #tpu.memory_space<vmem>>) offsets(%dma_start3A_561 : memref<128xi32, #tpu.memory_space<vmem>>) semaphore(%arg13 : memref<!tpu.dma_semaphore, #tpu.memory_space<semaphore_mem>>)
      }
      %scan3A_378 = arith.constant 7 : i32
      %dma_wait3A_379 = arith.constant 0 : i32
      %dma_wait3A_380 = arith.constant 0 : i32
      %dma_wait3A_381 = tpu.memref_slice %arg7[%dma_wait3A_379, %dma_wait3A_380] : memref<16x128xi32, #tpu.memory_space<vmem>> -> memref<1x128xi32, #tpu.memory_space<vmem>>
      %dma_wait3A_382 = tpu.memref_squeeze %dma_wait3A_381 : memref<1x128xi32, #tpu.memory_space<vmem>> -> memref<128xi32, #tpu.memory_space<vmem>>
      %dma_wait3A_383 = arith.constant 0 : i32
      %dma_wait3A_384 = arith.constant 0 : i32
      %dma_wait3A_385 = tpu.memref_slice %arg2[%dma_wait3A_383, %dma_wait3A_384] : memref<10000x128xf32, #tpu.memory_space<hbm>> -> memref<10000x128xf32, #tpu.memory_space<hbm>>
      tpu.wait_indirect_dma semaphore(%arg12 : memref<!tpu.dma_semaphore, #tpu.memory_space<semaphore_mem>>) src(%dma_wait3A_385 : memref<10000x128xf32, #tpu.memory_space<hbm>>) dst(%arg9 : memref<128x128xf32, #tpu.memory_space<vmem>>)
      %dma_start3A_386 = arith.constant 14 : i32
      %dma_start3A_387 = arith.constant 0 : i32
      %dma_start3A_388 = tpu.memref_slice %arg8[%dma_start3A_386, %dma_start3A_387] : memref<16x128xi32, #tpu.memory_space<vmem>> -> memref<1x128xi32, #tpu.memory_space<vmem>>
      %dma_start3A_389 = tpu.memref_squeeze %dma_start3A_388 : memref<1x128xi32, #tpu.memory_space<vmem>> -> memref<128xi32, #tpu.memory_space<vmem>>
      %dma_start3A_390 = arith.constant 0 : i32
      %dma_start3A_391 = arith.constant 0 : i32
      %dma_start3A_392 = tpu.memref_slice %arg11[%dma_start3A_390, %dma_start3A_391] : memref<10240x128xf32, #tpu.memory_space<vmem_shared>> -> memref<10240x128xf32, #tpu.memory_space<vmem_shared>>
      tpu.enqueue_indirect_dma source(%arg9 : memref<128x128xf32, #tpu.memory_space<vmem>>) target(%dma_start3A_392 : memref<10240x128xf32, #tpu.memory_space<vmem_shared>>) offsets(%dma_start3A_389 : memref<128xi32, #tpu.memory_space<vmem>>) semaphore(%arg14 : memref<!tpu.dma_semaphore, #tpu.memory_space<semaphore_mem>>) {add = true}
      %dma_wait3A_393 = arith.constant 1 : i32
      %dma_wait3A_394 = arith.constant 0 : i32
      %dma_wait3A_395 = tpu.memref_slice %arg7[%dma_wait3A_393, %dma_wait3A_394] : memref<16x128xi32, #tpu.memory_space<vmem>> -> memref<1x128xi32, #tpu.memory_space<vmem>>
      %dma_wait3A_396 = tpu.memref_squeeze %dma_wait3A_395 : memref<1x128xi32, #tpu.memory_space<vmem>> -> memref<128xi32, #tpu.memory_space<vmem>>
      %dma_wait3A_397 = arith.constant 0 : i32
      %dma_wait3A_398 = arith.constant 0 : i32
      %dma_wait3A_399 = tpu.memref_slice %arg2[%dma_wait3A_397, %dma_wait3A_398] : memref<10000x128xf32, #tpu.memory_space<hbm>> -> memref<10000x128xf32, #tpu.memory_space<hbm>>
      tpu.wait_indirect_dma semaphore(%arg13 : memref<!tpu.dma_semaphore, #tpu.memory_space<semaphore_mem>>) src(%dma_wait3A_399 : memref<10000x128xf32, #tpu.memory_space<hbm>>) dst(%arg10 : memref<128x128xf32, #tpu.memory_space<vmem>>)
      %dma_wait3A_400 = arith.constant 0 : i32
      %dma_wait3A_401 = arith.constant 0 : i32
      %dma_wait3A_402 = tpu.memref_slice %arg8[%dma_wait3A_400, %dma_wait3A_401] : memref<16x128xi32, #tpu.memory_space<vmem>> -> memref<1x128xi32, #tpu.memory_space<vmem>>
      %dma_wait3A_403 = tpu.memref_squeeze %dma_wait3A_402 : memref<1x128xi32, #tpu.memory_space<vmem>> -> memref<128xi32, #tpu.memory_space<vmem>>
      %dma_wait3A_404 = arith.constant 0 : i32
      %dma_wait3A_405 = arith.constant 0 : i32
      %dma_wait3A_406 = tpu.memref_slice %arg11[%dma_wait3A_404, %dma_wait3A_405] : memref<10240x128xf32, #tpu.memory_space<vmem_shared>> -> memref<10240x128xf32, #tpu.memory_space<vmem_shared>>
      tpu.wait_indirect_dma semaphore(%arg14 : memref<!tpu.dma_semaphore, #tpu.memory_space<semaphore_mem>>) src(%arg9 : memref<128x128xf32, #tpu.memory_space<vmem>>) dst(%dma_wait3A_406 : memref<10240x128xf32, #tpu.memory_space<vmem_shared>>)
      %dma_wait3A_407 = arith.constant 0 : i32
      %dma_wait3A_408 = arith.constant 0 : i32
      %dma_wait3A_409 = arith.constant 0 : i32
      %dma_wait3A_410 = tpu.memref_slice %arg3[%dma_wait3A_407, %dma_wait3A_408, %dma_wait3A_409] : memref<2x2500x128xi32, #tpu.memory_space<hbm>> -> memref<1x16x128xi32, #tpu.memory_space<hbm>>
      %dma_wait3A_411 = tpu.memref_squeeze %dma_wait3A_410 : memref<1x16x128xi32, #tpu.memory_space<hbm>> -> memref<16x128xi32, #tpu.memory_space<hbm>>
      %dma_wait3A_412 = arith.constant 0 : i32
      %dma_wait3A_413 = arith.constant 0 : i32
      %dma_wait3A_414 = tpu.memref_slice %arg3[%dma_wait3A_407, %dma_wait3A_412, %dma_wait3A_413] : memref<2x2500x128xi32, #tpu.memory_space<hbm>> -> memref<1x16x128xi32, #tpu.memory_space<hbm>>
      %dma_wait3A_415 = tpu.memref_squeeze %dma_wait3A_414 : memref<1x16x128xi32, #tpu.memory_space<hbm>> -> memref<16x128xi32, #tpu.memory_space<hbm>>
      tpu.wait_dma2 semaphore(%arg16 : memref<!tpu.dma_semaphore, #tpu.memory_space<semaphore_mem>>) src(%dma_wait3A_415 : memref<16x128xi32, #tpu.memory_space<hbm>>) dst(%arg5 : memref<16x128xi32, #tpu.memory_space<vmem>>)
      %dma_wait3A_416 = arith.constant 1 : i32
      %dma_wait3A_417 = arith.constant 0 : i32
      %dma_wait3A_418 = arith.constant 0 : i32
      %dma_wait3A_419 = tpu.memref_slice %arg3[%dma_wait3A_416, %dma_wait3A_417, %dma_wait3A_418] : memref<2x2500x128xi32, #tpu.memory_space<hbm>> -> memref<1x16x128xi32, #tpu.memory_space<hbm>>
      %dma_wait3A_420 = tpu.memref_squeeze %dma_wait3A_419 : memref<1x16x128xi32, #tpu.memory_space<hbm>> -> memref<16x128xi32, #tpu.memory_space<hbm>>
      %dma_wait3A_421 = arith.constant 0 : i32
      %dma_wait3A_422 = arith.constant 0 : i32
      %dma_wait3A_423 = tpu.memref_slice %arg3[%dma_wait3A_416, %dma_wait3A_421, %dma_wait3A_422] : memref<2x2500x128xi32, #tpu.memory_space<hbm>> -> memref<1x16x128xi32, #tpu.memory_space<hbm>>
      %dma_wait3A_424 = tpu.memref_squeeze %dma_wait3A_423 : memref<1x16x128xi32, #tpu.memory_space<hbm>> -> memref<16x128xi32, #tpu.memory_space<hbm>>
      tpu.wait_dma2 semaphore(%arg16 : memref<!tpu.dma_semaphore, #tpu.memory_space<semaphore_mem>>) src(%dma_wait3A_424 : memref<16x128xi32, #tpu.memory_space<hbm>>) dst(%arg6 : memref<16x128xi32, #tpu.memory_space<vmem>>)
      %dma_start3A_425 = arith.constant 0 : i32
      %dma_start3A_426 = arith.constant 0 : i32
      %dma_start3A_427 = tpu.memref_slice %arg5[%dma_start3A_425, %dma_start3A_426] : memref<16x128xi32, #tpu.memory_space<vmem>> -> memref<1x128xi32, #tpu.memory_space<vmem>>
      %dma_start3A_428 = tpu.memref_squeeze %dma_start3A_427 : memref<1x128xi32, #tpu.memory_space<vmem>> -> memref<128xi32, #tpu.memory_space<vmem>>
      %dma_start3A_429 = arith.constant 0 : i32
      %dma_start3A_430 = arith.constant 0 : i32
      %dma_start3A_431 = tpu.memref_slice %arg2[%dma_start3A_429, %dma_start3A_430] : memref<10000x128xf32, #tpu.memory_space<hbm>> -> memref<10000x128xf32, #tpu.memory_space<hbm>>
      tpu.enqueue_indirect_dma source(%dma_start3A_431 : memref<10000x128xf32, #tpu.memory_space<hbm>>) target(%arg9 : memref<128x128xf32, #tpu.memory_space<vmem>>) offsets(%dma_start3A_428 : memref<128xi32, #tpu.memory_space<vmem>>) semaphore(%arg12 : memref<!tpu.dma_semaphore, #tpu.memory_space<semaphore_mem>>)
      %dma_start3A_432 = arith.constant 15 : i32
      %dma_start3A_433 = arith.constant 0 : i32
      %dma_start3A_434 = tpu.memref_slice %arg8[%dma_start3A_432, %dma_start3A_433] : memref<16x128xi32, #tpu.memory_space<vmem>> -> memref<1x128xi32, #tpu.memory_space<vmem>>
      %dma_start3A_435 = tpu.memref_squeeze %dma_start3A_434 : memref<1x128xi32, #tpu.memory_space<vmem>> -> memref<128xi32, #tpu.memory_space<vmem>>
      %dma_start3A_436 = arith.constant 0 : i32
      %dma_start3A_437 = arith.constant 0 : i32
      %dma_start3A_438 = tpu.memref_slice %arg11[%dma_start3A_436, %dma_start3A_437] : memref<10240x128xf32, #tpu.memory_space<vmem_shared>> -> memref<10240x128xf32, #tpu.memory_space<vmem_shared>>
      tpu.enqueue_indirect_dma source(%arg10 : memref<128x128xf32, #tpu.memory_space<vmem>>) target(%dma_start3A_438 : memref<10240x128xf32, #tpu.memory_space<vmem_shared>>) offsets(%dma_start3A_435 : memref<128xi32, #tpu.memory_space<vmem>>) semaphore(%arg15 : memref<!tpu.dma_semaphore, #tpu.memory_space<semaphore_mem>>) {add = true}
      %dma_wait3A_439 = arith.constant 0 : i32
      %dma_wait3A_440 = arith.constant 0 : i32
      %dma_wait3A_441 = tpu.memref_slice %arg8[%dma_wait3A_439, %dma_wait3A_440] : memref<16x128xi32, #tpu.memory_space<vmem>> -> memref<1x128xi32, #tpu.memory_space<vmem>>
      %dma_wait3A_442 = tpu.memref_squeeze %dma_wait3A_441 : memref<1x128xi32, #tpu.memory_space<vmem>> -> memref<128xi32, #tpu.memory_space<vmem>>
      %dma_wait3A_443 = arith.constant 0 : i32
      %dma_wait3A_444 = arith.constant 0 : i32
      %dma_wait3A_445 = tpu.memref_slice %arg11[%dma_wait3A_443, %dma_wait3A_444] : memref<10240x128xf32, #tpu.memory_space<vmem_shared>> -> memref<10240x128xf32, #tpu.memory_space<vmem_shared>>
      tpu.wait_indirect_dma semaphore(%arg15 : memref<!tpu.dma_semaphore, #tpu.memory_space<semaphore_mem>>) src(%arg10 : memref<128x128xf32, #tpu.memory_space<vmem>>) dst(%dma_wait3A_445 : memref<10240x128xf32, #tpu.memory_space<vmem_shared>>)
      %dma_start3A_446 = arith.constant 1 : i32
      %dma_start3A_447 = arith.constant 0 : i32
      %dma_start3A_448 = tpu.memref_slice %arg5[%dma_start3A_446, %dma_start3A_447] : memref<16x128xi32, #tpu.memory_space<vmem>> -> memref<1x128xi32, #tpu.memory_space<vmem>>
      %dma_start3A_449 = tpu.memref_squeeze %dma_start3A_448 : memref<1x128xi32, #tpu.memory_space<vmem>> -> memref<128xi32, #tpu.memory_space<vmem>>
      %dma_start3A_450 = arith.constant 0 : i32
      %dma_start3A_451 = arith.constant 0 : i32
      %dma_start3A_452 = tpu.memref_slice %arg2[%dma_start3A_450, %dma_start3A_451] : memref<10000x128xf32, #tpu.memory_space<hbm>> -> memref<10000x128xf32, #tpu.memory_space<hbm>>
      tpu.enqueue_indirect_dma source(%dma_start3A_452 : memref<10000x128xf32, #tpu.memory_space<hbm>>) target(%arg10 : memref<128x128xf32, #tpu.memory_space<vmem>>) offsets(%dma_start3A_449 : memref<128xi32, #tpu.memory_space<vmem>>) semaphore(%arg13 : memref<!tpu.dma_semaphore, #tpu.memory_space<semaphore_mem>>)
      %scan3A_453 = arith.constant 0 : i32
      %scan3A_454 = arith.constant 7 : i32
      %scan3A_455 = arith.addi %scan3A_453, %scan3A_454 : i32
      %scan3A_456 = arith.constant 1 : i32
      scf.for %scan3A_500 = %scan3A_453 to %scan3A_455 step %scan3A_456  : i32 {
        %mul3A_501 = arith.constant 1 : i32
        %mul3A_502 = arith.muli %scan3A_500, %mul3A_501 : i32
        %add3A_503 = arith.constant 0 : i32
        %add3A_504 = arith.addi %add3A_503, %mul3A_502 : i32
        %mul3A_505 = arith.constant 2 : i32
        %mul3A_506 = arith.muli %mul3A_505, %add3A_504 : i32
        %add3A_507 = arith.constant 1 : i32
        %add3A_508 = arith.addi %mul3A_506, %add3A_507 : i32
        %dma_wait3A_509 = arith.constant 0 : i32
        %dma_wait3A_510 = arith.constant 0 : i32
        %dma_wait3A_511 = tpu.memref_slice %arg5[%dma_wait3A_509, %dma_wait3A_510] : memref<16x128xi32, #tpu.memory_space<vmem>> -> memref<1x128xi32, #tpu.memory_space<vmem>>
        %dma_wait3A_512 = tpu.memref_squeeze %dma_wait3A_511 : memref<1x128xi32, #tpu.memory_space<vmem>> -> memref<128xi32, #tpu.memory_space<vmem>>
        %dma_wait3A_513 = arith.constant 0 : i32
        %dma_wait3A_514 = arith.constant 0 : i32
        %dma_wait3A_515 = tpu.memref_slice %arg2[%dma_wait3A_513, %dma_wait3A_514] : memref<10000x128xf32, #tpu.memory_space<hbm>> -> memref<10000x128xf32, #tpu.memory_space<hbm>>
        tpu.wait_indirect_dma semaphore(%arg12 : memref<!tpu.dma_semaphore, #tpu.memory_space<semaphore_mem>>) src(%dma_wait3A_515 : memref<10000x128xf32, #tpu.memory_space<hbm>>) dst(%arg9 : memref<128x128xf32, #tpu.memory_space<vmem>>)
        %dma_start3A_516 = arith.constant 0 : i32
        %dma_start3A_517 = tpu.memref_slice %arg6[%mul3A_506, %dma_start3A_516] : memref<16x128xi32, #tpu.memory_space<vmem>> -> memref<1x128xi32, #tpu.memory_space<vmem>>
        %dma_start3A_518 = tpu.memref_squeeze %dma_start3A_517 : memref<1x128xi32, #tpu.memory_space<vmem>> -> memref<128xi32, #tpu.memory_space<vmem>>
        %dma_start3A_519 = arith.constant 0 : i32
        %dma_start3A_520 = arith.constant 0 : i32
        %dma_start3A_521 = tpu.memref_slice %arg11[%dma_start3A_519, %dma_start3A_520] : memref<10240x128xf32, #tpu.memory_space<vmem_shared>> -> memref<10240x128xf32, #tpu.memory_space<vmem_shared>>
        tpu.enqueue_indirect_dma source(%arg9 : memref<128x128xf32, #tpu.memory_space<vmem>>) target(%dma_start3A_521 : memref<10240x128xf32, #tpu.memory_space<vmem_shared>>) offsets(%dma_start3A_518 : memref<128xi32, #tpu.memory_space<vmem>>) semaphore(%arg14 : memref<!tpu.dma_semaphore, #tpu.memory_space<semaphore_mem>>) {add = true}
        %dma_wait3A_522 = arith.constant 1 : i32
        %dma_wait3A_523 = arith.constant 0 : i32
        %dma_wait3A_524 = tpu.memref_slice %arg5[%dma_wait3A_522, %dma_wait3A_523] : memref<16x128xi32, #tpu.memory_space<vmem>> -> memref<1x128xi32, #tpu.memory_space<vmem>>
        %dma_wait3A_525 = tpu.memref_squeeze %dma_wait3A_524 : memref<1x128xi32, #tpu.memory_space<vmem>> -> memref<128xi32, #tpu.memory_space<vmem>>
        %dma_wait3A_526 = arith.constant 0 : i32
        %dma_wait3A_527 = arith.constant 0 : i32
        %dma_wait3A_528 = tpu.memref_slice %arg2[%dma_wait3A_526, %dma_wait3A_527] : memref<10000x128xf32, #tpu.memory_space<hbm>> -> memref<10000x128xf32, #tpu.memory_space<hbm>>
        tpu.wait_indirect_dma semaphore(%arg13 : memref<!tpu.dma_semaphore, #tpu.memory_space<semaphore_mem>>) src(%dma_wait3A_528 : memref<10000x128xf32, #tpu.memory_space<hbm>>) dst(%arg10 : memref<128x128xf32, #tpu.memory_space<vmem>>)
        %dma_wait3A_529 = arith.constant 0 : i32
        %dma_wait3A_530 = arith.constant 0 : i32
        %dma_wait3A_531 = tpu.memref_slice %arg6[%dma_wait3A_529, %dma_wait3A_530] : memref<16x128xi32, #tpu.memory_space<vmem>> -> memref<1x128xi32, #tpu.memory_space<vmem>>
        %dma_wait3A_532 = tpu.memref_squeeze %dma_wait3A_531 : memref<1x128xi32, #tpu.memory_space<vmem>> -> memref<128xi32, #tpu.memory_space<vmem>>
        %dma_wait3A_533 = arith.constant 0 : i32
        %dma_wait3A_534 = arith.constant 0 : i32
        %dma_wait3A_535 = tpu.memref_slice %arg11[%dma_wait3A_533, %dma_wait3A_534] : memref<10240x128xf32, #tpu.memory_space<vmem_shared>> -> memref<10240x128xf32, #tpu.memory_space<vmem_shared>>
        tpu.wait_indirect_dma semaphore(%arg14 : memref<!tpu.dma_semaphore, #tpu.memory_space<semaphore_mem>>) src(%arg9 : memref<128x128xf32, #tpu.memory_space<vmem>>) dst(%dma_wait3A_535 : memref<10240x128xf32, #tpu.memory_space<vmem_shared>>)
        %add3A_536 = arith.constant 2 : i32
        %add3A_537 = arith.addi %mul3A_506, %add3A_536 : i32
        %dma_start3A_538 = arith.constant 0 : i32
        %dma_start3A_539 = tpu.memref_slice %arg5[%add3A_537, %dma_start3A_538] : memref<16x128xi32, #tpu.memory_space<vmem>> -> memref<1x128xi32, #tpu.memory_space<vmem>>
        %dma_start3A_540 = tpu.memref_squeeze %dma_start3A_539 : memref<1x128xi32, #tpu.memory_space<vmem>> -> memref<128xi32, #tpu.memory_space<vmem>>
        %dma_start3A_541 = arith.constant 0 : i32
        %dma_start3A_542 = arith.constant 0 : i32
        %dma_start3A_543 = tpu.memref_slice %arg2[%dma_start3A_541, %dma_start3A_542] : memref<10000x128xf32, #tpu.memory_space<hbm>> -> memref<10000x128xf32, #tpu.memory_space<hbm>>
        tpu.enqueue_indirect_dma source(%dma_start3A_543 : memref<10000x128xf32, #tpu.memory_space<hbm>>) target(%arg9 : memref<128x128xf32, #tpu.memory_space<vmem>>) offsets(%dma_start3A_540 : memref<128xi32, #tpu.memory_space<vmem>>) semaphore(%arg12 : memref<!tpu.dma_semaphore, #tpu.memory_space<semaphore_mem>>)
        %dma_start3A_544 = arith.constant 0 : i32
        %dma_start3A_545 = tpu.memref_slice %arg6[%add3A_508, %dma_start3A_544] : memref<16x128xi32, #tpu.memory_space<vmem>> -> memref<1x128xi32, #tpu.memory_space<vmem>>
        %dma_start3A_546 = tpu.memref_squeeze %dma_start3A_545 : memref<1x128xi32, #tpu.memory_space<vmem>> -> memref<128xi32, #tpu.memory_space<vmem>>
        %dma_start3A_547 = arith.constant 0 : i32
        %dma_start3A_548 = arith.constant 0 : i32
        %dma_start3A_549 = tpu.memref_slice %arg11[%dma_start3A_547, %dma_start3A_548] : memref<10240x128xf32, #tpu.memory_space<vmem_shared>> -> memref<10240x128xf32, #tpu.memory_space<vmem_shared>>
        tpu.enqueue_indirect_dma source(%arg10 : memref<128x128xf32, #tpu.memory_space<vmem>>) target(%dma_start3A_549 : memref<10240x128xf32, #tpu.memory_space<vmem_shared>>) offsets(%dma_start3A_546 : memref<128xi32, #tpu.memory_space<vmem>>) semaphore(%arg15 : memref<!tpu.dma_semaphore, #tpu.memory_space<semaphore_mem>>) {add = true}
        %dma_wait3A_550 = arith.constant 0 : i32
        %dma_wait3A_551 = arith.constant 0 : i32
        %dma_wait3A_552 = tpu.memref_slice %arg6[%dma_wait3A_550, %dma_wait3A_551] : memref<16x128xi32, #tpu.memory_space<vmem>> -> memref<1x128xi32, #tpu.memory_space<vmem>>
        %dma_wait3A_553 = tpu.memref_squeeze %dma_wait3A_552 : memref<1x128xi32, #tpu.memory_space<vmem>> -> memref<128xi32, #tpu.memory_space<vmem>>
        %dma_wait3A_554 = arith.constant 0 : i32
        %dma_wait3A_555 = arith.constant 0 : i32
        %dma_wait3A_556 = tpu.memref_slice %arg11[%dma_wait3A_554, %dma_wait3A_555] : memref<10240x128xf32, #tpu.memory_space<vmem_shared>> -> memref<10240x128xf32, #tpu.memory_space<vmem_shared>>
        tpu.wait_indirect_dma semaphore(%arg15 : memref<!tpu.dma_semaphore, #tpu.memory_space<semaphore_mem>>) src(%arg10 : memref<128x128xf32, #tpu.memory_space<vmem>>) dst(%dma_wait3A_556 : memref<10240x128xf32, #tpu.memory_space<vmem_shared>>)
        %add3A_557 = arith.constant 2 : i32
        %add3A_558 = arith.addi %add3A_508, %add3A_557 : i32
        %dma_start3A_559 = arith.constant 0 : i32
        %dma_start3A_560 = tpu.memref_slice %arg5[%add3A_558, %dma_start3A_559] : memref<16x128xi32, #tpu.memory_space<vmem>> -> memref<1x128xi32, #tpu.memory_space<vmem>>
        %dma_start3A_561 = tpu.memref_squeeze %dma_start3A_560 : memref<1x128xi32, #tpu.memory_space<vmem>> -> memref<128xi32, #tpu.memory_space<vmem>>
        %dma_start3A_562 = arith.constant 0 : i32
        %dma_start3A_563 = arith.constant 0 : i32
        %dma_start3A_564 = tpu.memref_slice %arg2[%dma_start3A_562, %dma_start3A_563] : memref<10000x128xf32, #tpu.memory_space<hbm>> -> memref<10000x128xf32, #tpu.memory_space<hbm>>
        tpu.enqueue_indirect_dma source(%dma_start3A_564 : memref<10000x128xf32, #tpu.memory_space<hbm>>) target(%arg10 : memref<128x128xf32, #tpu.memory_space<vmem>>) offsets(%dma_start3A_561 : memref<128xi32, #tpu.memory_space<vmem>>) semaphore(%arg13 : memref<!tpu.dma_semaphore, #tpu.memory_space<semaphore_mem>>)
      }
      %scan3A_457 = arith.constant 7 : i32
      %dma_wait3A_458 = arith.constant 0 : i32
      %dma_wait3A_459 = arith.constant 0 : i32
      %dma_wait3A_460 = tpu.memref_slice %arg5[%dma_wait3A_458, %dma_wait3A_459] : memref<16x128xi32, #tpu.memory_space<vmem>> -> memref<1x128xi32, #tpu.memory_space<vmem>>
      %dma_wait3A_461 = tpu.memref_squeeze %dma_wait3A_460 : memref<1x128xi32, #tpu.memory_space<vmem>> -> memref<128xi32, #tpu.memory_space<vmem>>
      %dma_wait3A_462 = arith.constant 0 : i32
      %dma_wait3A_463 = arith.constant 0 : i32
      %dma_wait3A_464 = tpu.memref_slice %arg2[%dma_wait3A_462, %dma_wait3A_463] : memref<10000x128xf32, #tpu.memory_space<hbm>> -> memref<10000x128xf32, #tpu.memory_space<hbm>>
      tpu.wait_indirect_dma semaphore(%arg12 : memref<!tpu.dma_semaphore, #tpu.memory_space<semaphore_mem>>) src(%dma_wait3A_464 : memref<10000x128xf32, #tpu.memory_space<hbm>>) dst(%arg9 : memref<128x128xf32, #tpu.memory_space<vmem>>)
      %dma_start3A_465 = arith.constant 14 : i32
      %dma_start3A_466 = arith.constant 0 : i32
      %dma_start3A_467 = tpu.memref_slice %arg6[%dma_start3A_465, %dma_start3A_466] : memref<16x128xi32, #tpu.memory_space<vmem>> -> memref<1x128xi32, #tpu.memory_space<vmem>>
      %dma_start3A_468 = tpu.memref_squeeze %dma_start3A_467 : memref<1x128xi32, #tpu.memory_space<vmem>> -> memref<128xi32, #tpu.memory_space<vmem>>
      %dma_start3A_469 = arith.constant 0 : i32
      %dma_start3A_470 = arith.constant 0 : i32
      %dma_start3A_471 = tpu.memref_slice %arg11[%dma_start3A_469, %dma_start3A_470] : memref<10240x128xf32, #tpu.memory_space<vmem_shared>> -> memref<10240x128xf32, #tpu.memory_space<vmem_shared>>
      tpu.enqueue_indirect_dma source(%arg9 : memref<128x128xf32, #tpu.memory_space<vmem>>) target(%dma_start3A_471 : memref<10240x128xf32, #tpu.memory_space<vmem_shared>>) offsets(%dma_start3A_468 : memref<128xi32, #tpu.memory_space<vmem>>) semaphore(%arg14 : memref<!tpu.dma_semaphore, #tpu.memory_space<semaphore_mem>>) {add = true}
      %dma_wait3A_472 = arith.constant 1 : i32
      %dma_wait3A_473 = arith.constant 0 : i32
      %dma_wait3A_474 = tpu.memref_slice %arg5[%dma_wait3A_472, %dma_wait3A_473] : memref<16x128xi32, #tpu.memory_space<vmem>> -> memref<1x128xi32, #tpu.memory_space<vmem>>
      %dma_wait3A_475 = tpu.memref_squeeze %dma_wait3A_474 : memref<1x128xi32, #tpu.memory_space<vmem>> -> memref<128xi32, #tpu.memory_space<vmem>>
      %dma_wait3A_476 = arith.constant 0 : i32
      %dma_wait3A_477 = arith.constant 0 : i32
      %dma_wait3A_478 = tpu.memref_slice %arg2[%dma_wait3A_476, %dma_wait3A_477] : memref<10000x128xf32, #tpu.memory_space<hbm>> -> memref<10000x128xf32, #tpu.memory_space<hbm>>
      tpu.wait_indirect_dma semaphore(%arg13 : memref<!tpu.dma_semaphore, #tpu.memory_space<semaphore_mem>>) src(%dma_wait3A_478 : memref<10000x128xf32, #tpu.memory_space<hbm>>) dst(%arg10 : memref<128x128xf32, #tpu.memory_space<vmem>>)
      %dma_wait3A_479 = arith.constant 0 : i32
      %dma_wait3A_480 = arith.constant 0 : i32
      %dma_wait3A_481 = tpu.memref_slice %arg6[%dma_wait3A_479, %dma_wait3A_480] : memref<16x128xi32, #tpu.memory_space<vmem>> -> memref<1x128xi32, #tpu.memory_space<vmem>>
      %dma_wait3A_482 = tpu.memref_squeeze %dma_wait3A_481 : memref<1x128xi32, #tpu.memory_space<vmem>> -> memref<128xi32, #tpu.memory_space<vmem>>
      %dma_wait3A_483 = arith.constant 0 : i32
      %dma_wait3A_484 = arith.constant 0 : i32
      %dma_wait3A_485 = tpu.memref_slice %arg11[%dma_wait3A_483, %dma_wait3A_484] : memref<10240x128xf32, #tpu.memory_space<vmem_shared>> -> memref<10240x128xf32, #tpu.memory_space<vmem_shared>>
      tpu.wait_indirect_dma semaphore(%arg14 : memref<!tpu.dma_semaphore, #tpu.memory_space<semaphore_mem>>) src(%arg9 : memref<128x128xf32, #tpu.memory_space<vmem>>) dst(%dma_wait3A_485 : memref<10240x128xf32, #tpu.memory_space<vmem_shared>>)
      %dma_start3A_486 = arith.constant 15 : i32
      %dma_start3A_487 = arith.constant 0 : i32
      %dma_start3A_488 = tpu.memref_slice %arg6[%dma_start3A_486, %dma_start3A_487] : memref<16x128xi32, #tpu.memory_space<vmem>> -> memref<1x128xi32, #tpu.memory_space<vmem>>
      %dma_start3A_489 = tpu.memref_squeeze %dma_start3A_488 : memref<1x128xi32, #tpu.memory_space<vmem>> -> memref<128xi32, #tpu.memory_space<vmem>>
      %dma_start3A_490 = arith.constant 0 : i32
      %dma_start3A_491 = arith.constant 0 : i32
      %dma_start3A_492 = tpu.memref_slice %arg11[%dma_start3A_490, %dma_start3A_491] : memref<10240x128xf32, #tpu.memory_space<vmem_shared>> -> memref<10240x128xf32, #tpu.memory_space<vmem_shared>>
      tpu.enqueue_indirect_dma source(%arg10 : memref<128x128xf32, #tpu.memory_space<vmem>>) target(%dma_start3A_492 : memref<10240x128xf32, #tpu.memory_space<vmem_shared>>) offsets(%dma_start3A_489 : memref<128xi32, #tpu.memory_space<vmem>>) semaphore(%arg15 : memref<!tpu.dma_semaphore, #tpu.memory_space<semaphore_mem>>) {add = true}
      %dma_wait3A_493 = arith.constant 0 : i32
      %dma_wait3A_494 = arith.constant 0 : i32
      %dma_wait3A_495 = tpu.memref_slice %arg6[%dma_wait3A_493, %dma_wait3A_494] : memref<16x128xi32, #tpu.memory_space<vmem>> -> memref<1x128xi32, #tpu.memory_space<vmem>>
      %dma_wait3A_496 = tpu.memref_squeeze %dma_wait3A_495 : memref<1x128xi32, #tpu.memory_space<vmem>> -> memref<128xi32, #tpu.memory_space<vmem>>
      %dma_wait3A_497 = arith.constant 0 : i32
      %dma_wait3A_498 = arith.constant 0 : i32
      %dma_wait3A_499 = tpu.memref_slice %arg11[%dma_wait3A_497, %dma_wait3A_498] : memref<10240x128xf32, #tpu.memory_space<vmem_shared>> -> memref<10240x128xf32, #tpu.memory_space<vmem_shared>>
      tpu.wait_indirect_dma semaphore(%arg15 : memref<!tpu.dma_semaphore, #tpu.memory_space<semaphore_mem>>) src(%arg10 : memref<128x128xf32, #tpu.memory_space<vmem>>) dst(%dma_wait3A_499 : memref<10240x128xf32, #tpu.memory_space<vmem_shared>>)
    } else {
    }
    %eq3A = arith.constant 31 : i32
    %eq3A_32 = arith.cmpi eq, %add3A, %eq3A : i32
    %convert_element_type3A_33 = arith.extui %eq3A_32 : i1 to i32
    %cond3A_34 = arith.constant 0 : i32
    %cond3A_35 = arith.cmpi ne, %convert_element_type3A_33, %cond3A_34 : i32
    scf.if %cond3A_35 {
      %run_scoped3A = arith.constant 0 : i32
      "tpu.region"() ({
        %run_scoped3A_54 = tpu.sem_alloc : memref<!tpu.dma_semaphore, #tpu.memory_space<semaphore_mem>>
        %dma_start3A = arith.constant 2480 : i32
        %dma_start3A_55 = arith.constant 0 : i32
        %dma_start3A_56 = tpu.memref_slice %arg3[%run_scoped3A, %dma_start3A, %dma_start3A_55] : memref<2x2500x128xi32, #tpu.memory_space<hbm>> -> memref<1x16x128xi32, #tpu.memory_space<hbm>>
        %dma_start3A_57 = tpu.memref_squeeze %dma_start3A_56 : memref<1x16x128xi32, #tpu.memory_space<hbm>> -> memref<16x128xi32, #tpu.memory_space<hbm>>
        %dma_start3A_58 = arith.constant 2480 : i32
        %dma_start3A_59 = arith.constant 0 : i32
        %dma_start3A_60 = tpu.memref_slice %arg3[%run_scoped3A, %dma_start3A_58, %dma_start3A_59] : memref<2x2500x128xi32, #tpu.memory_space<hbm>> -> memref<1x16x128xi32, #tpu.memory_space<hbm>>
        %dma_start3A_61 = tpu.memref_squeeze %dma_start3A_60 : memref<1x16x128xi32, #tpu.memory_space<hbm>> -> memref<16x128xi32, #tpu.memory_space<hbm>>
        tpu.enqueue_dma source(%dma_start3A_61 : memref<16x128xi32, #tpu.memory_space<hbm>>) target(%arg5 : memref<16x128xi32, #tpu.memory_space<vmem>>) target_semaphore(%run_scoped3A_54 : memref<!tpu.dma_semaphore, #tpu.memory_space<semaphore_mem>>)
        %dma_wait3A = arith.constant 2480 : i32
        %dma_wait3A_62 = arith.constant 0 : i32
        %dma_wait3A_63 = tpu.memref_slice %arg3[%run_scoped3A, %dma_wait3A, %dma_wait3A_62] : memref<2x2500x128xi32, #tpu.memory_space<hbm>> -> memref<1x16x128xi32, #tpu.memory_space<hbm>>
        %dma_wait3A_64 = tpu.memref_squeeze %dma_wait3A_63 : memref<1x16x128xi32, #tpu.memory_space<hbm>> -> memref<16x128xi32, #tpu.memory_space<hbm>>
        %dma_wait3A_65 = arith.constant 2480 : i32
        %dma_wait3A_66 = arith.constant 0 : i32
        %dma_wait3A_67 = tpu.memref_slice %arg3[%run_scoped3A, %dma_wait3A_65, %dma_wait3A_66] : memref<2x2500x128xi32, #tpu.memory_space<hbm>> -> memref<1x16x128xi32, #tpu.memory_space<hbm>>
        %dma_wait3A_68 = tpu.memref_squeeze %dma_wait3A_67 : memref<1x16x128xi32, #tpu.memory_space<hbm>> -> memref<16x128xi32, #tpu.memory_space<hbm>>
        tpu.wait_dma2 semaphore(%run_scoped3A_54 : memref<!tpu.dma_semaphore, #tpu.memory_space<semaphore_mem>>) src(%dma_wait3A_68 : memref<16x128xi32, #tpu.memory_space<hbm>>) dst(%arg5 : memref<16x128xi32, #tpu.memory_space<vmem>>)
        tpu.yield
      }) : () -> ()
      %run_scoped3A_41 = arith.constant 1 : i32
      "tpu.region"() ({
        %run_scoped3A_54 = tpu.sem_alloc : memref<!tpu.dma_semaphore, #tpu.memory_space<semaphore_mem>>
        %dma_start3A = arith.constant 2480 : i32
        %dma_start3A_55 = arith.constant 0 : i32
        %dma_start3A_56 = tpu.memref_slice %arg3[%run_scoped3A_41, %dma_start3A, %dma_start3A_55] : memref<2x2500x128xi32, #tpu.memory_space<hbm>> -> memref<1x16x128xi32, #tpu.memory_space<hbm>>
        %dma_start3A_57 = tpu.memref_squeeze %dma_start3A_56 : memref<1x16x128xi32, #tpu.memory_space<hbm>> -> memref<16x128xi32, #tpu.memory_space<hbm>>
        %dma_start3A_58 = arith.constant 2480 : i32
        %dma_start3A_59 = arith.constant 0 : i32
        %dma_start3A_60 = tpu.memref_slice %arg3[%run_scoped3A_41, %dma_start3A_58, %dma_start3A_59] : memref<2x2500x128xi32, #tpu.memory_space<hbm>> -> memref<1x16x128xi32, #tpu.memory_space<hbm>>
        %dma_start3A_61 = tpu.memref_squeeze %dma_start3A_60 : memref<1x16x128xi32, #tpu.memory_space<hbm>> -> memref<16x128xi32, #tpu.memory_space<hbm>>
        tpu.enqueue_dma source(%dma_start3A_61 : memref<16x128xi32, #tpu.memory_space<hbm>>) target(%arg6 : memref<16x128xi32, #tpu.memory_space<vmem>>) target_semaphore(%run_scoped3A_54 : memref<!tpu.dma_semaphore, #tpu.memory_space<semaphore_mem>>)
        %dma_wait3A = arith.constant 2480 : i32
        %dma_wait3A_62 = arith.constant 0 : i32
        %dma_wait3A_63 = tpu.memref_slice %arg3[%run_scoped3A_41, %dma_wait3A, %dma_wait3A_62] : memref<2x2500x128xi32, #tpu.memory_space<hbm>> -> memref<1x16x128xi32, #tpu.memory_space<hbm>>
        %dma_wait3A_64 = tpu.memref_squeeze %dma_wait3A_63 : memref<1x16x128xi32, #tpu.memory_space<hbm>> -> memref<16x128xi32, #tpu.memory_space<hbm>>
        %dma_wait3A_65 = arith.constant 2480 : i32
        %dma_wait3A_66 = arith.constant 0 : i32
        %dma_wait3A_67 = tpu.memref_slice %arg3[%run_scoped3A_41, %dma_wait3A_65, %dma_wait3A_66] : memref<2x2500x128xi32, #tpu.memory_space<hbm>> -> memref<1x16x128xi32, #tpu.memory_space<hbm>>
        %dma_wait3A_68 = tpu.memref_squeeze %dma_wait3A_67 : memref<1x16x128xi32, #tpu.memory_space<hbm>> -> memref<16x128xi32, #tpu.memory_space<hbm>>
        tpu.wait_dma2 semaphore(%run_scoped3A_54 : memref<!tpu.dma_semaphore, #tpu.memory_space<semaphore_mem>>) src(%dma_wait3A_68 : memref<16x128xi32, #tpu.memory_space<hbm>>) dst(%arg6 : memref<16x128xi32, #tpu.memory_space<vmem>>)
        tpu.yield
      }) : () -> ()
      %run_scoped3A_42 = arith.constant 0 : i32
      "tpu.region"() ({
        %run_scoped3A_54 = tpu.sem_alloc : memref<!tpu.dma_semaphore, #tpu.memory_space<semaphore_mem>>
        %dma_start3A = arith.constant 0 : i32
        %dma_start3A_55 = arith.constant 0 : i32
        %dma_start3A_56 = tpu.memref_slice %arg7[%dma_start3A, %dma_start3A_55] : memref<16x128xi32, #tpu.memory_space<vmem>> -> memref<4x128xi32, #tpu.memory_space<vmem>>
        %dma_start3A_57 = arith.constant 2496 : i32
        %dma_start3A_58 = arith.constant 0 : i32
        %dma_start3A_59 = tpu.memref_slice %arg3[%run_scoped3A_42, %dma_start3A_57, %dma_start3A_58] : memref<2x2500x128xi32, #tpu.memory_space<hbm>> -> memref<1x4x128xi32, #tpu.memory_space<hbm>>
        %dma_start3A_60 = tpu.memref_squeeze %dma_start3A_59 : memref<1x4x128xi32, #tpu.memory_space<hbm>> -> memref<4x128xi32, #tpu.memory_space<hbm>>
        %dma_start3A_61 = arith.constant 0 : i32
        %dma_start3A_62 = arith.constant 0 : i32
        %dma_start3A_63 = tpu.memref_slice %arg7[%dma_start3A_61, %dma_start3A_62] : memref<16x128xi32, #tpu.memory_space<vmem>> -> memref<4x128xi32, #tpu.memory_space<vmem>>
        %dma_start3A_64 = arith.constant 2496 : i32
        %dma_start3A_65 = arith.constant 0 : i32
        %dma_start3A_66 = tpu.memref_slice %arg3[%run_scoped3A_42, %dma_start3A_64, %dma_start3A_65] : memref<2x2500x128xi32, #tpu.memory_space<hbm>> -> memref<1x4x128xi32, #tpu.memory_space<hbm>>
        %dma_start3A_67 = tpu.memref_squeeze %dma_start3A_66 : memref<1x4x128xi32, #tpu.memory_space<hbm>> -> memref<4x128xi32, #tpu.memory_space<hbm>>
        tpu.enqueue_dma source(%dma_start3A_67 : memref<4x128xi32, #tpu.memory_space<hbm>>) target(%dma_start3A_63 : memref<4x128xi32, #tpu.memory_space<vmem>>) target_semaphore(%run_scoped3A_54 : memref<!tpu.dma_semaphore, #tpu.memory_space<semaphore_mem>>)
        %dma_wait3A = arith.constant 0 : i32
        %dma_wait3A_68 = arith.constant 0 : i32
        %dma_wait3A_69 = tpu.memref_slice %arg7[%dma_wait3A, %dma_wait3A_68] : memref<16x128xi32, #tpu.memory_space<vmem>> -> memref<4x128xi32, #tpu.memory_space<vmem>>
        %dma_wait3A_70 = arith.constant 2496 : i32
        %dma_wait3A_71 = arith.constant 0 : i32
        %dma_wait3A_72 = tpu.memref_slice %arg3[%run_scoped3A_42, %dma_wait3A_70, %dma_wait3A_71] : memref<2x2500x128xi32, #tpu.memory_space<hbm>> -> memref<1x4x128xi32, #tpu.memory_space<hbm>>
        %dma_wait3A_73 = tpu.memref_squeeze %dma_wait3A_72 : memref<1x4x128xi32, #tpu.memory_space<hbm>> -> memref<4x128xi32, #tpu.memory_space<hbm>>
        %dma_wait3A_74 = arith.constant 0 : i32
        %dma_wait3A_75 = arith.constant 0 : i32
        %dma_wait3A_76 = tpu.memref_slice %arg7[%dma_wait3A_74, %dma_wait3A_75] : memref<16x128xi32, #tpu.memory_space<vmem>> -> memref<4x128xi32, #tpu.memory_space<vmem>>
        %dma_wait3A_77 = arith.constant 2496 : i32
        %dma_wait3A_78 = arith.constant 0 : i32
        %dma_wait3A_79 = tpu.memref_slice %arg3[%run_scoped3A_42, %dma_wait3A_77, %dma_wait3A_78] : memref<2x2500x128xi32, #tpu.memory_space<hbm>> -> memref<1x4x128xi32, #tpu.memory_space<hbm>>
        %dma_wait3A_80 = tpu.memref_squeeze %dma_wait3A_79 : memref<1x4x128xi32, #tpu.memory_space<hbm>> -> memref<4x128xi32, #tpu.memory_space<hbm>>
        tpu.wait_dma2 semaphore(%run_scoped3A_54 : memref<!tpu.dma_semaphore, #tpu.memory_space<semaphore_mem>>) src(%dma_wait3A_80 : memref<4x128xi32, #tpu.memory_space<hbm>>) dst(%dma_wait3A_76 : memref<4x128xi32, #tpu.memory_space<vmem>>)
        tpu.yield
      }) : () -> ()
      %run_scoped3A_43 = arith.constant 1 : i32
      "tpu.region"() ({
        %run_scoped3A_54 = tpu.sem_alloc : memref<!tpu.dma_semaphore, #tpu.memory_space<semaphore_mem>>
        %dma_start3A = arith.constant 0 : i32
        %dma_start3A_55 = arith.constant 0 : i32
        %dma_start3A_56 = tpu.memref_slice %arg8[%dma_start3A, %dma_start3A_55] : memref<16x128xi32, #tpu.memory_space<vmem>> -> memref<4x128xi32, #tpu.memory_space<vmem>>
        %dma_start3A_57 = arith.constant 2496 : i32
        %dma_start3A_58 = arith.constant 0 : i32
        %dma_start3A_59 = tpu.memref_slice %arg3[%run_scoped3A_43, %dma_start3A_57, %dma_start3A_58] : memref<2x2500x128xi32, #tpu.memory_space<hbm>> -> memref<1x4x128xi32, #tpu.memory_space<hbm>>
        %dma_start3A_60 = tpu.memref_squeeze %dma_start3A_59 : memref<1x4x128xi32, #tpu.memory_space<hbm>> -> memref<4x128xi32, #tpu.memory_space<hbm>>
        %dma_start3A_61 = arith.constant 0 : i32
        %dma_start3A_62 = arith.constant 0 : i32
        %dma_start3A_63 = tpu.memref_slice %arg8[%dma_start3A_61, %dma_start3A_62] : memref<16x128xi32, #tpu.memory_space<vmem>> -> memref<4x128xi32, #tpu.memory_space<vmem>>
        %dma_start3A_64 = arith.constant 2496 : i32
        %dma_start3A_65 = arith.constant 0 : i32
        %dma_start3A_66 = tpu.memref_slice %arg3[%run_scoped3A_43, %dma_start3A_64, %dma_start3A_65] : memref<2x2500x128xi32, #tpu.memory_space<hbm>> -> memref<1x4x128xi32, #tpu.memory_space<hbm>>
        %dma_start3A_67 = tpu.memref_squeeze %dma_start3A_66 : memref<1x4x128xi32, #tpu.memory_space<hbm>> -> memref<4x128xi32, #tpu.memory_space<hbm>>
        tpu.enqueue_dma source(%dma_start3A_67 : memref<4x128xi32, #tpu.memory_space<hbm>>) target(%dma_start3A_63 : memref<4x128xi32, #tpu.memory_space<vmem>>) target_semaphore(%run_scoped3A_54 : memref<!tpu.dma_semaphore, #tpu.memory_space<semaphore_mem>>)
        %dma_wait3A = arith.constant 0 : i32
        %dma_wait3A_68 = arith.constant 0 : i32
        %dma_wait3A_69 = tpu.memref_slice %arg8[%dma_wait3A, %dma_wait3A_68] : memref<16x128xi32, #tpu.memory_space<vmem>> -> memref<4x128xi32, #tpu.memory_space<vmem>>
        %dma_wait3A_70 = arith.constant 2496 : i32
        %dma_wait3A_71 = arith.constant 0 : i32
        %dma_wait3A_72 = tpu.memref_slice %arg3[%run_scoped3A_43, %dma_wait3A_70, %dma_wait3A_71] : memref<2x2500x128xi32, #tpu.memory_space<hbm>> -> memref<1x4x128xi32, #tpu.memory_space<hbm>>
        %dma_wait3A_73 = tpu.memref_squeeze %dma_wait3A_72 : memref<1x4x128xi32, #tpu.memory_space<hbm>> -> memref<4x128xi32, #tpu.memory_space<hbm>>
        %dma_wait3A_74 = arith.constant 0 : i32
        %dma_wait3A_75 = arith.constant 0 : i32
        %dma_wait3A_76 = tpu.memref_slice %arg8[%dma_wait3A_74, %dma_wait3A_75] : memref<16x128xi32, #tpu.memory_space<vmem>> -> memref<4x128xi32, #tpu.memory_space<vmem>>
        %dma_wait3A_77 = arith.constant 2496 : i32
        %dma_wait3A_78 = arith.constant 0 : i32
        %dma_wait3A_79 = tpu.memref_slice %arg3[%run_scoped3A_43, %dma_wait3A_77, %dma_wait3A_78] : memref<2x2500x128xi32, #tpu.memory_space<hbm>> -> memref<1x4x128xi32, #tpu.memory_space<hbm>>
        %dma_wait3A_80 = tpu.memref_squeeze %dma_wait3A_79 : memref<1x4x128xi32, #tpu.memory_space<hbm>> -> memref<4x128xi32, #tpu.memory_space<hbm>>
        tpu.wait_dma2 semaphore(%run_scoped3A_54 : memref<!tpu.dma_semaphore, #tpu.memory_space<semaphore_mem>>) src(%dma_wait3A_80 : memref<4x128xi32, #tpu.memory_space<hbm>>) dst(%dma_wait3A_76 : memref<4x128xi32, #tpu.memory_space<vmem>>)
        tpu.yield
      }) : () -> ()
      %scan3A_44 = arith.constant 0 : i32
      %scan3A_45 = arith.constant 16 : i32
      %scan3A_46 = arith.addi %scan3A_44, %scan3A_45 : i32
      %scan3A_47 = arith.constant 1 : i32
      scf.for %scan3A_54 = %scan3A_44 to %scan3A_46 step %scan3A_47  : i32 {
        %mul3A_55 = arith.constant 1 : i32
        %mul3A_56 = arith.muli %scan3A_54, %mul3A_55 : i32
        %add3A_57 = arith.constant 0 : i32
        %add3A_58 = arith.addi %add3A_57, %mul3A_56 : i32
        %dma_start3A = arith.constant 0 : i32
        %dma_start3A_59 = tpu.memref_slice %arg5[%add3A_58, %dma_start3A] : memref<16x128xi32, #tpu.memory_space<vmem>> -> memref<1x128xi32, #tpu.memory_space<vmem>>
        %dma_start3A_60 = tpu.memref_squeeze %dma_start3A_59 : memref<1x128xi32, #tpu.memory_space<vmem>> -> memref<128xi32, #tpu.memory_space<vmem>>
        %dma_start3A_61 = arith.constant 0 : i32
        %dma_start3A_62 = arith.constant 0 : i32
        %dma_start3A_63 = tpu.memref_slice %arg2[%dma_start3A_61, %dma_start3A_62] : memref<10000x128xf32, #tpu.memory_space<hbm>> -> memref<10000x128xf32, #tpu.memory_space<hbm>>
        tpu.enqueue_indirect_dma source(%dma_start3A_63 : memref<10000x128xf32, #tpu.memory_space<hbm>>) target(%arg9 : memref<128x128xf32, #tpu.memory_space<vmem>>) offsets(%dma_start3A_60 : memref<128xi32, #tpu.memory_space<vmem>>) semaphore(%arg12 : memref<!tpu.dma_semaphore, #tpu.memory_space<semaphore_mem>>)
        %dma_wait3A = arith.constant 0 : i32
        %dma_wait3A_64 = tpu.memref_slice %arg5[%add3A_58, %dma_wait3A] : memref<16x128xi32, #tpu.memory_space<vmem>> -> memref<1x128xi32, #tpu.memory_space<vmem>>
        %dma_wait3A_65 = tpu.memref_squeeze %dma_wait3A_64 : memref<1x128xi32, #tpu.memory_space<vmem>> -> memref<128xi32, #tpu.memory_space<vmem>>
        %dma_wait3A_66 = arith.constant 0 : i32
        %dma_wait3A_67 = arith.constant 0 : i32
        %dma_wait3A_68 = tpu.memref_slice %arg2[%dma_wait3A_66, %dma_wait3A_67] : memref<10000x128xf32, #tpu.memory_space<hbm>> -> memref<10000x128xf32, #tpu.memory_space<hbm>>
        tpu.wait_indirect_dma semaphore(%arg12 : memref<!tpu.dma_semaphore, #tpu.memory_space<semaphore_mem>>) src(%dma_wait3A_68 : memref<10000x128xf32, #tpu.memory_space<hbm>>) dst(%arg9 : memref<128x128xf32, #tpu.memory_space<vmem>>)
        "tpu.region"() ({
          %run_scoped3A_69 = tpu.sem_alloc : memref<!tpu.dma_semaphore, #tpu.memory_space<semaphore_mem>>
          %dma_start3A_70 = arith.constant 0 : i32
          %dma_start3A_71 = tpu.memref_slice %arg6[%add3A_58, %dma_start3A_70] : memref<16x128xi32, #tpu.memory_space<vmem>> -> memref<1x128xi32, #tpu.memory_space<vmem>>
          %dma_start3A_72 = tpu.memref_squeeze %dma_start3A_71 : memref<1x128xi32, #tpu.memory_space<vmem>> -> memref<128xi32, #tpu.memory_space<vmem>>
          %dma_start3A_73 = arith.constant 0 : i32
          %dma_start3A_74 = arith.constant 0 : i32
          %dma_start3A_75 = tpu.memref_slice %arg11[%dma_start3A_73, %dma_start3A_74] : memref<10240x128xf32, #tpu.memory_space<vmem_shared>> -> memref<10240x128xf32, #tpu.memory_space<vmem_shared>>
          tpu.enqueue_indirect_dma source(%arg9 : memref<128x128xf32, #tpu.memory_space<vmem>>) target(%dma_start3A_75 : memref<10240x128xf32, #tpu.memory_space<vmem_shared>>) offsets(%dma_start3A_72 : memref<128xi32, #tpu.memory_space<vmem>>) semaphore(%run_scoped3A_69 : memref<!tpu.dma_semaphore, #tpu.memory_space<semaphore_mem>>) {add = true}
          %dma_wait3A_76 = arith.constant 0 : i32
          %dma_wait3A_77 = tpu.memref_slice %arg6[%add3A_58, %dma_wait3A_76] : memref<16x128xi32, #tpu.memory_space<vmem>> -> memref<1x128xi32, #tpu.memory_space<vmem>>
          %dma_wait3A_78 = tpu.memref_squeeze %dma_wait3A_77 : memref<1x128xi32, #tpu.memory_space<vmem>> -> memref<128xi32, #tpu.memory_space<vmem>>
          %dma_wait3A_79 = arith.constant 0 : i32
          %dma_wait3A_80 = arith.constant 0 : i32
          %dma_wait3A_81 = tpu.memref_slice %arg11[%dma_wait3A_79, %dma_wait3A_80] : memref<10240x128xf32, #tpu.memory_space<vmem_shared>> -> memref<10240x128xf32, #tpu.memory_space<vmem_shared>>
          tpu.wait_indirect_dma semaphore(%run_scoped3A_69 : memref<!tpu.dma_semaphore, #tpu.memory_space<semaphore_mem>>) src(%arg9 : memref<128x128xf32, #tpu.memory_space<vmem>>) dst(%dma_wait3A_81 : memref<10240x128xf32, #tpu.memory_space<vmem_shared>>)
          tpu.yield
        }) : () -> ()
      }
      %scan3A_48 = arith.constant 16 : i32
      %scan3A_49 = arith.constant 0 : i32
      %scan3A_50 = arith.constant 4 : i32
      %scan3A_51 = arith.addi %scan3A_49, %scan3A_50 : i32
      %scan3A_52 = arith.constant 1 : i32
      scf.for %scan3A_54 = %scan3A_49 to %scan3A_51 step %scan3A_52  : i32 {
        %mul3A_55 = arith.constant 1 : i32
        %mul3A_56 = arith.muli %scan3A_54, %mul3A_55 : i32
        %add3A_57 = arith.constant 0 : i32
        %add3A_58 = arith.addi %add3A_57, %mul3A_56 : i32
        %dma_start3A = arith.constant 0 : i32
        %dma_start3A_59 = tpu.memref_slice %arg7[%add3A_58, %dma_start3A] : memref<16x128xi32, #tpu.memory_space<vmem>> -> memref<1x128xi32, #tpu.memory_space<vmem>>
        %dma_start3A_60 = tpu.memref_squeeze %dma_start3A_59 : memref<1x128xi32, #tpu.memory_space<vmem>> -> memref<128xi32, #tpu.memory_space<vmem>>
        %dma_start3A_61 = arith.constant 0 : i32
        %dma_start3A_62 = arith.constant 0 : i32
        %dma_start3A_63 = tpu.memref_slice %arg2[%dma_start3A_61, %dma_start3A_62] : memref<10000x128xf32, #tpu.memory_space<hbm>> -> memref<10000x128xf32, #tpu.memory_space<hbm>>
        tpu.enqueue_indirect_dma source(%dma_start3A_63 : memref<10000x128xf32, #tpu.memory_space<hbm>>) target(%arg9 : memref<128x128xf32, #tpu.memory_space<vmem>>) offsets(%dma_start3A_60 : memref<128xi32, #tpu.memory_space<vmem>>) semaphore(%arg12 : memref<!tpu.dma_semaphore, #tpu.memory_space<semaphore_mem>>)
        %dma_wait3A = arith.constant 0 : i32
        %dma_wait3A_64 = tpu.memref_slice %arg7[%add3A_58, %dma_wait3A] : memref<16x128xi32, #tpu.memory_space<vmem>> -> memref<1x128xi32, #tpu.memory_space<vmem>>
        %dma_wait3A_65 = tpu.memref_squeeze %dma_wait3A_64 : memref<1x128xi32, #tpu.memory_space<vmem>> -> memref<128xi32, #tpu.memory_space<vmem>>
        %dma_wait3A_66 = arith.constant 0 : i32
        %dma_wait3A_67 = arith.constant 0 : i32
        %dma_wait3A_68 = tpu.memref_slice %arg2[%dma_wait3A_66, %dma_wait3A_67] : memref<10000x128xf32, #tpu.memory_space<hbm>> -> memref<10000x128xf32, #tpu.memory_space<hbm>>
        tpu.wait_indirect_dma semaphore(%arg12 : memref<!tpu.dma_semaphore, #tpu.memory_space<semaphore_mem>>) src(%dma_wait3A_68 : memref<10000x128xf32, #tpu.memory_space<hbm>>) dst(%arg9 : memref<128x128xf32, #tpu.memory_space<vmem>>)
        "tpu.region"() ({
          %run_scoped3A_69 = tpu.sem_alloc : memref<!tpu.dma_semaphore, #tpu.memory_space<semaphore_mem>>
          %dma_start3A_70 = arith.constant 0 : i32
          %dma_start3A_71 = tpu.memref_slice %arg8[%add3A_58, %dma_start3A_70] : memref<16x128xi32, #tpu.memory_space<vmem>> -> memref<1x128xi32, #tpu.memory_space<vmem>>
          %dma_start3A_72 = tpu.memref_squeeze %dma_start3A_71 : memref<1x128xi32, #tpu.memory_space<vmem>> -> memref<128xi32, #tpu.memory_space<vmem>>
          %dma_start3A_73 = arith.constant 0 : i32
          %dma_start3A_74 = arith.constant 0 : i32
          %dma_start3A_75 = tpu.memref_slice %arg11[%dma_start3A_73, %dma_start3A_74] : memref<10240x128xf32, #tpu.memory_space<vmem_shared>> -> memref<10240x128xf32, #tpu.memory_space<vmem_shared>>
          tpu.enqueue_indirect_dma source(%arg9 : memref<128x128xf32, #tpu.memory_space<vmem>>) target(%dma_start3A_75 : memref<10240x128xf32, #tpu.memory_space<vmem_shared>>) offsets(%dma_start3A_72 : memref<128xi32, #tpu.memory_space<vmem>>) semaphore(%run_scoped3A_69 : memref<!tpu.dma_semaphore, #tpu.memory_space<semaphore_mem>>) {add = true}
          %dma_wait3A_76 = arith.constant 0 : i32
          %dma_wait3A_77 = tpu.memref_slice %arg8[%add3A_58, %dma_wait3A_76] : memref<16x128xi32, #tpu.memory_space<vmem>> -> memref<1x128xi32, #tpu.memory_space<vmem>>
          %dma_wait3A_78 = tpu.memref_squeeze %dma_wait3A_77 : memref<1x128xi32, #tpu.memory_space<vmem>> -> memref<128xi32, #tpu.memory_space<vmem>>
          %dma_wait3A_79 = arith.constant 0 : i32
          %dma_wait3A_80 = arith.constant 0 : i32
          %dma_wait3A_81 = tpu.memref_slice %arg11[%dma_wait3A_79, %dma_wait3A_80] : memref<10240x128xf32, #tpu.memory_space<vmem_shared>> -> memref<10240x128xf32, #tpu.memory_space<vmem_shared>>
          tpu.wait_indirect_dma semaphore(%run_scoped3A_69 : memref<!tpu.dma_semaphore, #tpu.memory_space<semaphore_mem>>) src(%arg9 : memref<128x128xf32, #tpu.memory_space<vmem>>) dst(%dma_wait3A_81 : memref<10240x128xf32, #tpu.memory_space<vmem_shared>>)
          tpu.yield
        }) : () -> ()
      }
      %scan3A_53 = arith.constant 4 : i32
    } else {
    }
    %barrier3A_36 = arith.constant 0 : index
    tpu.barrier barrier_id(%barrier3A_36)
    %mul3A_37 = arith.constant 640 : i32
    %mul3A_38 = arith.muli %arg1, %mul3A_37 : i32
    %mul3A_39 = arith.constant 640 : i32
    %mul3A_40 = arith.muli %arg1, %mul3A_39 : i32
    "tpu.region"() ({
      %run_scoped3A = tpu.sem_alloc : memref<!tpu.dma_semaphore, #tpu.memory_space<semaphore_mem>>
      %dma_start3A = arith.constant 0 : i32
      %dma_start3A_41 = tpu.memref_slice %arg4[%arg0, %mul3A_40, %dma_start3A] : memref<2x10240x128xf32, #tpu.memory_space<hbm>> -> memref<1x640x128xf32, #tpu.memory_space<hbm>>
      %dma_start3A_42 = tpu.memref_squeeze %dma_start3A_41 : memref<1x640x128xf32, #tpu.memory_space<hbm>> -> memref<640x128xf32, #tpu.memory_space<hbm>>
      %dma_start3A_43 = arith.constant 0 : i32
      %dma_start3A_44 = tpu.memref_slice %arg11[%mul3A_38, %dma_start3A_43] : memref<10240x128xf32, #tpu.memory_space<vmem_shared>> -> memref<640x128xf32, #tpu.memory_space<vmem_shared>>
      tpu.enqueue_dma source(%dma_start3A_44 : memref<640x128xf32, #tpu.memory_space<vmem_shared>>) target(%dma_start3A_42 : memref<640x128xf32, #tpu.memory_space<hbm>>) target_semaphore(%run_scoped3A : memref<!tpu.dma_semaphore, #tpu.memory_space<semaphore_mem>>)
      %dma_wait3A = arith.constant 0 : i32
      %dma_wait3A_45 = tpu.memref_slice %arg4[%arg0, %mul3A_40, %dma_wait3A] : memref<2x10240x128xf32, #tpu.memory_space<hbm>> -> memref<1x640x128xf32, #tpu.memory_space<hbm>>
      %dma_wait3A_46 = tpu.memref_squeeze %dma_wait3A_45 : memref<1x640x128xf32, #tpu.memory_space<hbm>> -> memref<640x128xf32, #tpu.memory_space<hbm>>
      %dma_wait3A_47 = arith.constant 0 : i32
      %dma_wait3A_48 = tpu.memref_slice %arg11[%mul3A_38, %dma_wait3A_47] : memref<10240x128xf32, #tpu.memory_space<vmem_shared>> -> memref<640x128xf32, #tpu.memory_space<vmem_shared>>
      tpu.wait_dma2 semaphore(%run_scoped3A : memref<!tpu.dma_semaphore, #tpu.memory_space<semaphore_mem>>) src(%dma_wait3A_48 : memref<640x128xf32, #tpu.memory_space<vmem_shared>>) dst(%dma_wait3A_46 : memref<640x128xf32, #tpu.memory_space<hbm>>)
      tpu.yield
    }) : () -> ()
    return
  }
}

#map = affine_map<(d0, d1) -> (0, 0, 0)>
#map1 = affine_map<(d0, d1) -> (0, 0)>
module attributes {stable_mosaic.version = 14 : i64} {
  func.func @_deg_body(%arg0: i32, %arg1: i32, %arg2: memref<2x2500x128xi32, #tpu.memory_space<hbm>>, %arg3: memref<2x10240xf32, #tpu.memory_space<hbm>>, %arg4: memref<80x128xi32, #tpu.memory_space<vmem>>, %arg5: memref<128xf32, #tpu.memory_space<vmem>>, %arg6: memref<640xf32, #tpu.memory_space<vmem>>, %arg7: memref<10240xf32, #tpu.memory_space<vmem_shared>>, %arg8: memref<!tpu.dma_semaphore, #tpu.memory_space<semaphore_mem>>) attributes {dimension_semantics = [#tpu.dimension_semantics<core_parallel>, #tpu.dimension_semantics<subcore_parallel>], iteration_bounds = array<i64: 2, 16>, scalar_prefetch = 0 : i64, scratch_operands = 5 : i64, tpu.core_type = #tpu.core_type<sc_vector_subcore>, window_params = [{transform_indices = #map}, {transform_indices = #map1}]} {
    %mul3A = arith.constant 16 : i32
    %mul3A_0 = arith.muli %arg0, %mul3A : i32
    %add3A = arith.addi %mul3A_0, %arg1 : i32
    %lt3A = arith.constant 31 : i32
    %lt3A_1 = arith.cmpi slt, %add3A, %lt3A : i32
    %convert_element_type3A = arith.extui %lt3A_1 : i1 to i32
    %cond3A = arith.constant 0 : i32
    %cond3A_2 = arith.cmpi ne, %convert_element_type3A, %cond3A : i32
    scf.if %cond3A_2 {
      %mul3A_112 = arith.constant 80 : i32
      %mul3A_113 = arith.muli %add3A, %mul3A_112 : i32
      %dma_start3A = arith.constant 1 : i32
      %dma_start3A_114 = arith.constant 0 : i32
      %dma_start3A_115 = tpu.memref_slice %arg2[%dma_start3A, %mul3A_113, %dma_start3A_114] : memref<2x2500x128xi32, #tpu.memory_space<hbm>> -> memref<1x80x128xi32, #tpu.memory_space<hbm>>
      %dma_start3A_116 = tpu.memref_squeeze %dma_start3A_115 : memref<1x80x128xi32, #tpu.memory_space<hbm>> -> memref<80x128xi32, #tpu.memory_space<hbm>>
      %dma_start3A_117 = arith.constant 0 : i32
      %dma_start3A_118 = tpu.memref_slice %arg2[%dma_start3A, %mul3A_113, %dma_start3A_117] : memref<2x2500x128xi32, #tpu.memory_space<hbm>> -> memref<1x80x128xi32, #tpu.memory_space<hbm>>
      %dma_start3A_119 = tpu.memref_squeeze %dma_start3A_118 : memref<1x80x128xi32, #tpu.memory_space<hbm>> -> memref<80x128xi32, #tpu.memory_space<hbm>>
      tpu.enqueue_dma source(%dma_start3A_119 : memref<80x128xi32, #tpu.memory_space<hbm>>) target(%arg4 : memref<80x128xi32, #tpu.memory_space<vmem>>) target_semaphore(%arg8 : memref<!tpu.dma_semaphore, #tpu.memory_space<semaphore_mem>>)
    } else {
    }
    %eq3A = arith.constant 31 : i32
    %eq3A_3 = arith.cmpi eq, %add3A, %eq3A : i32
    %convert_element_type3A_4 = arith.extui %eq3A_3 : i1 to i32
    %cond3A_5 = arith.constant 0 : i32
    %cond3A_6 = arith.cmpi ne, %convert_element_type3A_4, %cond3A_5 : i32
    scf.if %cond3A_6 {
      %dma_start3A = arith.constant 1 : i32
      %dma_start3A_112 = arith.constant 0 : i32
      %dma_start3A_113 = arith.constant 0 : i32
      %dma_start3A_114 = tpu.memref_slice %arg4[%dma_start3A_112, %dma_start3A_113] : memref<80x128xi32, #tpu.memory_space<vmem>> -> memref<16x128xi32, #tpu.memory_space<vmem>>
      %dma_start3A_115 = arith.constant 2480 : i32
      %dma_start3A_116 = arith.constant 0 : i32
      %dma_start3A_117 = tpu.memref_slice %arg2[%dma_start3A, %dma_start3A_115, %dma_start3A_116] : memref<2x2500x128xi32, #tpu.memory_space<hbm>> -> memref<1x16x128xi32, #tpu.memory_space<hbm>>
      %dma_start3A_118 = tpu.memref_squeeze %dma_start3A_117 : memref<1x16x128xi32, #tpu.memory_space<hbm>> -> memref<16x128xi32, #tpu.memory_space<hbm>>
      %dma_start3A_119 = arith.constant 0 : i32
      %dma_start3A_120 = arith.constant 0 : i32
      %dma_start3A_121 = tpu.memref_slice %arg4[%dma_start3A_119, %dma_start3A_120] : memref<80x128xi32, #tpu.memory_space<vmem>> -> memref<16x128xi32, #tpu.memory_space<vmem>>
      %dma_start3A_122 = arith.constant 2480 : i32
      %dma_start3A_123 = arith.constant 0 : i32
      %dma_start3A_124 = tpu.memref_slice %arg2[%dma_start3A, %dma_start3A_122, %dma_start3A_123] : memref<2x2500x128xi32, #tpu.memory_space<hbm>> -> memref<1x16x128xi32, #tpu.memory_space<hbm>>
      %dma_start3A_125 = tpu.memref_squeeze %dma_start3A_124 : memref<1x16x128xi32, #tpu.memory_space<hbm>> -> memref<16x128xi32, #tpu.memory_space<hbm>>
      tpu.enqueue_dma source(%dma_start3A_125 : memref<16x128xi32, #tpu.memory_space<hbm>>) target(%dma_start3A_121 : memref<16x128xi32, #tpu.memory_space<vmem>>) target_semaphore(%arg8 : memref<!tpu.dma_semaphore, #tpu.memory_space<semaphore_mem>>)
      %dma_start3A_126 = arith.constant 1 : i32
      %dma_start3A_127 = arith.constant 16 : i32
      %dma_start3A_128 = arith.constant 0 : i32
      %dma_start3A_129 = tpu.memref_slice %arg4[%dma_start3A_127, %dma_start3A_128] : memref<80x128xi32, #tpu.memory_space<vmem>> -> memref<4x128xi32, #tpu.memory_space<vmem>>
      %dma_start3A_130 = arith.constant 2496 : i32
      %dma_start3A_131 = arith.constant 0 : i32
      %dma_start3A_132 = tpu.memref_slice %arg2[%dma_start3A_126, %dma_start3A_130, %dma_start3A_131] : memref<2x2500x128xi32, #tpu.memory_space<hbm>> -> memref<1x4x128xi32, #tpu.memory_space<hbm>>
      %dma_start3A_133 = tpu.memref_squeeze %dma_start3A_132 : memref<1x4x128xi32, #tpu.memory_space<hbm>> -> memref<4x128xi32, #tpu.memory_space<hbm>>
      %dma_start3A_134 = arith.constant 16 : i32
      %dma_start3A_135 = arith.constant 0 : i32
      %dma_start3A_136 = tpu.memref_slice %arg4[%dma_start3A_134, %dma_start3A_135] : memref<80x128xi32, #tpu.memory_space<vmem>> -> memref<4x128xi32, #tpu.memory_space<vmem>>
      %dma_start3A_137 = arith.constant 2496 : i32
      %dma_start3A_138 = arith.constant 0 : i32
      %dma_start3A_139 = tpu.memref_slice %arg2[%dma_start3A_126, %dma_start3A_137, %dma_start3A_138] : memref<2x2500x128xi32, #tpu.memory_space<hbm>> -> memref<1x4x128xi32, #tpu.memory_space<hbm>>
      %dma_start3A_140 = tpu.memref_squeeze %dma_start3A_139 : memref<1x4x128xi32, #tpu.memory_space<hbm>> -> memref<4x128xi32, #tpu.memory_space<hbm>>
      tpu.enqueue_dma source(%dma_start3A_140 : memref<4x128xi32, #tpu.memory_space<hbm>>) target(%dma_start3A_136 : memref<4x128xi32, #tpu.memory_space<vmem>>) target_semaphore(%arg8 : memref<!tpu.dma_semaphore, #tpu.memory_space<semaphore_mem>>)
    } else {
    }
    %broadcast_in_dim3A = arith.constant 1.000000e+00 : f32
    %broadcast_in_dim3A_7 = vector.broadcast %broadcast_in_dim3A : f32 to vector<16xf32>
    %swap3A = arith.constant 0 : index
    %swap3A_8 = tpu.vector_load %arg5[%swap3A] {strides = array<i32>} : memref<128xf32, #tpu.memory_space<vmem>>, vector<16xf32>,
    %swap3A_9 = vector.shape_cast %swap3A_8 : vector<16xf32> to vector<16xf32>
    %swap3A_10 = vector.shape_cast %broadcast_in_dim3A_7 : vector<16xf32> to vector<16xf32>
    tpu.vector_store %arg5[%swap3A], %swap3A_10 {strides = array<i32>} : memref<128xf32, #tpu.memory_space<vmem>>, vector<16xf32>,
    %broadcast_in_dim3A_11 = arith.constant 1.000000e+00 : f32
    %broadcast_in_dim3A_12 = vector.broadcast %broadcast_in_dim3A_11 : f32 to vector<16xf32>
    %swap3A_13 = arith.constant 16 : index
    %swap3A_14 = tpu.vector_load %arg5[%swap3A_13] {strides = array<i32>} : memref<128xf32, #tpu.memory_space<vmem>>, vector<16xf32>,
    %swap3A_15 = vector.shape_cast %swap3A_14 : vector<16xf32> to vector<16xf32>
    %swap3A_16 = vector.shape_cast %broadcast_in_dim3A_12 : vector<16xf32> to vector<16xf32>
    tpu.vector_store %arg5[%swap3A_13], %swap3A_16 {strides = array<i32>} : memref<128xf32, #tpu.memory_space<vmem>>, vector<16xf32>,
    %broadcast_in_dim3A_17 = arith.constant 1.000000e+00 : f32
    %broadcast_in_dim3A_18 = vector.broadcast %broadcast_in_dim3A_17 : f32 to vector<16xf32>
    %swap3A_19 = arith.constant 32 : index
    %swap3A_20 = tpu.vector_load %arg5[%swap3A_19] {strides = array<i32>} : memref<128xf32, #tpu.memory_space<vmem>>, vector<16xf32>,
    %swap3A_21 = vector.shape_cast %swap3A_20 : vector<16xf32> to vector<16xf32>
    %swap3A_22 = vector.shape_cast %broadcast_in_dim3A_18 : vector<16xf32> to vector<16xf32>
    tpu.vector_store %arg5[%swap3A_19], %swap3A_22 {strides = array<i32>} : memref<128xf32, #tpu.memory_space<vmem>>, vector<16xf32>,
    %broadcast_in_dim3A_23 = arith.constant 1.000000e+00 : f32
    %broadcast_in_dim3A_24 = vector.broadcast %broadcast_in_dim3A_23 : f32 to vector<16xf32>
    %swap3A_25 = arith.constant 48 : index
    %swap3A_26 = tpu.vector_load %arg5[%swap3A_25] {strides = array<i32>} : memref<128xf32, #tpu.memory_space<vmem>>, vector<16xf32>,
    %swap3A_27 = vector.shape_cast %swap3A_26 : vector<16xf32> to vector<16xf32>
    %swap3A_28 = vector.shape_cast %broadcast_in_dim3A_24 : vector<16xf32> to vector<16xf32>
    tpu.vector_store %arg5[%swap3A_25], %swap3A_28 {strides = array<i32>} : memref<128xf32, #tpu.memory_space<vmem>>, vector<16xf32>,
    %broadcast_in_dim3A_29 = arith.constant 1.000000e+00 : f32
    %broadcast_in_dim3A_30 = vector.broadcast %broadcast_in_dim3A_29 : f32 to vector<16xf32>
    %swap3A_31 = arith.constant 64 : index
    %swap3A_32 = tpu.vector_load %arg5[%swap3A_31] {strides = array<i32>} : memref<128xf32, #tpu.memory_space<vmem>>, vector<16xf32>,
    %swap3A_33 = vector.shape_cast %swap3A_32 : vector<16xf32> to vector<16xf32>
    %swap3A_34 = vector.shape_cast %broadcast_in_dim3A_30 : vector<16xf32> to vector<16xf32>
    tpu.vector_store %arg5[%swap3A_31], %swap3A_34 {strides = array<i32>} : memref<128xf32, #tpu.memory_space<vmem>>, vector<16xf32>,
    %broadcast_in_dim3A_35 = arith.constant 1.000000e+00 : f32
    %broadcast_in_dim3A_36 = vector.broadcast %broadcast_in_dim3A_35 : f32 to vector<16xf32>
    %swap3A_37 = arith.constant 80 : index
    %swap3A_38 = tpu.vector_load %arg5[%swap3A_37] {strides = array<i32>} : memref<128xf32, #tpu.memory_space<vmem>>, vector<16xf32>,
    %swap3A_39 = vector.shape_cast %swap3A_38 : vector<16xf32> to vector<16xf32>
    %swap3A_40 = vector.shape_cast %broadcast_in_dim3A_36 : vector<16xf32> to vector<16xf32>
    tpu.vector_store %arg5[%swap3A_37], %swap3A_40 {strides = array<i32>} : memref<128xf32, #tpu.memory_space<vmem>>, vector<16xf32>,
    %broadcast_in_dim3A_41 = arith.constant 1.000000e+00 : f32
    %broadcast_in_dim3A_42 = vector.broadcast %broadcast_in_dim3A_41 : f32 to vector<16xf32>
    %swap3A_43 = arith.constant 96 : index
    %swap3A_44 = tpu.vector_load %arg5[%swap3A_43] {strides = array<i32>} : memref<128xf32, #tpu.memory_space<vmem>>, vector<16xf32>,
    %swap3A_45 = vector.shape_cast %swap3A_44 : vector<16xf32> to vector<16xf32>
    %swap3A_46 = vector.shape_cast %broadcast_in_dim3A_42 : vector<16xf32> to vector<16xf32>
    tpu.vector_store %arg5[%swap3A_43], %swap3A_46 {strides = array<i32>} : memref<128xf32, #tpu.memory_space<vmem>>, vector<16xf32>,
    %broadcast_in_dim3A_47 = arith.constant 1.000000e+00 : f32
    %broadcast_in_dim3A_48 = vector.broadcast %broadcast_in_dim3A_47 : f32 to vector<16xf32>
    %swap3A_49 = arith.constant 112 : index
    %swap3A_50 = tpu.vector_load %arg5[%swap3A_49] {strides = array<i32>} : memref<128xf32, #tpu.memory_space<vmem>>, vector<16xf32>,
    %swap3A_51 = vector.shape_cast %swap3A_50 : vector<16xf32> to vector<16xf32>
    %swap3A_52 = vector.shape_cast %broadcast_in_dim3A_48 : vector<16xf32> to vector<16xf32>
    tpu.vector_store %arg5[%swap3A_49], %swap3A_52 {strides = array<i32>} : memref<128xf32, #tpu.memory_space<vmem>>, vector<16xf32>,
    %scan3A = arith.constant 0 : i32
    %scan3A_53 = arith.constant 40 : i32
    %scan3A_54 = arith.addi %scan3A, %scan3A_53 : i32
    %scan3A_55 = arith.constant 1 : i32
    scf.for %scan3A_112 = %scan3A to %scan3A_54 step %scan3A_55  : i32 {
      %mul3A_113 = arith.constant 1 : i32
      %mul3A_114 = arith.muli %scan3A_112, %mul3A_113 : i32
      %add3A_115 = arith.constant 0 : i32
      %add3A_116 = arith.addi %add3A_115, %mul3A_114 : i32
      %broadcast_in_dim3A_117 = arith.constant 0.000000e+00 : f32
      %broadcast_in_dim3A_118 = vector.broadcast %broadcast_in_dim3A_117 : f32 to vector<16xf32>
      %mul3A_119 = arith.constant 16 : i32
      %mul3A_120 = arith.muli %add3A_116, %mul3A_119 : i32
      %swap3A_121 = arith.index_cast %mul3A_120 : i32 to index
      %swap3A_122 = tpu.vector_load %arg6[%swap3A_121] {strides = array<i32>} : memref<640xf32, #tpu.memory_space<vmem>>, vector<16xf32>,
      %swap3A_123 = vector.shape_cast %swap3A_122 : vector<16xf32> to vector<16xf32>
      %swap3A_124 = vector.shape_cast %broadcast_in_dim3A_118 : vector<16xf32> to vector<16xf32>
      tpu.vector_store %arg6[%swap3A_121], %swap3A_124 {strides = array<i32>} : memref<640xf32, #tpu.memory_space<vmem>>, vector<16xf32>,
    }
    %scan3A_56 = arith.constant 40 : i32
    %mul3A_57 = arith.constant 640 : i32
    %mul3A_58 = arith.muli %arg1, %mul3A_57 : i32
    "tpu.region"() ({
      %run_scoped3A = tpu.sem_alloc : memref<!tpu.dma_semaphore, #tpu.memory_space<semaphore_mem>>
      %dma_start3A = tpu.memref_slice %arg7[%mul3A_58] : memref<10240xf32, #tpu.memory_space<vmem_shared>> -> memref<640xf32, #tpu.memory_space<vmem_shared>>
      %dma_start3A_112 = tpu.memref_slice %arg7[%mul3A_58] : memref<10240xf32, #tpu.memory_space<vmem_shared>> -> memref<640xf32, #tpu.memory_space<vmem_shared>>
      tpu.enqueue_dma source(%arg6 : memref<640xf32, #tpu.memory_space<vmem>>) target(%dma_start3A_112 : memref<640xf32, #tpu.memory_space<vmem_shared>>) target_semaphore(%run_scoped3A : memref<!tpu.dma_semaphore, #tpu.memory_space<semaphore_mem>>)
      %dma_wait3A = tpu.memref_slice %arg7[%mul3A_58] : memref<10240xf32, #tpu.memory_space<vmem_shared>> -> memref<640xf32, #tpu.memory_space<vmem_shared>>
      %dma_wait3A_113 = tpu.memref_slice %arg7[%mul3A_58] : memref<10240xf32, #tpu.memory_space<vmem_shared>> -> memref<640xf32, #tpu.memory_space<vmem_shared>>
      tpu.wait_dma2 semaphore(%run_scoped3A : memref<!tpu.dma_semaphore, #tpu.memory_space<semaphore_mem>>) src(%arg6 : memref<640xf32, #tpu.memory_space<vmem>>) dst(%dma_wait3A_113 : memref<640xf32, #tpu.memory_space<vmem_shared>>)
      tpu.yield
    }) : () -> ()
    %lt3A_59 = arith.constant 31 : i32
    %lt3A_60 = arith.cmpi slt, %add3A, %lt3A_59 : i32
    %convert_element_type3A_61 = arith.extui %lt3A_60 : i1 to i32
    %cond3A_62 = arith.constant 0 : i32
    %cond3A_63 = arith.cmpi ne, %convert_element_type3A_61, %cond3A_62 : i32
    scf.if %cond3A_63 {
      %dma_wait3A = arith.constant 1 : i32
      %dma_wait3A_112 = arith.constant 0 : i32
      %dma_wait3A_113 = arith.constant 0 : i32
      %dma_wait3A_114 = tpu.memref_slice %arg2[%dma_wait3A, %dma_wait3A_112, %dma_wait3A_113] : memref<2x2500x128xi32, #tpu.memory_space<hbm>> -> memref<1x80x128xi32, #tpu.memory_space<hbm>>
      %dma_wait3A_115 = tpu.memref_squeeze %dma_wait3A_114 : memref<1x80x128xi32, #tpu.memory_space<hbm>> -> memref<80x128xi32, #tpu.memory_space<hbm>>
      %dma_wait3A_116 = arith.constant 0 : i32
      %dma_wait3A_117 = arith.constant 0 : i32
      %dma_wait3A_118 = tpu.memref_slice %arg2[%dma_wait3A, %dma_wait3A_116, %dma_wait3A_117] : memref<2x2500x128xi32, #tpu.memory_space<hbm>> -> memref<1x80x128xi32, #tpu.memory_space<hbm>>
      %dma_wait3A_119 = tpu.memref_squeeze %dma_wait3A_118 : memref<1x80x128xi32, #tpu.memory_space<hbm>> -> memref<80x128xi32, #tpu.memory_space<hbm>>
      tpu.wait_dma2 semaphore(%arg8 : memref<!tpu.dma_semaphore, #tpu.memory_space<semaphore_mem>>) src(%dma_wait3A_119 : memref<80x128xi32, #tpu.memory_space<hbm>>) dst(%arg4 : memref<80x128xi32, #tpu.memory_space<vmem>>)
    } else {
    }
    %eq3A_64 = arith.constant 31 : i32
    %eq3A_65 = arith.cmpi eq, %add3A, %eq3A_64 : i32
    %convert_element_type3A_66 = arith.extui %eq3A_65 : i1 to i32
    %cond3A_67 = arith.constant 0 : i32
    %cond3A_68 = arith.cmpi ne, %convert_element_type3A_66, %cond3A_67 : i32
    scf.if %cond3A_68 {
      %dma_wait3A = arith.constant 1 : i32
      %dma_wait3A_112 = arith.constant 0 : i32
      %dma_wait3A_113 = arith.constant 0 : i32
      %dma_wait3A_114 = tpu.memref_slice %arg4[%dma_wait3A_112, %dma_wait3A_113] : memref<80x128xi32, #tpu.memory_space<vmem>> -> memref<16x128xi32, #tpu.memory_space<vmem>>
      %dma_wait3A_115 = arith.constant 0 : i32
      %dma_wait3A_116 = arith.constant 0 : i32
      %dma_wait3A_117 = tpu.memref_slice %arg2[%dma_wait3A, %dma_wait3A_115, %dma_wait3A_116] : memref<2x2500x128xi32, #tpu.memory_space<hbm>> -> memref<1x16x128xi32, #tpu.memory_space<hbm>>
      %dma_wait3A_118 = tpu.memref_squeeze %dma_wait3A_117 : memref<1x16x128xi32, #tpu.memory_space<hbm>> -> memref<16x128xi32, #tpu.memory_space<hbm>>
      %dma_wait3A_119 = arith.constant 0 : i32
      %dma_wait3A_120 = arith.constant 0 : i32
      %dma_wait3A_121 = tpu.memref_slice %arg4[%dma_wait3A_119, %dma_wait3A_120] : memref<80x128xi32, #tpu.memory_space<vmem>> -> memref<16x128xi32, #tpu.memory_space<vmem>>
      %dma_wait3A_122 = arith.constant 0 : i32
      %dma_wait3A_123 = arith.constant 0 : i32
      %dma_wait3A_124 = tpu.memref_slice %arg2[%dma_wait3A, %dma_wait3A_122, %dma_wait3A_123] : memref<2x2500x128xi32, #tpu.memory_space<hbm>> -> memref<1x16x128xi32, #tpu.memory_space<hbm>>
      %dma_wait3A_125 = tpu.memref_squeeze %dma_wait3A_124 : memref<1x16x128xi32, #tpu.memory_space<hbm>> -> memref<16x128xi32, #tpu.memory_space<hbm>>
      tpu.wait_dma2 semaphore(%arg8 : memref<!tpu.dma_semaphore, #tpu.memory_space<semaphore_mem>>) src(%dma_wait3A_125 : memref<16x128xi32, #tpu.memory_space<hbm>>) dst(%dma_wait3A_121 : memref<16x128xi32, #tpu.memory_space<vmem>>)
      %dma_wait3A_126 = arith.constant 1 : i32
      %dma_wait3A_127 = arith.constant 16 : i32
      %dma_wait3A_128 = arith.constant 0 : i32
      %dma_wait3A_129 = tpu.memref_slice %arg4[%dma_wait3A_127, %dma_wait3A_128] : memref<80x128xi32, #tpu.memory_space<vmem>> -> memref<4x128xi32, #tpu.memory_space<vmem>>
      %dma_wait3A_130 = arith.constant 0 : i32
      %dma_wait3A_131 = arith.constant 0 : i32
      %dma_wait3A_132 = tpu.memref_slice %arg2[%dma_wait3A_126, %dma_wait3A_130, %dma_wait3A_131] : memref<2x2500x128xi32, #tpu.memory_space<hbm>> -> memref<1x4x128xi32, #tpu.memory_space<hbm>>
      %dma_wait3A_133 = tpu.memref_squeeze %dma_wait3A_132 : memref<1x4x128xi32, #tpu.memory_space<hbm>> -> memref<4x128xi32, #tpu.memory_space<hbm>>
      %dma_wait3A_134 = arith.constant 16 : i32
      %dma_wait3A_135 = arith.constant 0 : i32
      %dma_wait3A_136 = tpu.memref_slice %arg4[%dma_wait3A_134, %dma_wait3A_135] : memref<80x128xi32, #tpu.memory_space<vmem>> -> memref<4x128xi32, #tpu.memory_space<vmem>>
      %dma_wait3A_137 = arith.constant 0 : i32
      %dma_wait3A_138 = arith.constant 0 : i32
      %dma_wait3A_139 = tpu.memref_slice %arg2[%dma_wait3A_126, %dma_wait3A_137, %dma_wait3A_138] : memref<2x2500x128xi32, #tpu.memory_space<hbm>> -> memref<1x4x128xi32, #tpu.memory_space<hbm>>
      %dma_wait3A_140 = tpu.memref_squeeze %dma_wait3A_139 : memref<1x4x128xi32, #tpu.memory_space<hbm>> -> memref<4x128xi32, #tpu.memory_space<hbm>>
      tpu.wait_dma2 semaphore(%arg8 : memref<!tpu.dma_semaphore, #tpu.memory_space<semaphore_mem>>) src(%dma_wait3A_140 : memref<4x128xi32, #tpu.memory_space<hbm>>) dst(%dma_wait3A_136 : memref<4x128xi32, #tpu.memory_space<vmem>>)
    } else {
    }
    %barrier3A = arith.constant 0 : index
    tpu.barrier barrier_id(%barrier3A)
    %eq3A_69 = arith.constant 31 : i32
    %eq3A_70 = arith.cmpi eq, %add3A, %eq3A_69 : i32
    %jit3A = arith.constant 20 : i32
    %jit3A_71 = arith.constant 80 : i32
    %select_n3A = arith.select %eq3A_70, %jit3A, %jit3A_71 : i32
    %sub3A = arith.constant 0 : i32
    %sub3A_72 = arith.subi %select_n3A, %sub3A : i32
    %sub3A_73 = arith.constant 1 : i32
    %sub3A_74 = arith.constant 1 : i32
    %sub3A_75 = arith.subi %sub3A_73, %sub3A_74 : i32
    %add3A_76 = arith.addi %sub3A_72, %sub3A_75 : i32
    %div3A = arith.constant 1 : i32
    %div3A_77 = arith.divsi %add3A_76, %div3A : i32
    %while3A = arith.constant 1 : i32
    %while3A_78 = arith.constant 0 : i32
    %while3A_79 = arith.constant 0 : i32
    %while3A_80 = arith.subi %div3A_77, %while3A_79 : i32
    %while3A_81 = arith.addi %while3A_79, %while3A_80 : i32
    %while3A_82 = arith.constant 1 : i32
    %while3A_83 = arith.divsi %while3A_80, %while3A_82 : i32
    %while3A_84 = arith.muli %while3A_83, %while3A_82 : i32
    %while3A_85 = arith.addi %while3A_79, %while3A_84 : i32
    %while3A_86 = arith.constant 1 : i32
    scf.for %while3A_112 = %while3A_79 to %while3A_85 step %while3A_86  : i32 {
      %mul3A_113 = arith.muli %while3A_112, %while3A : i32
      %add3A_114 = arith.addi %while3A_78, %mul3A_113 : i32
      %dma_start3A = arith.constant 0 : i32
      %dma_start3A_115 = tpu.memref_slice %arg4[%add3A_114, %dma_start3A] : memref<80x128xi32, #tpu.memory_space<vmem>> -> memref<1x128xi32, #tpu.memory_space<vmem>>
      %dma_start3A_116 = tpu.memref_squeeze %dma_start3A_115 : memref<1x128xi32, #tpu.memory_space<vmem>> -> memref<128xi32, #tpu.memory_space<vmem>>
      %dma_start3A_117 = arith.constant 0 : i32
      %dma_start3A_118 = tpu.memref_slice %arg7[%dma_start3A_117] : memref<10240xf32, #tpu.memory_space<vmem_shared>> -> memref<10240xf32, #tpu.memory_space<vmem_shared>>
      tpu.enqueue_indirect_dma source(%arg5 : memref<128xf32, #tpu.memory_space<vmem>>) target(%dma_start3A_118 : memref<10240xf32, #tpu.memory_space<vmem_shared>>) offsets(%dma_start3A_116 : memref<128xi32, #tpu.memory_space<vmem>>) semaphore(%arg8 : memref<!tpu.dma_semaphore, #tpu.memory_space<semaphore_mem>>) {add = true}
    }
    %while3A_87 = arith.constant 1 : i32
    scf.for %while3A_112 = %while3A_85 to %while3A_81 step %while3A_87  : i32 {
      %mul3A_113 = arith.muli %while3A_112, %while3A : i32
      %add3A_114 = arith.addi %while3A_78, %mul3A_113 : i32
      %dma_start3A = arith.constant 0 : i32
      %dma_start3A_115 = tpu.memref_slice %arg4[%add3A_114, %dma_start3A] : memref<80x128xi32, #tpu.memory_space<vmem>> -> memref<1x128xi32, #tpu.memory_space<vmem>>
      %dma_start3A_116 = tpu.memref_squeeze %dma_start3A_115 : memref<1x128xi32, #tpu.memory_space<vmem>> -> memref<128xi32, #tpu.memory_space<vmem>>
      %dma_start3A_117 = arith.constant 0 : i32
      %dma_start3A_118 = tpu.memref_slice %arg7[%dma_start3A_117] : memref<10240xf32, #tpu.memory_space<vmem_shared>> -> memref<10240xf32, #tpu.memory_space<vmem_shared>>
      tpu.enqueue_indirect_dma source(%arg5 : memref<128xf32, #tpu.memory_space<vmem>>) target(%dma_start3A_118 : memref<10240xf32, #tpu.memory_space<vmem_shared>>) offsets(%dma_start3A_116 : memref<128xi32, #tpu.memory_space<vmem>>) semaphore(%arg8 : memref<!tpu.dma_semaphore, #tpu.memory_space<semaphore_mem>>) {add = true}
    }
    %sub3A_88 = arith.constant 0 : i32
    %sub3A_89 = arith.subi %select_n3A, %sub3A_88 : i32
    %sub3A_90 = arith.constant 1 : i32
    %sub3A_91 = arith.constant 1 : i32
    %sub3A_92 = arith.subi %sub3A_90, %sub3A_91 : i32
    %add3A_93 = arith.addi %sub3A_89, %sub3A_92 : i32
    %div3A_94 = arith.constant 1 : i32
    %div3A_95 = arith.divsi %add3A_93, %div3A_94 : i32
    %while3A_96 = arith.constant 1 : i32
    %while3A_97 = arith.constant 0 : i32
    %while3A_98 = arith.constant 0 : i32
    %while3A_99 = arith.subi %div3A_95, %while3A_98 : i32
    %while3A_100 = arith.addi %while3A_98, %while3A_99 : i32
    %while3A_101 = arith.constant 1 : i32
    %while3A_102 = arith.divsi %while3A_99, %while3A_101 : i32
    %while3A_103 = arith.muli %while3A_102, %while3A_101 : i32
    %while3A_104 = arith.addi %while3A_98, %while3A_103 : i32
    %while3A_105 = arith.constant 1 : i32
    scf.for %while3A_112 = %while3A_98 to %while3A_104 step %while3A_105  : i32 {
      %mul3A_113 = arith.muli %while3A_112, %while3A_96 : i32
      %add3A_114 = arith.addi %while3A_97, %mul3A_113 : i32
      %dma_wait3A = arith.constant 0 : i32
      %dma_wait3A_115 = arith.constant 0 : i32
      %dma_wait3A_116 = tpu.memref_slice %arg4[%dma_wait3A, %dma_wait3A_115] : memref<80x128xi32, #tpu.memory_space<vmem>> -> memref<1x128xi32, #tpu.memory_space<vmem>>
      %dma_wait3A_117 = tpu.memref_squeeze %dma_wait3A_116 : memref<1x128xi32, #tpu.memory_space<vmem>> -> memref<128xi32, #tpu.memory_space<vmem>>
      %dma_wait3A_118 = arith.constant 0 : i32
      %dma_wait3A_119 = tpu.memref_slice %arg7[%dma_wait3A_118] : memref<10240xf32, #tpu.memory_space<vmem_shared>> -> memref<10240xf32, #tpu.memory_space<vmem_shared>>
      tpu.wait_indirect_dma semaphore(%arg8 : memref<!tpu.dma_semaphore, #tpu.memory_space<semaphore_mem>>) src(%arg5 : memref<128xf32, #tpu.memory_space<vmem>>) dst(%dma_wait3A_119 : memref<10240xf32, #tpu.memory_space<vmem_shared>>)
    }
    %while3A_106 = arith.constant 1 : i32
    scf.for %while3A_112 = %while3A_104 to %while3A_100 step %while3A_106  : i32 {
      %mul3A_113 = arith.muli %while3A_112, %while3A_96 : i32
      %add3A_114 = arith.addi %while3A_97, %mul3A_113 : i32
      %dma_wait3A = arith.constant 0 : i32
      %dma_wait3A_115 = arith.constant 0 : i32
      %dma_wait3A_116 = tpu.memref_slice %arg4[%dma_wait3A, %dma_wait3A_115] : memref<80x128xi32, #tpu.memory_space<vmem>> -> memref<1x128xi32, #tpu.memory_space<vmem>>
      %dma_wait3A_117 = tpu.memref_squeeze %dma_wait3A_116 : memref<1x128xi32, #tpu.memory_space<vmem>> -> memref<128xi32, #tpu.memory_space<vmem>>
      %dma_wait3A_118 = arith.constant 0 : i32
      %dma_wait3A_119 = tpu.memref_slice %arg7[%dma_wait3A_118] : memref<10240xf32, #tpu.memory_space<vmem_shared>> -> memref<10240xf32, #tpu.memory_space<vmem_shared>>
      tpu.wait_indirect_dma semaphore(%arg8 : memref<!tpu.dma_semaphore, #tpu.memory_space<semaphore_mem>>) src(%arg5 : memref<128xf32, #tpu.memory_space<vmem>>) dst(%dma_wait3A_119 : memref<10240xf32, #tpu.memory_space<vmem_shared>>)
    }
    %barrier3A_107 = arith.constant 0 : index
    tpu.barrier barrier_id(%barrier3A_107)
    %mul3A_108 = arith.constant 640 : i32
    %mul3A_109 = arith.muli %arg1, %mul3A_108 : i32
    %mul3A_110 = arith.constant 640 : i32
    %mul3A_111 = arith.muli %arg1, %mul3A_110 : i32
    "tpu.region"() ({
      %run_scoped3A = tpu.sem_alloc : memref<!tpu.dma_semaphore, #tpu.memory_space<semaphore_mem>>
      %dma_start3A = tpu.memref_slice %arg3[%arg0, %mul3A_111] : memref<2x10240xf32, #tpu.memory_space<hbm>> -> memref<1x640xf32, #tpu.memory_space<hbm>>
      %dma_start3A_112 = tpu.memref_squeeze %dma_start3A : memref<1x640xf32, #tpu.memory_space<hbm>> -> memref<640xf32, #tpu.memory_space<hbm>>
      %dma_start3A_113 = tpu.memref_slice %arg7[%mul3A_109] : memref<10240xf32, #tpu.memory_space<vmem_shared>> -> memref<640xf32, #tpu.memory_space<vmem_shared>>
      tpu.enqueue_dma source(%dma_start3A_113 : memref<640xf32, #tpu.memory_space<vmem_shared>>) target(%dma_start3A_112 : memref<640xf32, #tpu.memory_space<hbm>>) target_semaphore(%run_scoped3A : memref<!tpu.dma_semaphore, #tpu.memory_space<semaphore_mem>>)
      %dma_wait3A = tpu.memref_slice %arg3[%arg0, %mul3A_111] : memref<2x10240xf32, #tpu.memory_space<hbm>> -> memref<1x640xf32, #tpu.memory_space<hbm>>
      %dma_wait3A_114 = tpu.memref_squeeze %dma_wait3A : memref<1x640xf32, #tpu.memory_space<hbm>> -> memref<640xf32, #tpu.memory_space<hbm>>
      %dma_wait3A_115 = tpu.memref_slice %arg7[%mul3A_109] : memref<10240xf32, #tpu.memory_space<vmem_shared>> -> memref<640xf32, #tpu.memory_space<vmem_shared>>
      tpu.wait_dma2 semaphore(%run_scoped3A : memref<!tpu.dma_semaphore, #tpu.memory_space<semaphore_mem>>) src(%dma_wait3A_115 : memref<640xf32, #tpu.memory_space<vmem_shared>>) dst(%dma_wait3A_114 : memref<640xf32, #tpu.memory_space<hbm>>)
      tpu.yield
    }) : () -> ()
    return
  }
}

module attributes {stable_mosaic.version = 14 : i64} {
  func.func @_scale_body(%arg0: memref<10000x128xf32, #tpu.memory_space<vmem>>, %arg1: memref<2x10240xf32, #tpu.memory_space<vmem>>, %arg2: memref<128x128xf32, #tpu.memory_space<vmem>>, %arg3: memref<128x128xf32, #tpu.memory_space<vmem>>, %arg4: memref<1x128xf32, #tpu.memory_space<vmem>>, %arg5: memref<1x128xf32, #tpu.memory_space<vmem>>, %arg6: memref<128x128xf32, #tpu.memory_space<vmem>>, %arg7: memref<128x128xf32, #tpu.memory_space<vmem>>, %arg8: memref<1x128xf32, #tpu.memory_space<vmem>>, %arg9: memref<1x128xf32, #tpu.memory_space<vmem>>, %arg10: memref<10000x128xf32, #tpu.memory_space<vmem>>, %arg11: memref<128x128xf32, #tpu.memory_space<vmem>>, %arg12: memref<1x128xf32, #tpu.memory_space<vmem>>, %arg13: memref<128x128xf32, #tpu.memory_space<vmem>>, %arg14: memref<1x128xf32, #tpu.memory_space<vmem>>) attributes {dimension_semantics = [], scalar_prefetch = 0 : i64, scratch_operands = 0 : i64, tpu.core_type = #tpu.core_type<tc>} {
    %get3A = arith.constant 0 : index
    %get3A_0 = arith.constant 0 : index
    %get3A_1 = vector.load %arg1[%get3A, %get3A_0] : memref<2x10240xf32, #tpu.memory_space<vmem>>, vector<1x10240xf32>
    %get3A_2 = vector.shape_cast %get3A_1 : vector<1x10240xf32> to vector<10240xf32>
    %get3A_3 = arith.constant 1 : index
    %get3A_4 = arith.constant 0 : index
    %get3A_5 = vector.load %arg1[%get3A_3, %get3A_4] : memref<2x10240xf32, #tpu.memory_space<vmem>>, vector<1x10240xf32>
    %get3A_6 = vector.shape_cast %get3A_5 : vector<1x10240xf32> to vector<10240xf32>
    %add3A = arith.addf %get3A_2, %get3A_6 : vector<10240xf32>
    %gt3A = arith.constant 0.000000e+00 : f32
    %gt3A_7 = vector.broadcast %gt3A : f32 to vector<10240xf32>
    %gt3A_8 = arith.cmpf ogt, %add3A, %gt3A_7 : vector<10240xf32>
    %rsqrt3A = math.rsqrt %add3A : vector<10240xf32>
    %jit3A = arith.constant 0.000000e+00 : f32
    %broadcast_in_dim3A = vector.broadcast %jit3A : f32 to vector<10240xf32>
    %select_n3A = arith.select %gt3A_8, %rsqrt3A, %broadcast_in_dim3A : vector<10240xi1>, vector<10240xf32>
    %reshape3A = vector.shape_cast %select_n3A : vector<10240xf32> to vector<10240x1xf32>
    %slice3A = vector.extract_strided_slice %reshape3A {offsets = [0, 0], sizes = [10000, 1], strides = [1, 1]} : vector<10240x1xf32> to vector<10000x1xf32>
    %get3A_9 = arith.constant 0 : index
    %get3A_10 = arith.constant 0 : index
    %get3A_11 = vector.load %arg0[%get3A_9, %get3A_10] : memref<10000x128xf32, #tpu.memory_space<vmem>>, vector<10000x128xf32>
    %mul3A = vector.broadcast %slice3A : vector<10000x1xf32> to vector<10000x128xf32>
    %mul3A_12 = arith.mulf %get3A_11, %mul3A : vector<10000x128xf32>
    %swap3A = arith.constant 0 : index
    %swap3A_13 = arith.constant 0 : index
    %swap3A_14 = vector.load %arg10[%swap3A, %swap3A_13] : memref<10000x128xf32, #tpu.memory_space<vmem>>, vector<10000x128xf32>
    tpu.vector_store %arg10[%swap3A, %swap3A_13], %mul3A_12 {strides = array<i32>} : memref<10000x128xf32, #tpu.memory_space<vmem>>, vector<10000x128xf32>,
    %get3A_15 = arith.constant 0 : index
    %get3A_16 = arith.constant 0 : index
    %get3A_17 = vector.load %arg3[%get3A_15, %get3A_16] : memref<128x128xf32, #tpu.memory_space<vmem>>, vector<128x128xf32>
    %get3A_18 = arith.constant 0 : index
    %get3A_19 = arith.constant 0 : index
    %get3A_20 = vector.load %arg7[%get3A_18, %get3A_19] : memref<128x128xf32, #tpu.memory_space<vmem>>, vector<128x128xf32>
    %get3A_21 = arith.constant 0 : index
    %get3A_22 = arith.constant 0 : index
    %get3A_23 = vector.load %arg2[%get3A_21, %get3A_22] : memref<128x128xf32, #tpu.memory_space<vmem>>, vector<128x128xf32>
    %dot_general3A = arith.constant dense<0.000000e+00> : vector<128x128xf32>
    %dot_general3A_24 = tpu.matmul %get3A_23, %get3A_17, %dot_general3A {dimension_numbers = #tpu.dot_dimension_numbers<[1], [0], [0], [1], [0, 0, 1, 1], [], []>, transpose_lhs_hint = false} : vector<128x128xf32>, vector<128x128xf32>, vector<128x128xf32> -> vector<128x128xf32>
    %swap3A_25 = arith.constant 0 : index
    %swap3A_26 = arith.constant 0 : index
    %swap3A_27 = vector.load %arg11[%swap3A_25, %swap3A_26] : memref<128x128xf32, #tpu.memory_space<vmem>>, vector<128x128xf32>
    tpu.vector_store %arg11[%swap3A_25, %swap3A_26], %dot_general3A_24 {strides = array<i32>} : memref<128x128xf32, #tpu.memory_space<vmem>>, vector<128x128xf32>,
    %get3A_28 = arith.constant 0 : index
    %get3A_29 = arith.constant 0 : index
    %get3A_30 = vector.load %arg4[%get3A_28, %get3A_29] : memref<1x128xf32, #tpu.memory_space<vmem>>, vector<1x128xf32>
    %dot_general3A_31 = arith.constant dense<0.000000e+00> : vector<1x128xf32>
    %dot_general3A_32 = tpu.matmul %get3A_30, %get3A_17, %dot_general3A_31 {dimension_numbers = #tpu.dot_dimension_numbers<[1], [0], [0], [1], [0, 0, 1, 1], [], []>, transpose_lhs_hint = false} : vector<1x128xf32>, vector<128x128xf32>, vector<1x128xf32> -> vector<1x128xf32>
    %get3A_33 = arith.constant 0 : index
    %get3A_34 = arith.constant 0 : index
    %get3A_35 = vector.load %arg5[%get3A_33, %get3A_34] : memref<1x128xf32, #tpu.memory_space<vmem>>, vector<1x128xf32>
    %add3A_36 = arith.addf %dot_general3A_32, %get3A_35 : vector<1x128xf32>
    %swap3A_37 = arith.constant 0 : index
    %swap3A_38 = arith.constant 0 : index
    %swap3A_39 = vector.load %arg12[%swap3A_37, %swap3A_38] : memref<1x128xf32, #tpu.memory_space<vmem>>, vector<1x128xf32>
    tpu.vector_store %arg12[%swap3A_37, %swap3A_38], %add3A_36 {strides = array<i32>} : memref<1x128xf32, #tpu.memory_space<vmem>>, vector<1x128xf32>,
    %get3A_40 = arith.constant 0 : index
    %get3A_41 = arith.constant 0 : index
    %get3A_42 = vector.load %arg6[%get3A_40, %get3A_41] : memref<128x128xf32, #tpu.memory_space<vmem>>, vector<128x128xf32>
    %dot_general3A_43 = arith.constant dense<0.000000e+00> : vector<128x128xf32>
    %dot_general3A_44 = tpu.matmul %get3A_42, %get3A_20, %dot_general3A_43 {dimension_numbers = #tpu.dot_dimension_numbers<[1], [0], [0], [1], [0, 0, 1, 1], [], []>, transpose_lhs_hint = false} : vector<128x128xf32>, vector<128x128xf32>, vector<128x128xf32> -> vector<128x128xf32>
    %swap3A_45 = arith.constant 0 : index
    %swap3A_46 = arith.constant 0 : index
    %swap3A_47 = vector.load %arg13[%swap3A_45, %swap3A_46] : memref<128x128xf32, #tpu.memory_space<vmem>>, vector<128x128xf32>
    tpu.vector_store %arg13[%swap3A_45, %swap3A_46], %dot_general3A_44 {strides = array<i32>} : memref<128x128xf32, #tpu.memory_space<vmem>>, vector<128x128xf32>,
    %get3A_48 = arith.constant 0 : index
    %get3A_49 = arith.constant 0 : index
    %get3A_50 = vector.load %arg8[%get3A_48, %get3A_49] : memref<1x128xf32, #tpu.memory_space<vmem>>, vector<1x128xf32>
    %dot_general3A_51 = arith.constant dense<0.000000e+00> : vector<1x128xf32>
    %dot_general3A_52 = tpu.matmul %get3A_50, %get3A_20, %dot_general3A_51 {dimension_numbers = #tpu.dot_dimension_numbers<[1], [0], [0], [1], [0, 0, 1, 1], [], []>, transpose_lhs_hint = false} : vector<1x128xf32>, vector<128x128xf32>, vector<1x128xf32> -> vector<1x128xf32>
    %get3A_53 = arith.constant 0 : index
    %get3A_54 = arith.constant 0 : index
    %get3A_55 = vector.load %arg9[%get3A_53, %get3A_54] : memref<1x128xf32, #tpu.memory_space<vmem>>, vector<1x128xf32>
    %add3A_56 = arith.addf %dot_general3A_52, %get3A_55 : vector<1x128xf32>
    %swap3A_57 = arith.constant 0 : index
    %swap3A_58 = arith.constant 0 : index
    %swap3A_59 = vector.load %arg14[%swap3A_57, %swap3A_58] : memref<1x128xf32, #tpu.memory_space<vmem>>, vector<1x128xf32>
    tpu.vector_store %arg14[%swap3A_57, %swap3A_58], %add3A_56 {strides = array<i32>} : memref<1x128xf32, #tpu.memory_space<vmem>>, vector<1x128xf32>,
    return
  }
}

module attributes {stable_mosaic.version = 14 : i64} {
  func.func @_tail_body(%arg0: i32, %arg1: memref<2x2048x128xf32, #tpu.memory_space<vmem>>, %arg2: memref<2x10240xf32, #tpu.memory_space<vmem>>, %arg3: memref<128x128xf32, #tpu.memory_space<vmem>>, %arg4: memref<1x128xf32, #tpu.memory_space<vmem>>, %arg5: memref<128x128xf32, #tpu.memory_space<vmem>>, %arg6: memref<1x128xf32, #tpu.memory_space<vmem>>, %arg7: memref<128x128xf32, #tpu.memory_space<vmem>>, %arg8: memref<1x128xf32, #tpu.memory_space<vmem>>, %arg9: memref<2048x128xf32, #tpu.memory_space<vmem>>) attributes {dimension_semantics = [#tpu.dimension_semantics<arbitrary>], iteration_bounds = array<i64: 5>, scalar_prefetch = 0 : i64, scratch_operands = 0 : i64, tpu.core_type = #tpu.core_type<tc>, window_params = [{transform_indices = @transform_0, window_bounds = array<i64: 2, 2048, 128>}, {pipeline_mode = #tpu.pipeline_mode<synchronous>, transform_indices = @transform_1, window_bounds = array<i64: 2, 10240>}, {pipeline_mode = #tpu.pipeline_mode<synchronous>, transform_indices = @transform_2, window_bounds = array<i64: 128, 128>}, {pipeline_mode = #tpu.pipeline_mode<synchronous>, transform_indices = @transform_3, window_bounds = array<i64: 1, 128>}, {pipeline_mode = #tpu.pipeline_mode<synchronous>, transform_indices = @transform_4, window_bounds = array<i64: 128, 128>}, {pipeline_mode = #tpu.pipeline_mode<synchronous>, transform_indices = @transform_5, window_bounds = array<i64: 1, 128>}, {pipeline_mode = #tpu.pipeline_mode<synchronous>, transform_indices = @transform_6, window_bounds = array<i64: 128, 128>}, {pipeline_mode = #tpu.pipeline_mode<synchronous>, transform_indices = @transform_7, window_bounds = array<i64: 1, 128>}, {transform_indices = @transform_8, window_bounds = array<i64: 2048, 128>}]} {
    %mul3A = arith.constant 2048 : i32
    %mul3A_0 = arith.muli %arg0, %mul3A : i32
    %get3A = arith.constant 0 : index
    %get3A_1 = arith.index_cast %mul3A_0 : i32 to index
    %get3A_2 = vector.load %arg2[%get3A, %get3A_1] : memref<2x10240xf32, #tpu.memory_space<vmem>>, vector<1x2048xf32>
    %get3A_3 = vector.shape_cast %get3A_2 : vector<1x2048xf32> to vector<2048xf32>
    %mul3A_4 = arith.constant 2048 : i32
    %mul3A_5 = arith.muli %arg0, %mul3A_4 : i32
    %get3A_6 = arith.constant 1 : index
    %get3A_7 = arith.index_cast %mul3A_5 : i32 to index
    %get3A_8 = vector.load %arg2[%get3A_6, %get3A_7] : memref<2x10240xf32, #tpu.memory_space<vmem>>, vector<1x2048xf32>
    %get3A_9 = vector.shape_cast %get3A_8 : vector<1x2048xf32> to vector<2048xf32>
    %add3A = arith.addf %get3A_3, %get3A_9 : vector<2048xf32>
    %gt3A = arith.constant 0.000000e+00 : f32
    %gt3A_10 = vector.broadcast %gt3A : f32 to vector<2048xf32>
    %gt3A_11 = arith.cmpf ogt, %add3A, %gt3A_10 : vector<2048xf32>
    %rsqrt3A = math.rsqrt %add3A : vector<2048xf32>
    %jit3A = arith.constant 0.000000e+00 : f32
    %broadcast_in_dim3A = vector.broadcast %jit3A : f32 to vector<2048xf32>
    %select_n3A = arith.select %gt3A_11, %rsqrt3A, %broadcast_in_dim3A : vector<2048xi1>, vector<2048xf32>
    %reshape3A = vector.shape_cast %select_n3A : vector<2048xf32> to vector<2048x1xf32>
    %get3A_12 = arith.constant 0 : index
    %get3A_13 = arith.constant 0 : index
    %get3A_14 = arith.constant 0 : index
    %get3A_15 = vector.load %arg1[%get3A_12, %get3A_13, %get3A_14] : memref<2x2048x128xf32, #tpu.memory_space<vmem>>, vector<1x2048x128xf32>
    %get3A_16 = vector.shape_cast %get3A_15 : vector<1x2048x128xf32> to vector<2048x128xf32>
    %get3A_17 = arith.constant 1 : index
    %get3A_18 = arith.constant 0 : index
    %get3A_19 = arith.constant 0 : index
    %get3A_20 = vector.load %arg1[%get3A_17, %get3A_18, %get3A_19] : memref<2x2048x128xf32, #tpu.memory_space<vmem>>, vector<1x2048x128xf32>
    %get3A_21 = vector.shape_cast %get3A_20 : vector<1x2048x128xf32> to vector<2048x128xf32>
    %add3A_22 = arith.addf %get3A_16, %get3A_21 : vector<2048x128xf32>
    %mul3A_23 = vector.broadcast %reshape3A : vector<2048x1xf32> to vector<2048x128xf32>
    %mul3A_24 = arith.mulf %add3A_22, %mul3A_23 : vector<2048x128xf32>
    %get3A_25 = arith.constant 0 : index
    %get3A_26 = arith.constant 0 : index
    %get3A_27 = vector.load %arg3[%get3A_25, %get3A_26] : memref<128x128xf32, #tpu.memory_space<vmem>>, vector<128x128xf32>
    %dot_general3A = arith.constant dense<0.000000e+00> : vector<2048x128xf32>
    %dot_general3A_28 = tpu.matmul %mul3A_24, %get3A_27, %dot_general3A {dimension_numbers = #tpu.dot_dimension_numbers<[1], [0], [0], [1], [0, 0, 1, 1], [], []>, transpose_lhs_hint = false} : vector<2048x128xf32>, vector<128x128xf32>, vector<2048x128xf32> -> vector<2048x128xf32>
    %get3A_29 = arith.constant 0 : index
    %get3A_30 = arith.constant 0 : index
    %get3A_31 = vector.load %arg4[%get3A_29, %get3A_30] : memref<1x128xf32, #tpu.memory_space<vmem>>, vector<1x128xf32>
    %add3A_32 = vector.broadcast %get3A_31 : vector<1x128xf32> to vector<2048x128xf32>
    %add3A_33 = arith.addf %dot_general3A_28, %add3A_32 : vector<2048x128xf32>
    %logistic3A = arith.negf %add3A_33 : vector<2048x128xf32>
    %logistic3A_34 = math.exp %logistic3A : vector<2048x128xf32>
    %logistic3A_35 = arith.constant 1.000000e+00 : f32
    %logistic3A_36 = vector.broadcast %logistic3A_35 : f32 to vector<2048x128xf32>
    %logistic3A_37 = arith.addf %logistic3A_36, %logistic3A_34 : vector<2048x128xf32>
    %logistic3A_38 = arith.divf %logistic3A_36, %logistic3A_37 : vector<2048x128xf32>
    %get3A_39 = arith.constant 0 : index
    %get3A_40 = arith.constant 0 : index
    %get3A_41 = vector.load %arg5[%get3A_39, %get3A_40] : memref<128x128xf32, #tpu.memory_space<vmem>>, vector<128x128xf32>
    %dot_general3A_42 = arith.constant dense<0.000000e+00> : vector<2048x128xf32>
    %dot_general3A_43 = tpu.matmul %mul3A_24, %get3A_41, %dot_general3A_42 {dimension_numbers = #tpu.dot_dimension_numbers<[1], [0], [0], [1], [0, 0, 1, 1], [], []>, transpose_lhs_hint = false} : vector<2048x128xf32>, vector<128x128xf32>, vector<2048x128xf32> -> vector<2048x128xf32>
    %get3A_44 = arith.constant 0 : index
    %get3A_45 = arith.constant 0 : index
    %get3A_46 = vector.load %arg6[%get3A_44, %get3A_45] : memref<1x128xf32, #tpu.memory_space<vmem>>, vector<1x128xf32>
    %add3A_47 = vector.broadcast %get3A_46 : vector<1x128xf32> to vector<2048x128xf32>
    %add3A_48 = arith.addf %dot_general3A_43, %add3A_47 : vector<2048x128xf32>
    %tanh3A = math.tanh %add3A_48 : vector<2048x128xf32>
    %sub3A = arith.constant 1.000000e+00 : f32
    %sub3A_49 = vector.broadcast %sub3A : f32 to vector<2048x128xf32>
    %sub3A_50 = arith.subf %sub3A_49, %logistic3A_38 : vector<2048x128xf32>
    %mul3A_51 = arith.mulf %sub3A_50, %tanh3A : vector<2048x128xf32>
    %max3A = arith.constant 0.000000e+00 : f32
    %max3A_52 = vector.broadcast %max3A : f32 to vector<2048x128xf32>
    %max3A_53 = arith.maximumf %mul3A_51, %max3A_52 : vector<2048x128xf32>
    %get3A_54 = arith.constant 0 : index
    %get3A_55 = arith.constant 0 : index
    %get3A_56 = vector.load %arg7[%get3A_54, %get3A_55] : memref<128x128xf32, #tpu.memory_space<vmem>>, vector<128x128xf32>
    %dot_general3A_57 = arith.constant dense<0.000000e+00> : vector<2048x128xf32>
    %dot_general3A_58 = tpu.matmul %max3A_53, %get3A_56, %dot_general3A_57 {dimension_numbers = #tpu.dot_dimension_numbers<[1], [0], [0], [1], [0, 0, 1, 1], [], []>, transpose_lhs_hint = false} : vector<2048x128xf32>, vector<128x128xf32>, vector<2048x128xf32> -> vector<2048x128xf32>
    %get3A_59 = arith.constant 0 : index
    %get3A_60 = arith.constant 0 : index
    %get3A_61 = vector.load %arg8[%get3A_59, %get3A_60] : memref<1x128xf32, #tpu.memory_space<vmem>>, vector<1x128xf32>
    %add3A_62 = vector.broadcast %get3A_61 : vector<1x128xf32> to vector<2048x128xf32>
    %add3A_63 = arith.addf %dot_general3A_58, %add3A_62 : vector<2048x128xf32>
    %swap3A = arith.constant 0 : index
    %swap3A_64 = arith.constant 0 : index
    %swap3A_65 = vector.load %arg9[%swap3A, %swap3A_64] : memref<2048x128xf32, #tpu.memory_space<vmem>>, vector<2048x128xf32>
    tpu.vector_store %arg9[%swap3A, %swap3A_64], %add3A_63 {strides = array<i32>} : memref<2048x128xf32, #tpu.memory_space<vmem>>, vector<2048x128xf32>,
    return
  }
  func.func @transform_0(%arg0: i32) -> (i32, i32, i32) {
    %c0_i32 = arith.constant 0 : i32
    %c0_i32_0 = arith.constant 0 : i32
    %c0_i32_1 = arith.constant 0 : i32
    return %c0_i32, %arg0, %c0_i32_0 : i32, i32, i32
  }
  func.func @transform_1(%arg0: i32) -> (i32, i32) {
    %c0_i32 = arith.constant 0 : i32
    %c0_i32_0 = arith.constant 0 : i32
    %c0_i32_1 = arith.constant 0 : i32
    return %c0_i32, %c0_i32_0 : i32, i32
  }
  func.func @transform_2(%arg0: i32) -> (i32, i32) {
    %c0_i32 = arith.constant 0 : i32
    %c0_i32_0 = arith.constant 0 : i32
    %c0_i32_1 = arith.constant 0 : i32
    return %c0_i32, %c0_i32_0 : i32, i32
  }
  func.func @transform_3(%arg0: i32) -> (i32, i32) {
    %c0_i32 = arith.constant 0 : i32
    %c0_i32_0 = arith.constant 0 : i32
    %c0_i32_1 = arith.constant 0 : i32
    return %c0_i32, %c0_i32_0 : i32, i32
  }
  func.func @transform_4(%arg0: i32) -> (i32, i32) {
    %c0_i32 = arith.constant 0 : i32
    %c0_i32_0 = arith.constant 0 : i32
    %c0_i32_1 = arith.constant 0 : i32
    return %c0_i32, %c0_i32_0 : i32, i32
  }
  func.func @transform_5(%arg0: i32) -> (i32, i32) {
    %c0_i32 = arith.constant 0 : i32
    %c0_i32_0 = arith.constant 0 : i32
    %c0_i32_1 = arith.constant 0 : i32
    return %c0_i32, %c0_i32_0 : i32, i32
  }
  func.func @transform_6(%arg0: i32) -> (i32, i32) {
    %c0_i32 = arith.constant 0 : i32
    %c0_i32_0 = arith.constant 0 : i32
    %c0_i32_1 = arith.constant 0 : i32
    return %c0_i32, %c0_i32_0 : i32, i32
  }
  func.func @transform_7(%arg0: i32) -> (i32, i32) {
    %c0_i32 = arith.constant 0 : i32
    %c0_i32_0 = arith.constant 0 : i32
    %c0_i32_1 = arith.constant 0 : i32
    return %c0_i32, %c0_i32_0 : i32, i32
  }
  func.func @transform_8(%arg0: i32) -> (i32, i32) {
    %c0_i32 = arith.constant 0 : i32
    %c0_i32_0 = arith.constant 0 : i32
    return %arg0, %c0_i32 : i32, i32
  }
}

</mosaic_0001>

<sc_bundles>
// kernel: kernel.6.cloned.1.call-start
scs
__scs_entry_jumppad:
0x0: {  	(pc) =	sbr.rel $0x88, $3  }
0x1: {  	(tag) =	ssettag $0x0;
	lr =	simm.s32 $0x1  }
0x2: {  	[smem:$0x3F95] =	sst lr;
	_ =	strace $0xD0000000  }
0x3: {  	_ = 	snop  }
0x4: {  	_ = 	snop  }
0x5: {  	_ = 	snop  }
0x6: {  	_ = 	snop  }
0x7: {  	_ = 	snop  }
__scs_overlays_trampoline_lowered:
0x8: {  	[smem:$0x3FA4] =	sst s0  }
0x9: {  	[smem:$0x3FA5] =	sst s1  }
0xa: {  	[smem:$0x3FA6] =	sst s2  }
0xb: {  	[smem:$0x3FA7] =	sst s3  }
0xc: {  	[smem:$0x3FA8] =	sst s4  }
0xd: {  	[smem:$0x3FA9] =	sst s5  }
0xe: {  	[smem:$0x3FAA] =	sst s6  }
0xf: {  	[smem:$0x3FAB] =	sst s7  }
0x10: {  	[smem:$0x3FAC] =	sst s8  }
0x11: {  	[smem:$0x3FAD] =	sst s9;
	s0 =	simm.s32 @!p0 $0x0  }
0x12: {  	s1 =	sld [smem:$0x3F93];
	s0 =	simm.s32 @p0 $0x1  }
0x13: {  	[smem:$0x3FAE] =	sst s0;
	s0 =	simm.s32 @!p1 $0x0  }
0x14: {  	s2 =	sld [smem:$0x3F92];
	s0 =	simm.s32 @p1 $0x1  }
0x15: {  	[smem:$0x3FAF] =	sst s0;
	s0 =	simm.s32 @!p2 $0x0  }
0x16: {  	s3 =	sld [smem:$0x3FDB];
	s0 =	simm.s32 @p2 $0x1  }
0x17: {  	s4 =	simm.s32 $0x1BF5;
	[smem:$0x3FB1] =	sst s0  }
0x18: {  	s0 =	sld [smem:$0x3F94];
	_ =	swait.ge [sflag:s4], $0x0  }
0x19: {  	s7 =	sld [smem:$0x3F95]  }
0x1a: {  	s8 =	sadd.s32 $0xFFFFE003, lr  }
0x1b: {  	s9 =	sadd.s32 $0xFFFFFEF7, lr;
	s5 =	simm.s32 $0xFFFFFFFF;
	p2 =	slt.u32 s8, $0xFFFFF086  }
0x1c: {  	p1 =	slt.u32 s9, $0xF7A;
	s5 =	simm.s32 @!p2 $0x0  }
0x1d: {  	s5 =	simm.s32 @p1 $0x1;
	p0 =	seq.s32 s7, s2  }
0x1e: {  	s7 =	smul.u32 @!p0 $0xF7A, s2;
	p2 =	seq.s32 @!p0 s5, $0x0  }
0x1f: {  	s9 =	smul.u32 $0xF7A, s1;
	s8 =	simm.s32 @!p0 $0x1BF5;
	p2 =	por !p2, p0  }
0x20: {  	[sflag:s8] =	ssyncset.s32 @!p0 $0xFFFFF086;
	s6 =	sadd.s32 @!p0 s3, s7;
	s7 =	simm.s32 @!p0 $0x108  }
0x21: {  	s3 =	sadd.s32 s3, s9;
	s6 =	sadd.s32 @!p0 $0x88, s6;
	s7 =	simm.s32 @p2 $0x1082  }
0x22: {  	[simem:s7], [sflag:s8] =	dma.local @!p0 [hbm:s6], $0xF7A  }
0x23: {  	s9 =	sor.u32 $0xD0000000, s2;
	s6 =	simm.s32 $0x108;
	_ =	swait.ge @!p0 [sflag:s8], $0x0  }
0x24: {  	s3 =	sadd.s32 $0x88, s3;
	s6 =	simm.s32 @!p1 $0x1082;
	[sflag:s4] =	ssyncset.s32 $0xFFFFF086  }
0x25: {  	[simem:s6], [sflag:s4] =	dma.local [hbm:s3], $0xF7A  }
0x26: {  	[smem:$0x3F95] =	sst s1;
	(tag) =	ssettag s2;
	_ =	strace s9  }
0x27: {  	s1 =	sld [smem:$0x3FA5]  }
0x28: {  	s2 =	sld [smem:$0x3FA6]  }
0x29: {  	s4 =	sld [smem:$0x3FA8]  }
0x2a: {  	p0 =	seq.s32 s5, $0x0;
	s5 =	sld [smem:$0x3FA9]  }
0x2b: {  	s6 =	sld [smem:$0x3FAA]  }
0x2c: {  	s7 =	sld [smem:$0x3FAB]  }
0x2d: {  	s3 =	simm.s32 $0x108;
	s8 =	sld [smem:$0x3FAC]  }
0x2e: {  	s3 =	simm.s32 @!p0 $0x1082;
	s9 =	sld [smem:$0x3FAD]  }
0x2f: {  	lr =	sadd.s32 s0, s3;
	s0 =	sld [smem:$0x3FA4]  }
0x30: {  	s3 =	sld [smem:$0x3FA7]  }
0x31: {  	[smem:$0x3FB0] =	sst s10  }
0x32: {  	s10 =	sld [smem:$0x3FAE];
	_ =	sdelay $0x3  }
0x33: {  	p0 =	seq.s32 s10, $0x1;
	s10 =	sld [smem:$0x3FB0];
	_ =	sdelay $0x3  }
0x34: {  	[smem:$0x3FB0] =	sst s10  }
0x35: {  	s10 =	sld [smem:$0x3FAF];
	_ =	sdelay $0x3  }
0x36: {  	p1 =	seq.s32 s10, $0x1;
	s10 =	sld [smem:$0x3FB0];
	_ =	sdelay $0x3  }
0x37: {  	[smem:$0x3FB0] =	sst s10  }
0x38: {  	s10 =	sld [smem:$0x3FB1]  }
0x39: {  	_ = 	snop;
	(pc) =	sbr.ind lr, $3  }
0x3a: {  	_ = 	snop  }
0x3b: {  	_ = 	snop  }
0x3c: {  	p2 =	seq.s32 s10, $0x1;
	s10 =	sld [smem:$0x3FB0]  }
0x3d: {  	_ =	shalt  }
0x3e: {  	_ =	shalt  }
0x3f: {  	_ =	shalt  }
0x40: {  	_ =	shalt  }
0x41: {  	_ =	shalt  }
0x42: {  	_ =	shalt  }
0x43: {  	_ =	shalt  }
0x44: {  	_ =	shalt  }
0x45: {  	_ =	shalt  }
0x46: {  	_ =	shalt  }
0x47: {  	_ =	shalt  }
0x48: {  	_ =	shalt  }
0x49: {  	_ =	shalt  }
0x4a: {  	_ =	shalt  }
0x4b: {  	_ =	shalt  }
0x4c: {  	_ =	shalt  }
0x4d: {  	_ =	shalt  }
0x4e: {  	_ =	shalt  }
0x4f: {  	_ =	shalt  }
0x50: {  	_ =	shalt  }
0x51: {  	_ =	shalt  }
0x52: {  	_ =	shalt  }
0x53: {  	_ =	shalt  }
0x54: {  	_ =	shalt  }
0x55: {  	_ =	shalt  }
0x56: {  	_ =	shalt  }
0x57: {  	_ =	shalt  }
0x58: {  	_ =	shalt  }
0x59: {  	_ =	shalt  }
0x5a: {  	_ =	shalt  }
0x5b: {  	_ =	shalt  }
0x5c: {  	_ =	shalt  }
0x5d: {  	_ =	shalt  }
0x5e: {  	_ =	shalt  }
0x5f: {  	_ =	shalt  }
0x60: {  	_ =	shalt  }
0x61: {  	_ =	shalt  }
0x62: {  	_ =	shalt  }
0x63: {  	_ =	shalt  }
0x64: {  	_ =	shalt  }
0x65: {  	_ =	shalt  }
0x66: {  	_ =	shalt  }
0x67: {  	_ =	shalt  }
0x68: {  	_ =	shalt  }
0x69: {  	_ =	shalt  }
0x6a: {  	_ =	shalt  }
0x6b: {  	_ =	shalt  }
0x6c: {  	_ =	shalt  }
0x6d: {  	_ =	shalt  }
0x6e: {  	_ =	shalt  }
0x6f: {  	_ =	shalt  }
0x70: {  	_ =	shalt  }
0x71: {  	_ =	shalt  }
0x72: {  	_ =	shalt  }
0x73: {  	_ =	shalt  }
0x74: {  	_ =	shalt  }
0x75: {  	_ =	shalt  }
0x76: {  	_ =	shalt  }
0x77: {  	_ =	shalt  }
0x78: {  	_ =	shalt  }
0x79: {  	_ =	shalt  }
0x7a: {  	_ =	shalt  }
0x7b: {  	_ =	shalt  }
0x7c: {  	_ =	shalt  }
0x7d: {  	_ =	shalt  }
0x7e: {  	_ =	shalt  }
0x7f: {  	_ =	shalt  }
0x80: {  	_ =	shalt  }
0x81: {  	_ =	shalt  }
0x82: {  	_ =	shalt  }
0x83: {  	_ =	shalt  }
0x84: {  	_ =	shalt  }
0x85: {  	_ =	shalt  }
0x86: {  	_ =	shalt  }
0x87: {  	_ =	shalt  }
.Lfunc_end0:
.L_simem_size_0:
called_computation_lowered:
.L_overlay_start_0:
0x88: {  	s2 =	sld [smem:$0x3FD9]  }
0x89: {  	s3 =	sld [smem:$0x3FFE];
	_ =	sdelay $0x1  }
0x8a: {  	s1 =	srdreg.scid  }
0x8b: {  	s0 =	sand.u32 $0x1, s1  }
0x8c: {  	s17 =	sshll.u32 s0, $0xA;
	s2 =	sadd.s32 s3, s2  }
0x8d: {  	s2 =	sadd.s32 s2, s17  }
0x8e: {  	[smem:$0x3FBC] =	sst s2  }
0x8f: {  	_ = 	snop  }
0x90: {  	s2 =	sld [smem:$0x3FD0];
	(tm) =	ssettm $0x1  }
0x91: {  	s18 =	sld [smem:$0x3FFB];
	_ =	sdelay $0x3  }
0x92: {  	_ =	strace s18  }
0x93: {  	s3 =	sld [smem:$0x3FFC];
	_ =	sdelay $0x3  }
0x94: {  	_ =	strace s3  }
0x95: {  	s3 =	sld [smem:$0x3FFD];
	_ =	sdelay $0x3  }
0x96: {  	_ =	strace s3  }
0x97: {  	_ =	strace $0x8FFFFFFF  }
0x98: {  	s19 =	sld [smem:$0x3FDB];
	_ =	sdelay $0x1  }
0x99: {  	s4 =	simm.s32 $_scs_section_size  }
0x9a: {  	s5 =	simm.s32 $_size__tile_overlayer_lowered;
	s6 =	simm.s32 $_tile_overlayer_lowered  }
0x9b: {  	s22 =	simm.s32 $0x1BFF;
	s21 =	sshll.u32 s6, $0x1;
	s3 =	sadd.s32 s4, s19  }
0x9c: {  	s7 =	simm.s32 $0x0;
	s20 =	sshll.u32 s5, $0x1;
	s5 =	sadd.s32 s21, s3  }
0x9d: {  	[timem:s7], [sflag:s22] =	dma.local [hbm:s5], s20  }
0x9e: {  	_ =	swait.ge [sflag:s22], s20  }
0x9f: {  	s4 =	ssub.s32 $0x0, s20;
	[sflag:s22] =	ssyncset.done $0x0  }
0xa0: {  	[sflag:s22] =	ssyncadd.s32 s4;
	_ =	sdelay $0x1  }
0xa1: {  	s23 =	simm.s32 $0x1B8B  }
0xa2: {  	_ =	swait.ge [sflag:s23], $0x1  }
0xa3: {  	[sflag:s23] =	ssyncset.done $0x0  }
0xa4: {  	s25 =	simm.s32 $0x1B8E;
	s24 =	sld [smem:$0x3FFE];
	[sflag:s23] =	ssyncadd.s32 $0xFFFFFFFF  }
0xa5: {  	s26 =	simm.s32 $execute0_lowered;
	[smem:$0x3FD2] =	sst s25  }
0xa6: {  	s5 =	sshll.u32 s26, $0x1;
	_ =	strace $0x80000046;
	[dreg:$0x1] =	wrdreg $0xFFFFFFFF  }
0xa7: {  	s28 =	simm.s32 $_size_execute0_lowered;
	s3 =	sadd.s32 s3, s5;
	[dreg:$0x0] =	wrdreg $0x0  }
0xa8: {  	s5 =	sshll.u32 s28, $0x1;
	[dreg:$0x2] =	wrdreg s3  }
0xa9: {  	[dreg:$0x3] =	wrdreg s5  }
0xaa: {  	[dreg:$0x4] =	wrdreg $0xC0  }
0xab: {  	_ =	task [dreg:s7], $0x5FFFF  }
0xac: {  	[dreg:$0x1] =	wrdreg $0xFFFFFFFF  }
0xad: {  	[dreg:$0x0] =	wrdreg $0x60  }
0xae: {  	[dreg:$0x2] =	wrdreg s24  }
0xaf: {  	[dreg:$0x3] =	wrdreg s2  }
0xb0: {  	[dreg:$0x4] =	wrdreg $0x2B000  }
0xb1: {  	[dreg:$0x5] =	wrdreg $0x9  }
0xb2: {  	_ =	task.clear_ibuf [dreg:s7], $0x6FFFF;
	_ =	strace $0x90000046  }
0xb3: {  	s29 =	simm.s32 $0x9;
	_ =	strace $0x80000048  }
0xb4: {  	_ =	swait.ge [sflag:s29], $0x1  }
0xb5: {  	[sflag:s29] =	ssyncadd.s32 $0xFFFFFFFF  }
0xb6: {  	_ =	strace $0x90000048  }
0xb7: {  	_ =	sfence  }
0xb8: {  	s30 =	sld [smem:$0x0];
	_ =	sdelay $0x2  }
0xb9: {  	s31 =	sshll.u32 s1, $0xD;
	s1 =	sshrl.u32 s1, $0x2  }
0xba: {  	s3 =	sand.u32 $0x4000, s31;
	s1 =	sadd.s32 s1, s30  }
0xbb: {  	s0 =	sor.u32 s3, s0;
	s1 =	sshll.u32 s1, $0x11  }
0xbc: {  	s0 =	sor.u32 s1, s0  }
0xbd: {  	s0 =	sadd.s32 $0x8F2B, s0  }
0xbe: {  	[sflag:s0] =	ssyncadd.remote.s32 $0x1  }
0xbf: {  	_ =	sfence.sel $0xFFFF  }
0xc0: {  	[dreg:$0x0] =	wrdreg $0xFFFFFFFF;
	(pc) =	sbr.abs _section_cstart, $3  }
0xc1: {  	[dreg:$0x1] =	wrdreg $0xFFFFFFFF  }
0xc2: {  	_ =	task.clear_ibuf [dreg:s7], $0x2FFFF;
	_ =	strace $0x9FFFFFFF  }
0xc3: {  	(tm) =	ssettm $0x7FFFFFFF  }
tec
execute0_lowered:
.L_overlay_start_1:
0x0: {  	(tag) =	ssettag $0x1  }
0x1: {  	s6 =	rddreg [dreg:$0x0]  }
0x2: {  	s0 =	srdreg.scid;
	s8 =	rddreg [dreg:$0x1]  }
0x3: {  	s2 =	rddreg [dreg:$0x2];
	s1 =	stileid.u32;
	s3 =	simm.s32 $0x0  }
0x4: {  	s13 =	simm.s32 $0x2800;
	s14 =	simm.s32 $0x1;
	s17 =	simm.s32 $0x20  }
0x5: {  	s18 =	simm.s32 $0x10;
	s4 =	sand.u32 $0x1, s0;
	s0 =	rddreg [dreg:$0x3]  }
0x6: {  	s19 =	simm.s32 $0x0;
	[smem:$0x7FF] =	sst s3;
	s31 =	smul.u32 $0x500, s1  }
0x7: {  	s11 =	smul.u32 $0xA00, s1;
	s15 =	sshll.u32 s1, $0x6;
	s5 =	sshll.u32 s4, $0x4  }
0x8: {  	s29 =	ssub.s32 $0x2, s4;
	_ =	strace $0x80000047;
	s10 =	sor.u32 s1, s5  }
0x9: {  	s12 =	sshll.u32 s4, $0x7;
	s9 =	sshrl.u32 s29, $0x1;
	s7 =	smul.u32 $0x2800, s10  }
0xa: {  	s15 =	sor.u32 $0x1C02, s15;
	s11 =	sshrl.u32 s11, $0x2;
	s9 =	ssub.s32 s29, s9  }
0xb: {  	p0 =	seq.s32 s10, $0x1F;
	s10 =	simm.s32 $0x2880;
	s30 =	sshrl.u32 s7, $0x3  }
0xc: {  	s9 =	smax.u32 s9, $0x1;
	s7 =	sor.u32 s12, s31;
	s5 =	sadd.s32 s6, s30  }
0xd: {  	s12 =	sshrl.u32 s7, $0x3;
	s7 =	sadd.s32 s11, s2;
	s11 =	simm.s32 $0x2  }
0xe: {  	s4 =	sadd.s32 $0xC880, s5;
	s5 =	sadd.s32 $0x16380, s6;
	s6 =	sadd.s32 $0x16480, s6  }
0xf: {  	v0 =	vimm.f32 $1.000000000e+00;
	v1 =	vimm.f32 $0.0e+00;
	s8 =	sadd.s32 s8, s12;
	s12 =	simm.s32 $0x80;
	s16 =	sshrl.u32 s7, $0x3  }
.LBB2_1:
0x10: {  	s20 =	simm.s32 @p0 $0x0  }
0x11: {  	[tilespmem:s20], [sflag:$0x1] =	stream.linear.gather @p0 [hbm4b:s5+s20], $0x800, $0x38;
	[tilespmem:$0x2D80] =	vst v63  }
0x12: {  	s21 =	simm.s32 @p0 $0x800  }
0x13: {  	[tilespmem:s21], [sflag:$0x1] =	stream.linear.gather @p0 [hbm4b:s6+s20], $0x200, $0x38;
	[tilespmem:$0x2D80] =	vst v63  }
0x14: {  	s20 =	simm.s32 @!p0 $0x0  }
0x15: {  	[tilespmem:s20], [sflag:$0x1] =	stream.linear.gather @!p0 [hbm4b:s4+s20], $0x2800, $0x38;
	[tilespmem:$0x2D80] =	vst v63  }
0x16: {  	[tilespmem:$0x2800] =	vst v0  }
0x17: {  	[tilespmem:$0x2810] =	vst v0  }
0x18: {  	[tilespmem:$0x2820] =	vst v0  }
0x19: {  	[tilespmem:$0x2830] =	vst v0  }
0x1a: {  	[tilespmem:$0x2840] =	vst v0  }
0x1b: {  	[tilespmem:$0x2850] =	vst v0  }
0x1c: {  	[tilespmem:$0x2860] =	vst v0  }
0x1d: {  	[tilespmem:$0x2870] =	vst v0  }
0x1e: {  	[tilespmem:$0x2880] =	vst v1  }
0x1f: {  	[tilespmem:$0x2890] =	vst v1  }
0x20: {  	[tilespmem:$0x28A0] =	vst v1  }
0x21: {  	[tilespmem:$0x28B0] =	vst v1  }
0x22: {  	[tilespmem:$0x28C0] =	vst v1  }
0x23: {  	[tilespmem:$0x28D0] =	vst v1  }
0x24: {  	[tilespmem:$0x28E0] =	vst v1  }
0x25: {  	[tilespmem:$0x28F0] =	vst v1  }
0x26: {  	[tilespmem:$0x2900] =	vst v1  }
0x27: {  	[tilespmem:$0x2910] =	vst v1  }
0x28: {  	[tilespmem:$0x2920] =	vst v1  }
0x29: {  	[tilespmem:$0x2930] =	vst v1  }
0x2a: {  	[tilespmem:$0x2940] =	vst v1  }
0x2b: {  	[tilespmem:$0x2950] =	vst v1  }
0x2c: {  	[tilespmem:$0x2960] =	vst v1  }
0x2d: {  	[tilespmem:$0x2970] =	vst v1  }
0x2e: {  	[tilespmem:$0x2980] =	vst v1  }
0x2f: {  	[tilespmem:$0x2990] =	vst v1  }
0x30: {  	[tilespmem:$0x29A0] =	vst v1  }
0x31: {  	[tilespmem:$0x29B0] =	vst v1  }
0x32: {  	[tilespmem:$0x29C0] =	vst v1  }
0x33: {  	[tilespmem:$0x29D0] =	vst v1  }
0x34: {  	[tilespmem:$0x29E0] =	vst v1  }
0x35: {  	[tilespmem:$0x29F0] =	vst v1  }
0x36: {  	[tilespmem:$0x2A00] =	vst v1  }
0x37: {  	[tilespmem:$0x2A10] =	vst v1  }
0x38: {  	[tilespmem:$0x2A20] =	vst v1  }
0x39: {  	[tilespmem:$0x2A30] =	vst v1  }
0x3a: {  	[tilespmem:$0x2A40] =	vst v1  }
0x3b: {  	[tilespmem:$0x2A50] =	vst v1  }
0x3c: {  	[tilespmem:$0x2A60] =	vst v1  }
0x3d: {  	[tilespmem:$0x2A70] =	vst v1  }
0x3e: {  	[tilespmem:$0x2A80] =	vst v1  }
0x3f: {  	[tilespmem:$0x2A90] =	vst v1  }
0x40: {  	[tilespmem:$0x2AA0] =	vst v1  }
0x41: {  	[tilespmem:$0x2AB0] =	vst v1  }
0x42: {  	[tilespmem:$0x2AC0] =	vst v1  }
0x43: {  	[tilespmem:$0x2AD0] =	vst v1  }
0x44: {  	[tilespmem:$0x2AE0] =	vst v1  }
0x45: {  	[tilespmem:$0x2AF0] =	vst v1  }
0x46: {  	[spmem:s7] =	stream.linear.scatter [tilespmem:s10], [sflag:$0x2], $0x280, $0x38;
	[tilespmem:$0x2D80] =	vst v63  }
0x47: {  	_ =	swait.ge [sflag:s11], $0x280  }
0x48: {  	[sflag:s11] =	ssyncset.done $0x0  }
0x49: {  	s20 =	simm.s32 @p0 $0x1;
	[sflag:s11] =	ssyncadd.s32 $0xFFFFFD80  }
0x4a: {  	_ =	swait.ge @p0 [sflag:s20], $0x800  }
0x4b: {  	[sflag:s20] =	ssyncset.done @p0 $0x0  }
0x4c: {  	[sflag:s20] =	ssyncadd.s32 @p0 $0xFFFFF800  }
0x4d: {  	_ =	swait.ge @p0 [sflag:s20], $0x200  }
0x4e: {  	[sflag:s20] =	ssyncset.done @p0 $0x0  }
0x4f: {  	[sflag:s20] =	ssyncadd.s32 @p0 $0xFFFFFE00;
	s20 =	simm.s32 @!p0 $0x1  }
0x50: {  	_ =	swait.ge @!p0 [sflag:s20], $0x2800  }
0x51: {  	[sflag:s20] =	ssyncset.done @!p0 $0x0  }
0x52: {  	[sflag:s20] =	ssyncadd.s32 @!p0 $0xFFFFD800;
	s20 =	simm.s32 @!p0 $0x50  }
0x53: {  	s20 =	simm.s32 @p0 $0x14  }
0x54: {  	p1 =	sne.s32 s20, $0x1  }
.Ltmp0:
0x55: {  	_ = 	snop;
	(pc) =	sbr.rel @!p1 .LBB2_3-.Ltmp0, $4  }
0x56: {  	_ = 	snop  }
0x57: {  	[bflag:$0x0] =	sbarrier.arrive $0xFFFF  }
0x58: {  	[spmem:s2] =	stream.indirect.scatter.add.f32 [tilespmem:s13], [sflag:$0x1], $0x1, s3, s12, $0xb8;
	[tilespmem:$0x2D80] =	vst v63  }
0x59: {  	s22 =	simm.s32 $0x0;
	s21 =	sadd.s32 $0xFFFFFFFF, s20  }
.LBB2_2:
0x5a: {  	p2 =	sne.s32 s21, $0x1  }
.Ltmp1:
0x5b: {  	_ = 	snop;
	(pc) =	sbr.rel @p2 .LBB2_2-.Ltmp1, $3  }
0x5c: {  	_ = 	snop  }
0x5d: {  	s21 =	sadd.s32 $0xFFFFFFFF, s21;
	s22 =	sadd.s32 $0x80, s22;
	_ =	sdelay $0x1  }
0x5e: {  	[spmem:s2] =	stream.indirect.scatter.add.f32 [tilespmem:s13], [sflag:$0x1], $0x1, s22, s12, $0xb8;
	[tilespmem:$0x2D80] =	vst v63  }
.LBB2_3:
.Ltmp2:
0x5f: {  	(pc) =	sbr.rel @!p1 .LBB2_5-.Ltmp2, $3  }
0x60: {  	_ =	sdelay $0x1  }
0x61: {  	_ =	swait.ge [sflag:s14], $0x80  }
0x62: {  	s20 =	sadd.s32 $0xFFFFFFFF, s20;
	[sflag:s14] =	ssyncset.done $0x0  }
.LBB2_4:
0x63: {  	p1 =	sne.s32 s20, $0x1;
	s20 =	sadd.s32 $0xFFFFFFFF, s20;
	[sflag:s14] =	ssyncadd.s32 $0xFFFFFF80  }
.Ltmp3:
0x64: {  	(pc) =	sbr.rel @p1 .LBB2_4-.Ltmp3, $3  }
0x65: {  	_ =	sdelay $0x1  }
0x66: {  	_ =	swait.ge [sflag:s14], $0x80  }
0x67: {  	[sflag:s14] =	ssyncset.done $0x0  }
.LBB2_5:
0x68: {  	s19 =	sadd.s32 $0x1, s19  }
0x69: {  	[sflag:s14] =	ssyncadd.s32 $0xFFFFFF80;
	p1 =	sne.s32 s19, s9  }
.Ltmp4:
0x6a: {  	[bflag:$0x0] =	sbarrier.arrive $0xFFFF;
	(pc) =	sbr.rel @p1 .LBB2_1-.Ltmp4, $4  }
0x6b: {  	[hbm:s8@s17], [sflag:s15] =	dma.strided [spmem:s16@s18], $0x50, s14, $0x10   }
0x6c: {  	_ =	swait.ge [sflag:s11], $0x50  }
0x6d: {  	[sflag:s11] =	ssyncset.done $0x0  }
0x6e: {  	[sflag:s11] =	ssyncadd.s32 $0xFFFFFFB0  }
0x6f: {  	_ =	sfence.sel $0x180000  }
0x70: {  	[bflag:$0x0] =	sbarrier.arrive $0xFFFF  }
0x71: {  	p0 =	sne.s32 s1, $0x0;
	_ =	strace $0x90000047  }
0x72: {  	s0 =	sadd.s32 @!p0 $0x100000, s0;
	[bflag:$0x2] =	sbarrier.arrive $0xFFFF  }
0x73: {  	[sflag:s0] =	ssyncadd.tile.s32 @!p0 $0x1;
	_ =	shalt  }
.Lfunc_end2:
_tile_overlayer_lowered:
.L_overlay_start_2:
0x74: {  	(tag) =	ssettag $0x2  }
0x75: {  	s0 =	rddreg [dreg:$0x0];
	s2 =	stileid.u32  }
0x76: {  	s1 =	rddreg [dreg:$0x1];
	p0 =	sne.s32 s2, $0x0  }
0x77: {  	s3 =	rddreg [dreg:$0x2];
	[bflag:$0x3] =	sbarrier.arrive $0xFFFF;
	s2 =	simm.s32 @!p0 $0x1C02  }
0x78: {  	[timem:s3], [sflag:s2] =	dma.local @!p0 [hbm:s0], s1  }
0x79: {  	s0 =	simm.s32 @!p0 $0x2  }
0x7a: {  	_ =	swait.ge @!p0 [sflag:s0], s1  }
0x7b: {  	s1 =	ssub.s32 @!p0 $0x0, s1;
	[sflag:s0] =	ssyncset.done @!p0 $0x0  }
0x7c: {  	[sflag:s0] =	ssyncadd.s32 @!p0 s1  }
0x7d: {  	[bflag:$0x3] =	sbarrier.arrive $0xFFFF  }
0x7e: {  	_ =	shalt  }

// kernel: kernel.9.cloned.1.call-start
scs
__scs_entry_jumppad:
0x0: {  	(pc) =	sbr.rel $0x88, $3  }
0x1: {  	(tag) =	ssettag $0x0;
	lr =	simm.s32 $0x1  }
0x2: {  	[smem:$0x3F95] =	sst lr;
	_ =	strace $0xD0000000  }
0x3: {  	_ = 	snop  }
0x4: {  	_ = 	snop  }
0x5: {  	_ = 	snop  }
0x6: {  	_ = 	snop  }
0x7: {  	_ = 	snop  }
__scs_overlays_trampoline_lowered:
0x8: {  	[smem:$0x3FA4] =	sst s0  }
0x9: {  	[smem:$0x3FA5] =	sst s1  }
0xa: {  	[smem:$0x3FA6] =	sst s2  }
0xb: {  	[smem:$0x3FA7] =	sst s3  }
0xc: {  	[smem:$0x3FA8] =	sst s4  }
0xd: {  	[smem:$0x3FA9] =	sst s5  }
0xe: {  	[smem:$0x3FAA] =	sst s6  }
0xf: {  	[smem:$0x3FAB] =	sst s7  }
0x10: {  	[smem:$0x3FAC] =	sst s8  }
0x11: {  	[smem:$0x3FAD] =	sst s9;
	s0 =	simm.s32 @!p0 $0x0  }
0x12: {  	s1 =	sld [smem:$0x3F93];
	s0 =	simm.s32 @p0 $0x1  }
0x13: {  	[smem:$0x3FAE] =	sst s0;
	s0 =	simm.s32 @!p1 $0x0  }
0x14: {  	s2 =	sld [smem:$0x3F92];
	s0 =	simm.s32 @p1 $0x1  }
0x15: {  	[smem:$0x3FAF] =	sst s0;
	s0 =	simm.s32 @!p2 $0x0  }
0x16: {  	s3 =	sld [smem:$0x3FDB];
	s0 =	simm.s32 @p2 $0x1  }
0x17: {  	s4 =	simm.s32 $0x1BF5;
	[smem:$0x3FB1] =	sst s0  }
0x18: {  	s0 =	sld [smem:$0x3F94];
	_ =	swait.ge [sflag:s4], $0x0  }
0x19: {  	s7 =	sld [smem:$0x3F95]  }
0x1a: {  	s8 =	sadd.s32 $0xFFFFE003, lr  }
0x1b: {  	s9 =	sadd.s32 $0xFFFFFEF7, lr;
	s5 =	simm.s32 $0xFFFFFFFF;
	p2 =	slt.u32 s8, $0xFFFFF086  }
0x1c: {  	p1 =	slt.u32 s9, $0xF7A;
	s5 =	simm.s32 @!p2 $0x0  }
0x1d: {  	s5 =	simm.s32 @p1 $0x1;
	p0 =	seq.s32 s7, s2  }
0x1e: {  	s7 =	smul.u32 @!p0 $0xF7A, s2;
	p2 =	seq.s32 @!p0 s5, $0x0  }
0x1f: {  	s9 =	smul.u32 $0xF7A, s1;
	s8 =	simm.s32 @!p0 $0x1BF5;
	p2 =	por !p2, p0  }
0x20: {  	[sflag:s8] =	ssyncset.s32 @!p0 $0xFFFFF086;
	s6 =	sadd.s32 @!p0 s3, s7;
	s7 =	simm.s32 @!p0 $0x108  }
0x21: {  	s3 =	sadd.s32 s3, s9;
	s6 =	sadd.s32 @!p0 $0x88, s6;
	s7 =	simm.s32 @p2 $0x1082  }
0x22: {  	[simem:s7], [sflag:s8] =	dma.local @!p0 [hbm:s6], $0xF7A  }
0x23: {  	s9 =	sor.u32 $0xD0000000, s2;
	s6 =	simm.s32 $0x108;
	_ =	swait.ge @!p0 [sflag:s8], $0x0  }
0x24: {  	s3 =	sadd.s32 $0x88, s3;
	s6 =	simm.s32 @!p1 $0x1082;
	[sflag:s4] =	ssyncset.s32 $0xFFFFF086  }
0x25: {  	[simem:s6], [sflag:s4] =	dma.local [hbm:s3], $0xF7A  }
0x26: {  	[smem:$0x3F95] =	sst s1;
	(tag) =	ssettag s2;
	_ =	strace s9  }
0x27: {  	s1 =	sld [smem:$0x3FA5]  }
0x28: {  	s2 =	sld [smem:$0x3FA6]  }
0x29: {  	s4 =	sld [smem:$0x3FA8]  }
0x2a: {  	p0 =	seq.s32 s5, $0x0;
	s5 =	sld [smem:$0x3FA9]  }
0x2b: {  	s6 =	sld [smem:$0x3FAA]  }
0x2c: {  	s7 =	sld [smem:$0x3FAB]  }
0x2d: {  	s3 =	simm.s32 $0x108;
	s8 =	sld [smem:$0x3FAC]  }
0x2e: {  	s3 =	simm.s32 @!p0 $0x1082;
	s9 =	sld [smem:$0x3FAD]  }
0x2f: {  	lr =	sadd.s32 s0, s3;
	s0 =	sld [smem:$0x3FA4]  }
0x30: {  	s3 =	sld [smem:$0x3FA7]  }
0x31: {  	[smem:$0x3FB0] =	sst s10  }
0x32: {  	s10 =	sld [smem:$0x3FAE];
	_ =	sdelay $0x3  }
0x33: {  	p0 =	seq.s32 s10, $0x1;
	s10 =	sld [smem:$0x3FB0];
	_ =	sdelay $0x3  }
0x34: {  	[smem:$0x3FB0] =	sst s10  }
0x35: {  	s10 =	sld [smem:$0x3FAF];
	_ =	sdelay $0x3  }
0x36: {  	p1 =	seq.s32 s10, $0x1;
	s10 =	sld [smem:$0x3FB0];
	_ =	sdelay $0x3  }
0x37: {  	[smem:$0x3FB0] =	sst s10  }
0x38: {  	s10 =	sld [smem:$0x3FB1]  }
0x39: {  	_ = 	snop;
	(pc) =	sbr.ind lr, $3  }
0x3a: {  	_ = 	snop  }
0x3b: {  	_ = 	snop  }
0x3c: {  	p2 =	seq.s32 s10, $0x1;
	s10 =	sld [smem:$0x3FB0]  }
0x3d: {  	_ =	shalt  }
0x3e: {  	_ =	shalt  }
0x3f: {  	_ =	shalt  }
0x40: {  	_ =	shalt  }
0x41: {  	_ =	shalt  }
0x42: {  	_ =	shalt  }
0x43: {  	_ =	shalt  }
0x44: {  	_ =	shalt  }
0x45: {  	_ =	shalt  }
0x46: {  	_ =	shalt  }
0x47: {  	_ =	shalt  }
0x48: {  	_ =	shalt  }
0x49: {  	_ =	shalt  }
0x4a: {  	_ =	shalt  }
0x4b: {  	_ =	shalt  }
0x4c: {  	_ =	shalt  }
0x4d: {  	_ =	shalt  }
0x4e: {  	_ =	shalt  }
0x4f: {  	_ =	shalt  }
0x50: {  	_ =	shalt  }
0x51: {  	_ =	shalt  }
0x52: {  	_ =	shalt  }
0x53: {  	_ =	shalt  }
0x54: {  	_ =	shalt  }
0x55: {  	_ =	shalt  }
0x56: {  	_ =	shalt  }
0x57: {  	_ =	shalt  }
0x58: {  	_ =	shalt  }
0x59: {  	_ =	shalt  }
0x5a: {  	_ =	shalt  }
0x5b: {  	_ =	shalt  }
0x5c: {  	_ =	shalt  }
0x5d: {  	_ =	shalt  }
0x5e: {  	_ =	shalt  }
0x5f: {  	_ =	shalt  }
0x60: {  	_ =	shalt  }
0x61: {  	_ =	shalt  }
0x62: {  	_ =	shalt  }
0x63: {  	_ =	shalt  }
0x64: {  	_ =	shalt  }
0x65: {  	_ =	shalt  }
0x66: {  	_ =	shalt  }
0x67: {  	_ =	shalt  }
0x68: {  	_ =	shalt  }
0x69: {  	_ =	shalt  }
0x6a: {  	_ =	shalt  }
0x6b: {  	_ =	shalt  }
0x6c: {  	_ =	shalt  }
0x6d: {  	_ =	shalt  }
0x6e: {  	_ =	shalt  }
0x6f: {  	_ =	shalt  }
0x70: {  	_ =	shalt  }
0x71: {  	_ =	shalt  }
0x72: {  	_ =	shalt  }
0x73: {  	_ =	shalt  }
0x74: {  	_ =	shalt  }
0x75: {  	_ =	shalt  }
0x76: {  	_ =	shalt  }
0x77: {  	_ =	shalt  }
0x78: {  	_ =	shalt  }
0x79: {  	_ =	shalt  }
0x7a: {  	_ =	shalt  }
0x7b: {  	_ =	shalt  }
0x7c: {  	_ =	shalt  }
0x7d: {  	_ =	shalt  }
0x7e: {  	_ =	shalt  }
0x7f: {  	_ =	shalt  }
0x80: {  	_ =	shalt  }
0x81: {  	_ =	shalt  }
0x82: {  	_ =	shalt  }
0x83: {  	_ =	shalt  }
0x84: {  	_ =	shalt  }
0x85: {  	_ =	shalt  }
0x86: {  	_ =	shalt  }
0x87: {  	_ =	shalt  }
.Lfunc_end0:
.L_simem_size_0:
called_computation.1_lowered:
.L_overlay_start_0:
0x88: {  	s2 =	sld [smem:$0x3FD9]  }
0x89: {  	s3 =	sld [smem:$0x3FFE];
	_ =	sdelay $0x1  }
0x8a: {  	s1 =	srdreg.scid  }
0x8b: {  	s0 =	sand.u32 $0x1, s1  }
0x8c: {  	s17 =	sshll.u32 s0, $0xA;
	s2 =	sadd.s32 s3, s2  }
0x8d: {  	s2 =	sadd.s32 s2, s17  }
0x8e: {  	[smem:$0x3FBC] =	sst s2  }
0x8f: {  	_ = 	snop  }
0x90: {  	s2 =	sld [smem:$0x3FD0];
	(tm) =	ssettm $0x1  }
0x91: {  	s18 =	sld [smem:$0x3FFB];
	_ =	sdelay $0x3  }
0x92: {  	_ =	strace s18  }
0x93: {  	s3 =	sld [smem:$0x3FFC];
	_ =	sdelay $0x3  }
0x94: {  	_ =	strace s3  }
0x95: {  	s3 =	sld [smem:$0x3FFD];
	_ =	sdelay $0x3  }
0x96: {  	_ =	strace s3  }
0x97: {  	_ =	strace $0x8FFFFFFF  }
0x98: {  	s19 =	sld [smem:$0x3FDB];
	_ =	sdelay $0x1  }
0x99: {  	s4 =	simm.s32 $_scs_section_size  }
0x9a: {  	s5 =	simm.s32 $_size__tile_overlayer_lowered;
	s6 =	simm.s32 $_tile_overlayer_lowered  }
0x9b: {  	s22 =	simm.s32 $0x1BFF;
	s21 =	sshll.u32 s6, $0x1;
	s3 =	sadd.s32 s4, s19  }
0x9c: {  	s7 =	simm.s32 $0x0;
	s20 =	sshll.u32 s5, $0x1;
	s5 =	sadd.s32 s21, s3  }
0x9d: {  	[timem:s7], [sflag:s22] =	dma.local [hbm:s5], s20  }
0x9e: {  	_ =	swait.ge [sflag:s22], s20  }
0x9f: {  	s4 =	ssub.s32 $0x0, s20;
	[sflag:s22] =	ssyncset.done $0x0  }
0xa0: {  	[sflag:s22] =	ssyncadd.s32 s4;
	_ =	sdelay $0x1  }
0xa1: {  	s23 =	simm.s32 $0x1B8B  }
0xa2: {  	_ =	swait.ge [sflag:s23], $0x1  }
0xa3: {  	[sflag:s23] =	ssyncset.done $0x0  }
0xa4: {  	s25 =	simm.s32 $0x1B8E;
	s24 =	sld [smem:$0x3FFE];
	[sflag:s23] =	ssyncadd.s32 $0xFFFFFFFF  }
0xa5: {  	s26 =	simm.s32 $execute0_lowered;
	[smem:$0x3FD2] =	sst s25  }
0xa6: {  	s5 =	sshll.u32 s26, $0x1;
	_ =	strace $0x80000049;
	[dreg:$0x1] =	wrdreg $0xFFFFFFFF  }
0xa7: {  	s28 =	simm.s32 $_size_execute0_lowered;
	s3 =	sadd.s32 s3, s5;
	[dreg:$0x0] =	wrdreg $0x0  }
0xa8: {  	s5 =	sshll.u32 s28, $0x1;
	[dreg:$0x2] =	wrdreg s3  }
0xa9: {  	[dreg:$0x3] =	wrdreg s5  }
0xaa: {  	[dreg:$0x4] =	wrdreg $0xC0  }
0xab: {  	_ =	task [dreg:s7], $0x5FFFF  }
0xac: {  	[dreg:$0x1] =	wrdreg $0xFFFFFFFF  }
0xad: {  	[dreg:$0x0] =	wrdreg $0x60  }
0xae: {  	[dreg:$0x2] =	wrdreg s2  }
0xaf: {  	[dreg:$0x3] =	wrdreg s24  }
0xb0: {  	[dreg:$0x4] =	wrdreg $0xA0000  }
0xb1: {  	[dreg:$0x5] =	wrdreg $0x9  }
0xb2: {  	_ =	task.clear_ibuf [dreg:s7], $0x6FFFF;
	_ =	strace $0x90000049  }
0xb3: {  	s29 =	simm.s32 $0x9;
	_ =	strace $0x8000004B  }
0xb4: {  	_ =	swait.ge [sflag:s29], $0x1  }
0xb5: {  	[sflag:s29] =	ssyncadd.s32 $0xFFFFFFFF  }
0xb6: {  	_ =	strace $0x9000004B  }
0xb7: {  	_ =	sfence  }
0xb8: {  	s30 =	sld [smem:$0x0];
	_ =	sdelay $0x2  }
0xb9: {  	s31 =	sshll.u32 s1, $0xD;
	s1 =	sshrl.u32 s1, $0x2  }
0xba: {  	s3 =	sand.u32 $0x4000, s31;
	s1 =	sadd.s32 s1, s30  }
0xbb: {  	s0 =	sor.u32 s3, s0;
	s1 =	sshll.u32 s1, $0x11  }
0xbc: {  	s0 =	sor.u32 s1, s0  }
0xbd: {  	s0 =	sadd.s32 $0x8F2B, s0  }
0xbe: {  	[sflag:s0] =	ssyncadd.remote.s32 $0x1  }
0xbf: {  	_ =	sfence.sel $0xFFFF  }
0xc0: {  	[dreg:$0x0] =	wrdreg $0xFFFFFFFF;
	(pc) =	sbr.abs _section_cstart, $3  }
0xc1: {  	[dreg:$0x1] =	wrdreg $0xFFFFFFFF  }
0xc2: {  	_ =	task.clear_ibuf [dreg:s7], $0x2FFFF;
	_ =	strace $0x9FFFFFFF  }
0xc3: {  	(tm) =	ssettm $0x7FFFFFFF  }
tec
execute0_lowered:
.L_overlay_start_1:
0x0: {  	(tag) =	ssettag $0x1  }
0x1: {  	s2 =	rddreg [dreg:$0x0]  }
0x2: {  	s0 =	srdreg.scid;
	s14 =	rddreg [dreg:$0x1]  }
0x3: {  	s8 =	stileid.u32;
	s3 =	rddreg [dreg:$0x2]  }
0x4: {  	s4 =	simm.s32 $0x0;
	s28 =	simm.s32 $0x7;
	s31 =	simm.s32 $0x1000  }
0x5: {  	s29 =	simm.s32 $0x1800;
	s30 =	simm.s32 $0x1980;
	s0 =	sand.u32 $0x1, s0  }
0x6: {  	s7 =	smul.u32 $0x14000, s8;
	[smem:$0x7FF] =	sst s4;
	s21 =	sadd.s32 $0xC700, s14  }
0x7: {  	s22 =	sadd.s32 $0x16380, s14;
	_ =	strace $0x8000004A;
	[dreg:$0xa] =	wrdreg s21  }
0x8: {  	s26 =	smul.u32 $0x50000, s8;
	s23 =	sadd.s32 $0xC800, s14;
	[dreg:$0xb] =	wrdreg s22  }
0x9: {  	s25 =	sadd.s32 $0x16480, s14;
	s1 =	sshll.u32 s0, $0x4;
	[dreg:$0xc] =	wrdreg s23  }
0xa: {  	s6 =	smul.u32 $0x140000, s0;
	s0 =	ssub.s32 $0x2, s0;
	[dreg:$0xd] =	wrdreg s25  }
0xb: {  	s21 =	simm.s32 $0x5;
	s22 =	simm.s32 $0x6000;
	s23 =	simm.s32 $0x2  }
0xc: {  	s1 =	sor.u32 s8, s1;
	s4 =	sshrl.u32 s0, $0x1;
	s8 =	sshrl.u32 s26, $0x2  }
0xd: {  	s5 =	smul.u32 $0x2800, s1;
	s6 =	sadd.s32 s7, s6;
	s0 =	ssub.s32 s0, s4  }
0xe: {  	s8 =	sadd.s32 s8, s3;
	p0 =	seq.s32 s1, $0x1F;
	s1 =	simm.s32 $0x80  }
0xf: {  	s6 =	sshrl.u32 s6, $0x3;
	s11 =	sadd.s32 $0x4000, s8;
	s12 =	sadd.s32 $0x8000, s8  }
0x10: {  	s13 =	sadd.s32 $0xC000, s8;
	s24 =	sadd.s32 $0x10000, s8;
	s0 =	smax.u32 s0, $0x1  }
0x11: {  	[dreg:$0x10] =	wrdreg s8;
	s5 =	sshrl.u32 s5, $0x3;
	s16 =	sadd.s32 s6, s14  }
0x12: {  	[dreg:$0xf] =	wrdreg s0;
	s15 =	sadd.s32 s5, s14;
	s26 =	sadd.s32 $0x16600, s16  }
0x13: {  	s0 =	simm.s32 $0x3;
	s17 =	sadd.s32 $0x2E00, s15;
	[dreg:$0xe] =	wrdreg s26  }
0x14: {  	s6 =	sadd.s32 $0x2C00, s15;
	s5 =	sadd.s32 $0xCA80, s15;
	[dreg:$0x4] =	wrdreg s17  }
0x15: {  	s7 =	sadd.s32 $0xC880, s15;
	s18 =	sadd.s32 $0x2F00, s15;
	[dreg:$0x5] =	wrdreg s5  }
.Ltmp0:
0x16: {  	s19 =	sadd.s32 $0xCB80, s15;
	[dreg:$0x6] =	wrdreg s18;
	(pc) =	sbr.rel .LBB2_1-.Ltmp0, $4  }
0x17: {  	s9 =	sadd.s32 $0x2D00, s15;
	s20 =	sadd.s32 $0x3000, s15;
	[dreg:$0x7] =	wrdreg s19  }
0x18: {  	s10 =	sadd.s32 $0xC980, s15;
	s15 =	sadd.s32 $0xCC80, s15;
	[dreg:$0x8] =	wrdreg s20  }
0x19: {  	s14 =	simm.s32 $0x1;
	s26 =	simm.s32 $0x2000;
	[dreg:$0x9] =	wrdreg s15  }
0x1a: {  	v0 =	vimm.f32 $0.0e+00;
	s5 =	simm.s32 $0x800;
	s19 =	simm.s32 $0x6;
	s15 =	simm.s32 $0x0  }
.LBB2_4:
0x1b: {  	_ =	swait.ge [sflag:s21], $0x800  }
0x1c: {  	[sflag:s21] =	ssyncset.done $0x0  }
0x1d: {  	[sflag:s21] =	ssyncadd.s32 $0xFFFFF800  }
0x1e: {  	_ =	swait.ge [sflag:s21], $0x800  }
0x1f: {  	[sflag:s21] =	ssyncset.done $0x0  }
0x20: {  	s20 =	simm.s32 $0x0;
	[sflag:s21] =	ssyncadd.s32 $0xFFFFF800  }
0x21: {  	[tilespmem:s26], [sflag:$0x1] =	stream.indirect.gather [hbm4b:s2+s1], $0x80, s20, s1, $0xb8;
	[tilespmem:$0x1E000] =	vst v63  }
0x22: {  	_ = 	snop  }
0x23: {  	[tilespmem:s22], [sflag:$0x2] =	stream.indirect.gather [hbm4b:s2+s1], $0x80, s1, s1, $0xb8;
	[tilespmem:$0x1E000] =	vst v63  }
0x24: {  	_ =	swait.ge [sflag:s14], $0x4000  }
0x25: {  	[sflag:s14] =	ssyncset.done $0x0  }
0x26: {  	s8 =	simm.s32 $0x800;
	[sflag:s14] =	ssyncadd.s32 $0xFFFFC000  }
0x27: {  	[spmem:s3] =	stream.indirect.scatter.add.f32 [tilespmem:s26], [sflag:$0x3], $0x80, s8, s1, $0xb8;
	[tilespmem:$0x1E000] =	vst v63  }
0x28: {  	_ =	swait.ge [sflag:s23], $0x4000  }
0x29: {  	[sflag:s23] =	ssyncset.done $0x0  }
0x2a: {  	[sflag:s23] =	ssyncadd.s32 $0xFFFFC000  }
0x2b: {  	_ =	swait.ge [sflag:s0], $0x4000  }
0x2c: {  	[sflag:s0] =	ssyncset.done $0x0  }
0x2d: {  	s4 =	simm.s32 $0x100;
	[sflag:s0] =	ssyncadd.s32 $0xFFFFC000  }
0x2e: {  	[tilespmem:s26], [sflag:$0x1] =	stream.indirect.gather [hbm4b:s2+s1], $0x80, s4, s1, $0xb8;
	[tilespmem:$0x1E000] =	vst v63  }
0x2f: {  	s16 =	simm.s32 $0x880  }
0x30: {  	[spmem:s3] =	stream.indirect.scatter.add.f32 [tilespmem:s22], [sflag:$0x4], $0x80, s16, s1, $0xb8;
	[tilespmem:$0x1E000] =	vst v63  }
0x31: {  	s16 =	simm.s32 $0x4  }
0x32: {  	_ =	swait.ge [sflag:s16], $0x4000  }
0x33: {  	[sflag:s16] =	ssyncset.done $0x0  }
0x34: {  	s17 =	simm.s32 $0x180;
	[sflag:s16] =	ssyncadd.s32 $0xFFFFC000  }
0x35: {  	[tilespmem:s22], [sflag:$0x2] =	stream.indirect.gather [hbm4b:s2+s1], $0x80, s17, s1, $0xb8;
	[tilespmem:$0x1E000] =	vst v63  }
0x36: {  	_ =	swait.ge [sflag:s14], $0x4000  }
0x37: {  	[sflag:s14] =	ssyncset.done $0x0  }
0x38: {  	s18 =	simm.s32 $0x900;
	[sflag:s14] =	ssyncadd.s32 $0xFFFFC000  }
0x39: {  	[spmem:s3] =	stream.indirect.scatter.add.f32 [tilespmem:s26], [sflag:$0x3], $0x80, s18, s1, $0xb8;
	[tilespmem:$0x1E000] =	vst v63  }
0x3a: {  	_ =	swait.ge [sflag:s23], $0x4000  }
0x3b: {  	[sflag:s23] =	ssyncset.done $0x0  }
0x3c: {  	[sflag:s23] =	ssyncadd.s32 $0xFFFFC000  }
0x3d: {  	_ =	swait.ge [sflag:s0], $0x4000  }
0x3e: {  	[sflag:s0] =	ssyncset.done $0x0  }
0x3f: {  	s25 =	simm.s32 $0x200;
	[sflag:s0] =	ssyncadd.s32 $0xFFFFC000  }
0x40: {  	[tilespmem:s26], [sflag:$0x1] =	stream.indirect.gather [hbm4b:s2+s1], $0x80, s25, s1, $0xb8;
	[tilespmem:$0x1E000] =	vst v63  }
0x41: {  	s5 =	simm.s32 $0x980  }
0x42: {  	[spmem:s3] =	stream.indirect.scatter.add.f32 [tilespmem:s22], [sflag:$0x4], $0x80, s5, s1, $0xb8;
	[tilespmem:$0x1E000] =	vst v63  }
0x43: {  	_ =	swait.ge [sflag:s16], $0x4000  }
0x44: {  	[sflag:s16] =	ssyncset.done $0x0  }
0x45: {  	s17 =	simm.s32 $0x280;
	[sflag:s16] =	ssyncadd.s32 $0xFFFFC000  }
0x46: {  	[tilespmem:s22], [sflag:$0x2] =	stream.indirect.gather [hbm4b:s2+s1], $0x80, s17, s1, $0xb8;
	[tilespmem:$0x1E000] =	vst v63  }
0x47: {  	_ =	swait.ge [sflag:s14], $0x4000  }
0x48: {  	[sflag:s14] =	ssyncset.done $0x0  }
0x49: {  	s18 =	simm.s32 $0xA00;
	[sflag:s14] =	ssyncadd.s32 $0xFFFFC000  }
0x4a: {  	[spmem:s3] =	stream.indirect.scatter.add.f32 [tilespmem:s26], [sflag:$0x3], $0x80, s18, s1, $0xb8;
	[tilespmem:$0x1E000] =	vst v63  }
0x4b: {  	_ =	swait.ge [sflag:s23], $0x4000  }
0x4c: {  	[sflag:s23] =	ssyncset.done $0x0  }
0x4d: {  	[sflag:s23] =	ssyncadd.s32 $0xFFFFC000  }
0x4e: {  	_ =	swait.ge [sflag:s0], $0x4000  }
0x4f: {  	[sflag:s0] =	ssyncset.done $0x0  }
0x50: {  	s25 =	simm.s32 $0x300;
	[sflag:s0] =	ssyncadd.s32 $0xFFFFC000  }
0x51: {  	[tilespmem:s26], [sflag:$0x1] =	stream.indirect.gather [hbm4b:s2+s1], $0x80, s25, s1, $0xb8;
	[tilespmem:$0x1E000] =	vst v63  }
0x52: {  	s5 =	simm.s32 $0xA80  }
0x53: {  	[spmem:s3] =	stream.indirect.scatter.add.f32 [tilespmem:s22], [sflag:$0x4], $0x80, s5, s1, $0xb8;
	[tilespmem:$0x1E000] =	vst v63  }
0x54: {  	_ =	swait.ge [sflag:s16], $0x4000  }
0x55: {  	[sflag:s16] =	ssyncset.done $0x0  }
0x56: {  	s17 =	simm.s32 $0x380;
	[sflag:s16] =	ssyncadd.s32 $0xFFFFC000  }
0x57: {  	[tilespmem:s22], [sflag:$0x2] =	stream.indirect.gather [hbm4b:s2+s1], $0x80, s17, s1, $0xb8;
	[tilespmem:$0x1E000] =	vst v63  }
0x58: {  	_ =	swait.ge [sflag:s14], $0x4000  }
0x59: {  	[sflag:s14] =	ssyncset.done $0x0  }
0x5a: {  	s18 =	simm.s32 $0xB00;
	[sflag:s14] =	ssyncadd.s32 $0xFFFFC000  }
0x5b: {  	[spmem:s3] =	stream.indirect.scatter.add.f32 [tilespmem:s26], [sflag:$0x3], $0x80, s18, s1, $0xb8;
	[tilespmem:$0x1E000] =	vst v63  }
0x5c: {  	_ =	swait.ge [sflag:s23], $0x4000  }
0x5d: {  	[sflag:s23] =	ssyncset.done $0x0  }
0x5e: {  	[sflag:s23] =	ssyncadd.s32 $0xFFFFC000  }
0x5f: {  	_ =	swait.ge [sflag:s0], $0x4000  }
0x60: {  	[sflag:s0] =	ssyncset.done $0x0  }
0x61: {  	s25 =	simm.s32 $0x400;
	[sflag:s0] =	ssyncadd.s32 $0xFFFFC000  }
0x62: {  	[tilespmem:s26], [sflag:$0x1] =	stream.indirect.gather [hbm4b:s2+s1], $0x80, s25, s1, $0xb8;
	[tilespmem:$0x1E000] =	vst v63  }
0x63: {  	s5 =	simm.s32 $0xB80  }
0x64: {  	[spmem:s3] =	stream.indirect.scatter.add.f32 [tilespmem:s22], [sflag:$0x4], $0x80, s5, s1, $0xb8;
	[tilespmem:$0x1E000] =	vst v63  }
0x65: {  	_ =	swait.ge [sflag:s16], $0x4000  }
0x66: {  	[sflag:s16] =	ssyncset.done $0x0  }
0x67: {  	s17 =	simm.s32 $0x480;
	[sflag:s16] =	ssyncadd.s32 $0xFFFFC000  }
0x68: {  	[tilespmem:s22], [sflag:$0x2] =	stream.indirect.gather [hbm4b:s2+s1], $0x80, s17, s1, $0xb8;
	[tilespmem:$0x1E000] =	vst v63  }
0x69: {  	_ =	swait.ge [sflag:s14], $0x4000  }
0x6a: {  	[sflag:s14] =	ssyncset.done $0x0  }
0x6b: {  	s18 =	simm.s32 $0xC00;
	[sflag:s14] =	ssyncadd.s32 $0xFFFFC000  }
0x6c: {  	[spmem:s3] =	stream.indirect.scatter.add.f32 [tilespmem:s26], [sflag:$0x3], $0x80, s18, s1, $0xb8;
	[tilespmem:$0x1E000] =	vst v63  }
0x6d: {  	_ =	swait.ge [sflag:s23], $0x4000  }
0x6e: {  	[sflag:s23] =	ssyncset.done $0x0  }
0x6f: {  	[sflag:s23] =	ssyncadd.s32 $0xFFFFC000  }
0x70: {  	_ =	swait.ge [sflag:s0], $0x4000  }
0x71: {  	[sflag:s0] =	ssyncset.done $0x0  }
0x72: {  	s25 =	simm.s32 $0x500;
	[sflag:s0] =	ssyncadd.s32 $0xFFFFC000  }
0x73: {  	[tilespmem:s26], [sflag:$0x1] =	stream.indirect.gather [hbm4b:s2+s1], $0x80, s25, s1, $0xb8;
	[tilespmem:$0x1E000] =	vst v63  }
0x74: {  	s5 =	simm.s32 $0xC80  }
0x75: {  	[spmem:s3] =	stream.indirect.scatter.add.f32 [tilespmem:s22], [sflag:$0x4], $0x80, s5, s1, $0xb8;
	[tilespmem:$0x1E000] =	vst v63  }
0x76: {  	_ =	swait.ge [sflag:s16], $0x4000  }
0x77: {  	[sflag:s16] =	ssyncset.done $0x0  }
0x78: {  	s17 =	simm.s32 $0x580;
	[sflag:s16] =	ssyncadd.s32 $0xFFFFC000  }
0x79: {  	[tilespmem:s22], [sflag:$0x2] =	stream.indirect.gather [hbm4b:s2+s1], $0x80, s17, s1, $0xb8;
	[tilespmem:$0x1E000] =	vst v63  }
0x7a: {  	_ =	swait.ge [sflag:s14], $0x4000  }
0x7b: {  	[sflag:s14] =	ssyncset.done $0x0  }
0x7c: {  	s18 =	simm.s32 $0xD00;
	[sflag:s14] =	ssyncadd.s32 $0xFFFFC000  }
0x7d: {  	[spmem:s3] =	stream.indirect.scatter.add.f32 [tilespmem:s26], [sflag:$0x3], $0x80, s18, s1, $0xb8;
	[tilespmem:$0x1E000] =	vst v63  }
0x7e: {  	_ =	swait.ge [sflag:s23], $0x4000  }
0x7f: {  	[sflag:s23] =	ssyncset.done $0x0  }
0x80: {  	[sflag:s23] =	ssyncadd.s32 $0xFFFFC000  }
0x81: {  	_ =	swait.ge [sflag:s0], $0x4000  }
0x82: {  	[sflag:s0] =	ssyncset.done $0x0  }
0x83: {  	s25 =	simm.s32 $0x600;
	[sflag:s0] =	ssyncadd.s32 $0xFFFFC000  }
0x84: {  	[tilespmem:s26], [sflag:$0x1] =	stream.indirect.gather [hbm4b:s2+s1], $0x80, s25, s1, $0xb8;
	[tilespmem:$0x1E000] =	vst v63  }
0x85: {  	s5 =	simm.s32 $0xD80  }
0x86: {  	[spmem:s3] =	stream.indirect.scatter.add.f32 [tilespmem:s22], [sflag:$0x4], $0x80, s5, s1, $0xb8;
	[tilespmem:$0x1E000] =	vst v63  }
0x87: {  	_ =	swait.ge [sflag:s16], $0x4000  }
0x88: {  	[sflag:s16] =	ssyncset.done $0x0  }
0x89: {  	s17 =	simm.s32 $0x680;
	[sflag:s16] =	ssyncadd.s32 $0xFFFFC000  }
0x8a: {  	[tilespmem:s22], [sflag:$0x2] =	stream.indirect.gather [hbm4b:s2+s1], $0x80, s17, s1, $0xb8;
	[tilespmem:$0x1E000] =	vst v63  }
0x8b: {  	_ =	swait.ge [sflag:s14], $0x4000  }
0x8c: {  	[sflag:s14] =	ssyncset.done $0x0  }
0x8d: {  	s18 =	simm.s32 $0xE00;
	[sflag:s14] =	ssyncadd.s32 $0xFFFFC000  }
0x8e: {  	[spmem:s3] =	stream.indirect.scatter.add.f32 [tilespmem:s26], [sflag:$0x3], $0x80, s18, s1, $0xb8;
	[tilespmem:$0x1E000] =	vst v63  }
0x8f: {  	_ =	swait.ge [sflag:s23], $0x4000  }
0x90: {  	[sflag:s23] =	ssyncset.done $0x0  }
0x91: {  	[sflag:s23] =	ssyncadd.s32 $0xFFFFC000  }
0x92: {  	_ =	swait.ge [sflag:s0], $0x4000  }
0x93: {  	[sflag:s0] =	ssyncset.done $0x0  }
0x94: {  	s25 =	simm.s32 $0x700;
	[sflag:s0] =	ssyncadd.s32 $0xFFFFC000  }
0x95: {  	[tilespmem:s26], [sflag:$0x1] =	stream.indirect.gather [hbm4b:s2+s1], $0x80, s25, s1, $0xb8;
	[tilespmem:$0x1E000] =	vst v63  }
0x96: {  	s5 =	simm.s32 $0xE80  }
0x97: {  	[spmem:s3] =	stream.indirect.scatter.add.f32 [tilespmem:s22], [sflag:$0x4], $0x80, s5, s1, $0xb8;
	[tilespmem:$0x1E000] =	vst v63  }
0x98: {  	_ =	swait.ge [sflag:s16], $0x4000  }
0x99: {  	[sflag:s16] =	ssyncset.done $0x0  }
0x9a: {  	s17 =	simm.s32 $0x780;
	[sflag:s16] =	ssyncadd.s32 $0xFFFFC000  }
0x9b: {  	[tilespmem:s22], [sflag:$0x2] =	stream.indirect.gather [hbm4b:s2+s1], $0x80, s17, s1, $0xb8;
	[tilespmem:$0x1E000] =	vst v63  }
0x9c: {  	_ =	swait.ge [sflag:s14], $0x4000  }
0x9d: {  	[sflag:s14] =	ssyncset.done $0x0  }
0x9e: {  	s18 =	simm.s32 $0xF00;
	[sflag:s14] =	ssyncadd.s32 $0xFFFFC000  }
0x9f: {  	[spmem:s3] =	stream.indirect.scatter.add.f32 [tilespmem:s26], [sflag:$0x3], $0x80, s18, s1, $0xb8;
	[tilespmem:$0x1E000] =	vst v63  }
0xa0: {  	_ =	swait.ge [sflag:s23], $0x4000  }
0xa1: {  	[sflag:s23] =	ssyncset.done $0x0  }
0xa2: {  	[sflag:s23] =	ssyncadd.s32 $0xFFFFC000  }
0xa3: {  	_ =	swait.ge [sflag:s0], $0x4000  }
0xa4: {  	[sflag:s0] =	ssyncset.done $0x0  }
0xa5: {  	[sflag:s0] =	ssyncadd.s32 $0xFFFFC000  }
0xa6: {  	_ =	swait.ge [sflag:s19], $0x800  }
0xa7: {  	[sflag:s19] =	ssyncset.done $0x0  }
0xa8: {  	[sflag:s19] =	ssyncadd.s32 $0xFFFFF800  }
0xa9: {  	_ =	swait.ge [sflag:s19], $0x800  }
0xaa: {  	[sflag:s19] =	ssyncset.done $0x0  }
0xab: {  	s30 =	simm.s32 $0x1000;
	[sflag:s19] =	ssyncadd.s32 $0xFFFFF800  }
0xac: {  	[tilespmem:s26], [sflag:$0x1] =	stream.indirect.gather [hbm4b:s2+s1], $0x80, s30, s1, $0xb8;
	[tilespmem:$0x1E000] =	vst v63  }
0xad: {  	s25 =	simm.s32 $0xF80  }
0xae: {  	[spmem:s3] =	stream.indirect.scatter.add.f32 [tilespmem:s22], [sflag:$0x4], $0x80, s25, s1, $0xb8;
	[tilespmem:$0x1E000] =	vst v63  }
0xaf: {  	_ =	swait.ge [sflag:s16], $0x4000  }
0xb0: {  	[sflag:s16] =	ssyncset.done $0x0  }
0xb1: {  	s29 =	simm.s32 $0x1080;
	[sflag:s16] =	ssyncadd.s32 $0xFFFFC000  }
0xb2: {  	[tilespmem:s22], [sflag:$0x2] =	stream.indirect.gather [hbm4b:s2+s1], $0x80, s29, s1, $0xb8;
	[tilespmem:$0x1E000] =	vst v63  }
0xb3: {  	s17 =	rddreg [dreg:$0x4]  }
0xb4: {  	[tilespmem:s20], [sflag:$0x5] =	stream.linear.gather [hbm4b:s17+s20], $0x800, $0x38;
	[tilespmem:$0x1E000] =	vst v63  }
0xb5: {  	s5 =	rddreg [dreg:$0x5]  }
0xb6: {  	[tilespmem:s8], [sflag:$0x5] =	stream.linear.gather [hbm4b:s5+s20], $0x800, $0x38;
	[tilespmem:$0x1E000] =	vst v63  }
0xb7: {  	_ =	swait.ge [sflag:s14], $0x4000  }
0xb8: {  	[sflag:s14] =	ssyncset.done $0x0  }
0xb9: {  	s18 =	simm.s32 $0x1800;
	[sflag:s14] =	ssyncadd.s32 $0xFFFFC000  }
0xba: {  	[spmem:s3] =	stream.indirect.scatter.add.f32 [tilespmem:s26], [sflag:$0x3], $0x80, s18, s1, $0xb8;
	[tilespmem:$0x1E000] =	vst v63  }
0xbb: {  	_ =	swait.ge [sflag:s23], $0x4000  }
0xbc: {  	[sflag:s23] =	ssyncset.done $0x0  }
0xbd: {  	[sflag:s23] =	ssyncadd.s32 $0xFFFFC000  }
0xbe: {  	_ =	swait.ge [sflag:s0], $0x4000  }
0xbf: {  	[sflag:s0] =	ssyncset.done $0x0  }
0xc0: {  	s5 =	simm.s32 $0x1100;
	[sflag:s0] =	ssyncadd.s32 $0xFFFFC000  }
0xc1: {  	[tilespmem:s26], [sflag:$0x1] =	stream.indirect.gather [hbm4b:s2+s1], $0x80, s5, s1, $0xb8;
	[tilespmem:$0x1E000] =	vst v63  }
0xc2: {  	s25 =	simm.s32 $0x1880  }
0xc3: {  	[spmem:s3] =	stream.indirect.scatter.add.f32 [tilespmem:s22], [sflag:$0x4], $0x80, s25, s1, $0xb8;
	[tilespmem:$0x1E000] =	vst v63  }
0xc4: {  	_ =	swait.ge [sflag:s16], $0x4000  }
0xc5: {  	[sflag:s16] =	ssyncset.done $0x0  }
0xc6: {  	s17 =	simm.s32 $0x1180;
	[sflag:s16] =	ssyncadd.s32 $0xFFFFC000  }
0xc7: {  	[tilespmem:s22], [sflag:$0x2] =	stream.indirect.gather [hbm4b:s2+s1], $0x80, s17, s1, $0xb8;
	[tilespmem:$0x1E000] =	vst v63  }
0xc8: {  	_ =	swait.ge [sflag:s14], $0x4000  }
0xc9: {  	[sflag:s14] =	ssyncset.done $0x0  }
0xca: {  	s4 =	simm.s32 $0x1900;
	[sflag:s14] =	ssyncadd.s32 $0xFFFFC000  }
0xcb: {  	[spmem:s3] =	stream.indirect.scatter.add.f32 [tilespmem:s26], [sflag:$0x3], $0x80, s4, s1, $0xb8;
	[tilespmem:$0x1E000] =	vst v63  }
0xcc: {  	_ =	swait.ge [sflag:s23], $0x4000  }
0xcd: {  	[sflag:s23] =	ssyncset.done $0x0  }
0xce: {  	[sflag:s23] =	ssyncadd.s32 $0xFFFFC000  }
0xcf: {  	_ =	swait.ge [sflag:s0], $0x4000  }
0xd0: {  	[sflag:s0] =	ssyncset.done $0x0  }
0xd1: {  	s17 =	simm.s32 $0x1200;
	[sflag:s0] =	ssyncadd.s32 $0xFFFFC000  }
0xd2: {  	[tilespmem:s26], [sflag:$0x1] =	stream.indirect.gather [hbm4b:s2+s1], $0x80, s17, s1, $0xb8;
	[tilespmem:$0x1E000] =	vst v63  }
0xd3: {  	s17 =	simm.s32 $0x1980  }
0xd4: {  	[spmem:s3] =	stream.indirect.scatter.add.f32 [tilespmem:s22], [sflag:$0x4], $0x80, s17, s1, $0xb8;
	[tilespmem:$0x1E000] =	vst v63  }
0xd5: {  	_ =	swait.ge [sflag:s16], $0x4000  }
0xd6: {  	[sflag:s16] =	ssyncset.done $0x0  }
0xd7: {  	s17 =	simm.s32 $0x1280;
	[sflag:s16] =	ssyncadd.s32 $0xFFFFC000  }
0xd8: {  	[tilespmem:s22], [sflag:$0x2] =	stream.indirect.gather [hbm4b:s2+s1], $0x80, s17, s1, $0xb8;
	[tilespmem:$0x1E000] =	vst v63  }
0xd9: {  	_ =	swait.ge [sflag:s14], $0x4000  }
0xda: {  	[sflag:s14] =	ssyncset.done $0x0  }
0xdb: {  	s17 =	simm.s32 $0x1A00;
	[sflag:s14] =	ssyncadd.s32 $0xFFFFC000  }
0xdc: {  	[spmem:s3] =	stream.indirect.scatter.add.f32 [tilespmem:s26], [sflag:$0x3], $0x80, s17, s1, $0xb8;
	[tilespmem:$0x1E000] =	vst v63  }
0xdd: {  	_ =	swait.ge [sflag:s23], $0x4000  }
0xde: {  	[sflag:s23] =	ssyncset.done $0x0  }
0xdf: {  	[sflag:s23] =	ssyncadd.s32 $0xFFFFC000  }
0xe0: {  	_ =	swait.ge [sflag:s0], $0x4000  }
0xe1: {  	[sflag:s0] =	ssyncset.done $0x0  }
0xe2: {  	s17 =	simm.s32 $0x1300;
	[sflag:s0] =	ssyncadd.s32 $0xFFFFC000  }
0xe3: {  	[tilespmem:s26], [sflag:$0x1] =	stream.indirect.gather [hbm4b:s2+s1], $0x80, s17, s1, $0xb8;
	[tilespmem:$0x1E000] =	vst v63  }
0xe4: {  	s17 =	simm.s32 $0x1A80  }
0xe5: {  	[spmem:s3] =	stream.indirect.scatter.add.f32 [tilespmem:s22], [sflag:$0x4], $0x80, s17, s1, $0xb8;
	[tilespmem:$0x1E000] =	vst v63  }
0xe6: {  	_ =	swait.ge [sflag:s16], $0x4000  }
0xe7: {  	[sflag:s16] =	ssyncset.done $0x0  }
0xe8: {  	s17 =	simm.s32 $0x1380;
	[sflag:s16] =	ssyncadd.s32 $0xFFFFC000  }
0xe9: {  	[tilespmem:s22], [sflag:$0x2] =	stream.indirect.gather [hbm4b:s2+s1], $0x80, s17, s1, $0xb8;
	[tilespmem:$0x1E000] =	vst v63  }
0xea: {  	_ =	swait.ge [sflag:s14], $0x4000  }
0xeb: {  	[sflag:s14] =	ssyncset.done $0x0  }
0xec: {  	s17 =	simm.s32 $0x1B00;
	[sflag:s14] =	ssyncadd.s32 $0xFFFFC000  }
0xed: {  	[spmem:s3] =	stream.indirect.scatter.add.f32 [tilespmem:s26], [sflag:$0x3], $0x80, s17, s1, $0xb8;
	[tilespmem:$0x1E000] =	vst v63  }
0xee: {  	_ =	swait.ge [sflag:s23], $0x4000  }
0xef: {  	[sflag:s23] =	ssyncset.done $0x0  }
0xf0: {  	[sflag:s23] =	ssyncadd.s32 $0xFFFFC000  }
0xf1: {  	_ =	swait.ge [sflag:s0], $0x4000  }
0xf2: {  	[sflag:s0] =	ssyncset.done $0x0  }
0xf3: {  	s17 =	simm.s32 $0x1400;
	[sflag:s0] =	ssyncadd.s32 $0xFFFFC000  }
0xf4: {  	[tilespmem:s26], [sflag:$0x1] =	stream.indirect.gather [hbm4b:s2+s1], $0x80, s17, s1, $0xb8;
	[tilespmem:$0x1E000] =	vst v63  }
0xf5: {  	s17 =	simm.s32 $0x1B80  }
0xf6: {  	[spmem:s3] =	stream.indirect.scatter.add.f32 [tilespmem:s22], [sflag:$0x4], $0x80, s17, s1, $0xb8;
	[tilespmem:$0x1E000] =	vst v63  }
0xf7: {  	_ =	swait.ge [sflag:s16], $0x4000  }
0xf8: {  	[sflag:s16] =	ssyncset.done $0x0  }
0xf9: {  	s17 =	simm.s32 $0x1480;
	[sflag:s16] =	ssyncadd.s32 $0xFFFFC000  }
0xfa: {  	[tilespmem:s22], [sflag:$0x2] =	stream.indirect.gather [hbm4b:s2+s1], $0x80, s17, s1, $0xb8;
	[tilespmem:$0x1E000] =	vst v63  }
0xfb: {  	_ =	swait.ge [sflag:s14], $0x4000  }
0xfc: {  	[sflag:s14] =	ssyncset.done $0x0  }
0xfd: {  	s17 =	simm.s32 $0x1C00;
	[sflag:s14] =	ssyncadd.s32 $0xFFFFC000  }
0xfe: {  	[spmem:s3] =	stream.indirect.scatter.add.f32 [tilespmem:s26], [sflag:$0x3], $0x80, s17, s1, $0xb8;
	[tilespmem:$0x1E000] =	vst v63  }
0xff: {  	_ =	swait.ge [sflag:s23], $0x4000  }
0x100: {  	[sflag:s23] =	ssyncset.done $0x0  }
0x101: {  	[sflag:s23] =	ssyncadd.s32 $0xFFFFC000  }
0x102: {  	_ =	swait.ge [sflag:s0], $0x4000  }
0x103: {  	[sflag:s0] =	ssyncset.done $0x0  }
0x104: {  	s17 =	simm.s32 $0x1500;
	[sflag:s0] =	ssyncadd.s32 $0xFFFFC000  }
0x105: {  	[tilespmem:s26], [sflag:$0x1] =	stream.indirect.gather [hbm4b:s2+s1], $0x80, s17, s1, $0xb8;
	[tilespmem:$0x1E000] =	vst v63  }
0x106: {  	s17 =	simm.s32 $0x1C80  }
0x107: {  	[spmem:s3] =	stream.indirect.scatter.add.f32 [tilespmem:s22], [sflag:$0x4], $0x80, s17, s1, $0xb8;
	[tilespmem:$0x1E000] =	vst v63  }
0x108: {  	_ =	swait.ge [sflag:s16], $0x4000  }
0x109: {  	[sflag:s16] =	ssyncset.done $0x0  }
0x10a: {  	s17 =	simm.s32 $0x1580;
	[sflag:s16] =	ssyncadd.s32 $0xFFFFC000  }
0x10b: {  	[tilespmem:s22], [sflag:$0x2] =	stream.indirect.gather [hbm4b:s2+s1], $0x80, s17, s1, $0xb8;
	[tilespmem:$0x1E000] =	vst v63  }
0x10c: {  	_ =	swait.ge [sflag:s14], $0x4000  }
0x10d: {  	[sflag:s14] =	ssyncset.done $0x0  }
0x10e: {  	s17 =	simm.s32 $0x1D00;
	[sflag:s14] =	ssyncadd.s32 $0xFFFFC000  }
0x10f: {  	[spmem:s3] =	stream.indirect.scatter.add.f32 [tilespmem:s26], [sflag:$0x3], $0x80, s17, s1, $0xb8;
	[tilespmem:$0x1E000] =	vst v63  }
0x110: {  	_ =	swait.ge [sflag:s23], $0x4000  }
0x111: {  	[sflag:s23] =	ssyncset.done $0x0  }
0x112: {  	[sflag:s23] =	ssyncadd.s32 $0xFFFFC000  }
0x113: {  	_ =	swait.ge [sflag:s0], $0x4000  }
0x114: {  	[sflag:s0] =	ssyncset.done $0x0  }
0x115: {  	s17 =	simm.s32 $0x1600;
	[sflag:s0] =	ssyncadd.s32 $0xFFFFC000  }
0x116: {  	[tilespmem:s26], [sflag:$0x1] =	stream.indirect.gather [hbm4b:s2+s1], $0x80, s17, s1, $0xb8;
	[tilespmem:$0x1E000] =	vst v63  }
0x117: {  	s17 =	simm.s32 $0x1D80  }
0x118: {  	[spmem:s3] =	stream.indirect.scatter.add.f32 [tilespmem:s22], [sflag:$0x4], $0x80, s17, s1, $0xb8;
	[tilespmem:$0x1E000] =	vst v63  }
0x119: {  	_ =	swait.ge [sflag:s16], $0x4000  }
0x11a: {  	[sflag:s16] =	ssyncset.done $0x0  }
0x11b: {  	s17 =	simm.s32 $0x1680;
	[sflag:s16] =	ssyncadd.s32 $0xFFFFC000  }
0x11c: {  	[tilespmem:s22], [sflag:$0x2] =	stream.indirect.gather [hbm4b:s2+s1], $0x80, s17, s1, $0xb8;
	[tilespmem:$0x1E000] =	vst v63  }
0x11d: {  	_ =	swait.ge [sflag:s14], $0x4000  }
0x11e: {  	[sflag:s14] =	ssyncset.done $0x0  }
0x11f: {  	s17 =	simm.s32 $0x1E00;
	[sflag:s14] =	ssyncadd.s32 $0xFFFFC000  }
0x120: {  	[spmem:s3] =	stream.indirect.scatter.add.f32 [tilespmem:s26], [sflag:$0x3], $0x80, s17, s1, $0xb8;
	[tilespmem:$0x1E000] =	vst v63  }
0x121: {  	_ =	swait.ge [sflag:s23], $0x4000  }
0x122: {  	[sflag:s23] =	ssyncset.done $0x0  }
0x123: {  	[sflag:s23] =	ssyncadd.s32 $0xFFFFC000  }
0x124: {  	_ =	swait.ge [sflag:s0], $0x4000  }
0x125: {  	[sflag:s0] =	ssyncset.done $0x0  }
0x126: {  	s17 =	simm.s32 $0x1700;
	[sflag:s0] =	ssyncadd.s32 $0xFFFFC000  }
0x127: {  	[tilespmem:s26], [sflag:$0x1] =	stream.indirect.gather [hbm4b:s2+s1], $0x80, s17, s1, $0xb8;
	[tilespmem:$0x1E000] =	vst v63  }
0x128: {  	s17 =	simm.s32 $0x1E80  }
0x129: {  	[spmem:s3] =	stream.indirect.scatter.add.f32 [tilespmem:s22], [sflag:$0x4], $0x80, s17, s1, $0xb8;
	[tilespmem:$0x1E000] =	vst v63  }
0x12a: {  	_ =	swait.ge [sflag:s16], $0x4000  }
0x12b: {  	[sflag:s16] =	ssyncset.done $0x0  }
0x12c: {  	s17 =	simm.s32 $0x1780;
	[sflag:s16] =	ssyncadd.s32 $0xFFFFC000  }
0x12d: {  	[tilespmem:s22], [sflag:$0x2] =	stream.indirect.gather [hbm4b:s2+s1], $0x80, s17, s1, $0xb8;
	[tilespmem:$0x1E000] =	vst v63  }
0x12e: {  	_ =	swait.ge [sflag:s14], $0x4000  }
0x12f: {  	[sflag:s14] =	ssyncset.done $0x0  }
0x130: {  	s17 =	simm.s32 $0x1F00;
	[sflag:s14] =	ssyncadd.s32 $0xFFFFC000  }
0x131: {  	[spmem:s3] =	stream.indirect.scatter.add.f32 [tilespmem:s26], [sflag:$0x3], $0x80, s17, s1, $0xb8;
	[tilespmem:$0x1E000] =	vst v63  }
0x132: {  	_ =	swait.ge [sflag:s23], $0x4000  }
0x133: {  	[sflag:s23] =	ssyncset.done $0x0  }
0x134: {  	[sflag:s23] =	ssyncadd.s32 $0xFFFFC000  }
0x135: {  	_ =	swait.ge [sflag:s0], $0x4000  }
0x136: {  	[sflag:s0] =	ssyncset.done $0x0  }
0x137: {  	[sflag:s0] =	ssyncadd.s32 $0xFFFFC000  }
0x138: {  	_ =	swait.ge [sflag:s21], $0x800  }
0x139: {  	[sflag:s21] =	ssyncset.done $0x0  }
0x13a: {  	[sflag:s21] =	ssyncadd.s32 $0xFFFFF800  }
0x13b: {  	_ =	swait.ge [sflag:s21], $0x800  }
0x13c: {  	[sflag:s21] =	ssyncset.done $0x0  }
0x13d: {  	[sflag:s21] =	ssyncadd.s32 $0xFFFFF800  }
0x13e: {  	[tilespmem:s26], [sflag:$0x1] =	stream.indirect.gather [hbm4b:s2+s1], $0x80, s20, s1, $0xb8;
	[tilespmem:$0x1E000] =	vst v63  }
0x13f: {  	s17 =	simm.s32 $0x1F80  }
0x140: {  	[spmem:s3] =	stream.indirect.scatter.add.f32 [tilespmem:s22], [sflag:$0x4], $0x80, s17, s1, $0xb8;
	[tilespmem:$0x1E000] =	vst v63  }
0x141: {  	_ =	swait.ge [sflag:s16], $0x4000  }
0x142: {  	[sflag:s16] =	ssyncset.done $0x0  }
0x143: {  	[sflag:s16] =	ssyncadd.s32 $0xFFFFC000  }
0x144: {  	[tilespmem:s22], [sflag:$0x2] =	stream.indirect.gather [hbm4b:s2+s1], $0x80, s1, s1, $0xb8;
	[tilespmem:$0x1E000] =	vst v63  }
0x145: {  	s17 =	rddreg [dreg:$0x6]  }
0x146: {  	[tilespmem:s30], [sflag:$0x6] =	stream.linear.gather [hbm4b:s17+s20], $0x800, $0x38;
	[tilespmem:$0x1E000] =	vst v63  }
0x147: {  	s17 =	rddreg [dreg:$0x7]  }
0x148: {  	[tilespmem:s18], [sflag:$0x6] =	stream.linear.gather [hbm4b:s17+s20], $0x800, $0x38;
	[tilespmem:$0x1E000] =	vst v63  }
0x149: {  	_ =	swait.ge [sflag:s14], $0x4000  }
0x14a: {  	[sflag:s14] =	ssyncset.done $0x0  }
0x14b: {  	[sflag:s14] =	ssyncadd.s32 $0xFFFFC000  }
0x14c: {  	[spmem:s3] =	stream.indirect.scatter.add.f32 [tilespmem:s26], [sflag:$0x3], $0x80, s8, s1, $0xb8;
	[tilespmem:$0x1E000] =	vst v63  }
0x14d: {  	_ =	swait.ge [sflag:s23], $0x4000  }
0x14e: {  	[sflag:s23] =	ssyncset.done $0x0  }
0x14f: {  	[sflag:s23] =	ssyncadd.s32 $0xFFFFC000  }
0x150: {  	_ =	swait.ge [sflag:s0], $0x4000  }
0x151: {  	[sflag:s0] =	ssyncset.done $0x0  }
0x152: {  	s17 =	simm.s32 $0x100;
	[sflag:s0] =	ssyncadd.s32 $0xFFFFC000  }
0x153: {  	[tilespmem:s26], [sflag:$0x1] =	stream.indirect.gather [hbm4b:s2+s1], $0x80, s17, s1, $0xb8;
	[tilespmem:$0x1E000] =	vst v63  }
0x154: {  	s17 =	simm.s32 $0x880  }
0x155: {  	[spmem:s3] =	stream.indirect.scatter.add.f32 [tilespmem:s22], [sflag:$0x4], $0x80, s17, s1, $0xb8;
	[tilespmem:$0x1E000] =	vst v63  }
0x156: {  	_ =	swait.ge [sflag:s16], $0x4000  }
0x157: {  	[sflag:s16] =	ssyncset.done $0x0  }
0x158: {  	s31 =	simm.s32 $0x180;
	[sflag:s16] =	ssyncadd.s32 $0xFFFFC000  }
0x159: {  	[tilespmem:s22], [sflag:$0x2] =	stream.indirect.gather [hbm4b:s2+s1], $0x80, s31, s1, $0xb8;
	[tilespmem:$0x1E000] =	vst v63  }
0x15a: {  	_ =	swait.ge [sflag:s14], $0x4000  }
0x15b: {  	[sflag:s14] =	ssyncset.done $0x0  }
0x15c: {  	s17 =	simm.s32 $0x900;
	[sflag:s14] =	ssyncadd.s32 $0xFFFFC000  }
0x15d: {  	[spmem:s3] =	stream.indirect.scatter.add.f32 [tilespmem:s26], [sflag:$0x3], $0x80, s17, s1, $0xb8;
	[tilespmem:$0x1E000] =	vst v63  }
0x15e: {  	_ =	swait.ge [sflag:s23], $0x4000  }
0x15f: {  	[sflag:s23] =	ssyncset.done $0x0  }
0x160: {  	[sflag:s23] =	ssyncadd.s32 $0xFFFFC000  }
0x161: {  	_ =	swait.ge [sflag:s0], $0x4000  }
0x162: {  	[sflag:s0] =	ssyncset.done $0x0  }
0x163: {  	s17 =	simm.s32 $0x200;
	[sflag:s0] =	ssyncadd.s32 $0xFFFFC000  }
0x164: {  	[tilespmem:s26], [sflag:$0x1] =	stream.indirect.gather [hbm4b:s2+s1], $0x80, s17, s1, $0xb8;
	[tilespmem:$0x1E000] =	vst v63  }
0x165: {  	s17 =	simm.s32 $0x980  }
0x166: {  	[spmem:s3] =	stream.indirect.scatter.add.f32 [tilespmem:s22], [sflag:$0x4], $0x80, s17, s1, $0xb8;
	[tilespmem:$0x1E000] =	vst v63  }
0x167: {  	_ =	swait.ge [sflag:s16], $0x4000  }
0x168: {  	[sflag:s16] =	ssyncset.done $0x0  }
0x169: {  	s17 =	simm.s32 $0x280;
	[sflag:s16] =	ssyncadd.s32 $0xFFFFC000  }
0x16a: {  	[tilespmem:s22], [sflag:$0x2] =	stream.indirect.gather [hbm4b:s2+s1], $0x80, s17, s1, $0xb8;
	[tilespmem:$0x1E000] =	vst v63  }
0x16b: {  	_ =	swait.ge [sflag:s14], $0x4000  }
0x16c: {  	[sflag:s14] =	ssyncset.done $0x0  }
0x16d: {  	s17 =	simm.s32 $0xA00;
	[sflag:s14] =	ssyncadd.s32 $0xFFFFC000  }
0x16e: {  	[spmem:s3] =	stream.indirect.scatter.add.f32 [tilespmem:s26], [sflag:$0x3], $0x80, s17, s1, $0xb8;
	[tilespmem:$0x1E000] =	vst v63  }
0x16f: {  	_ =	swait.ge [sflag:s23], $0x4000  }
0x170: {  	[sflag:s23] =	ssyncset.done $0x0  }
0x171: {  	[sflag:s23] =	ssyncadd.s32 $0xFFFFC000  }
0x172: {  	_ =	swait.ge [sflag:s0], $0x4000  }
0x173: {  	[sflag:s0] =	ssyncset.done $0x0  }
0x174: {  	s17 =	simm.s32 $0x300;
	[sflag:s0] =	ssyncadd.s32 $0xFFFFC000  }
0x175: {  	[tilespmem:s26], [sflag:$0x1] =	stream.indirect.gather [hbm4b:s2+s1], $0x80, s17, s1, $0xb8;
	[tilespmem:$0x1E000] =	vst v63  }
0x176: {  	s17 =	simm.s32 $0xA80  }
0x177: {  	[spmem:s3] =	stream.indirect.scatter.add.f32 [tilespmem:s22], [sflag:$0x4], $0x80, s17, s1, $0xb8;
	[tilespmem:$0x1E000] =	vst v63  }
0x178: {  	_ =	swait.ge [sflag:s16], $0x4000  }
0x179: {  	[sflag:s16] =	ssyncset.done $0x0  }
0x17a: {  	s17 =	simm.s32 $0x380;
	[sflag:s16] =	ssyncadd.s32 $0xFFFFC000  }
0x17b: {  	[tilespmem:s22], [sflag:$0x2] =	stream.indirect.gather [hbm4b:s2+s1], $0x80, s17, s1, $0xb8;
	[tilespmem:$0x1E000] =	vst v63  }
0x17c: {  	_ =	swait.ge [sflag:s14], $0x4000  }
0x17d: {  	[sflag:s14] =	ssyncset.done $0x0  }
0x17e: {  	s17 =	simm.s32 $0xB00;
	[sflag:s14] =	ssyncadd.s32 $0xFFFFC000  }
0x17f: {  	[spmem:s3] =	stream.indirect.scatter.add.f32 [tilespmem:s26], [sflag:$0x3], $0x80, s17, s1, $0xb8;
	[tilespmem:$0x1E000] =	vst v63  }
0x180: {  	_ =	swait.ge [sflag:s23], $0x4000  }
0x181: {  	[sflag:s23] =	ssyncset.done $0x0  }
0x182: {  	[sflag:s23] =	ssyncadd.s32 $0xFFFFC000  }
0x183: {  	_ =	swait.ge [sflag:s0], $0x4000  }
0x184: {  	[sflag:s0] =	ssyncset.done $0x0  }
0x185: {  	s17 =	simm.s32 $0x400;
	[sflag:s0] =	ssyncadd.s32 $0xFFFFC000  }
0x186: {  	[tilespmem:s26], [sflag:$0x1] =	stream.indirect.gather [hbm4b:s2+s1], $0x80, s17, s1, $0xb8;
	[tilespmem:$0x1E000] =	vst v63  }
0x187: {  	s17 =	simm.s32 $0xB80  }
0x188: {  	[spmem:s3] =	stream.indirect.scatter.add.f32 [tilespmem:s22], [sflag:$0x4], $0x80, s17, s1, $0xb8;
	[tilespmem:$0x1E000] =	vst v63  }
0x189: {  	_ =	swait.ge [sflag:s16], $0x4000  }
0x18a: {  	[sflag:s16] =	ssyncset.done $0x0  }
0x18b: {  	s17 =	simm.s32 $0x480;
	[sflag:s16] =	ssyncadd.s32 $0xFFFFC000  }
0x18c: {  	[tilespmem:s22], [sflag:$0x2] =	stream.indirect.gather [hbm4b:s2+s1], $0x80, s17, s1, $0xb8;
	[tilespmem:$0x1E000] =	vst v63  }
0x18d: {  	_ =	swait.ge [sflag:s14], $0x4000  }
0x18e: {  	[sflag:s14] =	ssyncset.done $0x0  }
0x18f: {  	s17 =	simm.s32 $0xC00;
	[sflag:s14] =	ssyncadd.s32 $0xFFFFC000  }
0x190: {  	[spmem:s3] =	stream.indirect.scatter.add.f32 [tilespmem:s26], [sflag:$0x3], $0x80, s17, s1, $0xb8;
	[tilespmem:$0x1E000] =	vst v63  }
0x191: {  	_ =	swait.ge [sflag:s23], $0x4000  }
0x192: {  	[sflag:s23] =	ssyncset.done $0x0  }
0x193: {  	[sflag:s23] =	ssyncadd.s32 $0xFFFFC000  }
0x194: {  	_ =	swait.ge [sflag:s0], $0x4000  }
0x195: {  	[sflag:s0] =	ssyncset.done $0x0  }
0x196: {  	s17 =	simm.s32 $0x500;
	[sflag:s0] =	ssyncadd.s32 $0xFFFFC000  }
0x197: {  	[tilespmem:s26], [sflag:$0x1] =	stream.indirect.gather [hbm4b:s2+s1], $0x80, s17, s1, $0xb8;
	[tilespmem:$0x1E000] =	vst v63  }
0x198: {  	s17 =	simm.s32 $0xC80  }
0x199: {  	[spmem:s3] =	stream.indirect.scatter.add.f32 [tilespmem:s22], [sflag:$0x4], $0x80, s17, s1, $0xb8;
	[tilespmem:$0x1E000] =	vst v63  }
0x19a: {  	_ =	swait.ge [sflag:s16], $0x4000  }
0x19b: {  	[sflag:s16] =	ssyncset.done $0x0  }
0x19c: {  	s17 =	simm.s32 $0x580;
	[sflag:s16] =	ssyncadd.s32 $0xFFFFC000  }
0x19d: {  	[tilespmem:s22], [sflag:$0x2] =	stream.indirect.gather [hbm4b:s2+s1], $0x80, s17, s1, $0xb8;
	[tilespmem:$0x1E000] =	vst v63  }
0x19e: {  	_ =	swait.ge [sflag:s14], $0x4000  }
0x19f: {  	[sflag:s14] =	ssyncset.done $0x0  }
0x1a0: {  	s17 =	simm.s32 $0xD00;
	[sflag:s14] =	ssyncadd.s32 $0xFFFFC000  }
0x1a1: {  	[spmem:s3] =	stream.indirect.scatter.add.f32 [tilespmem:s26], [sflag:$0x3], $0x80, s17, s1, $0xb8;
	[tilespmem:$0x1E000] =	vst v63  }
0x1a2: {  	_ =	swait.ge [sflag:s23], $0x4000  }
0x1a3: {  	[sflag:s23] =	ssyncset.done $0x0  }
0x1a4: {  	[sflag:s23] =	ssyncadd.s32 $0xFFFFC000  }
0x1a5: {  	_ =	swait.ge [sflag:s0], $0x4000  }
0x1a6: {  	[sflag:s0] =	ssyncset.done $0x0  }
0x1a7: {  	s17 =	simm.s32 $0x600;
	[sflag:s0] =	ssyncadd.s32 $0xFFFFC000  }
0x1a8: {  	[tilespmem:s26], [sflag:$0x1] =	stream.indirect.gather [hbm4b:s2+s1], $0x80, s17, s1, $0xb8;
	[tilespmem:$0x1E000] =	vst v63  }
0x1a9: {  	s17 =	simm.s32 $0xD80  }
0x1aa: {  	[spmem:s3] =	stream.indirect.scatter.add.f32 [tilespmem:s22], [sflag:$0x4], $0x80, s17, s1, $0xb8;
	[tilespmem:$0x1E000] =	vst v63  }
0x1ab: {  	_ =	swait.ge [sflag:s16], $0x4000  }
0x1ac: {  	[sflag:s16] =	ssyncset.done $0x0  }
0x1ad: {  	s17 =	simm.s32 $0x680;
	[sflag:s16] =	ssyncadd.s32 $0xFFFFC000  }
0x1ae: {  	[tilespmem:s22], [sflag:$0x2] =	stream.indirect.gather [hbm4b:s2+s1], $0x80, s17, s1, $0xb8;
	[tilespmem:$0x1E000] =	vst v63  }
0x1af: {  	_ =	swait.ge [sflag:s14], $0x4000  }
0x1b0: {  	[sflag:s14] =	ssyncset.done $0x0  }
0x1b1: {  	s17 =	simm.s32 $0xE00;
	[sflag:s14] =	ssyncadd.s32 $0xFFFFC000  }
0x1b2: {  	[spmem:s3] =	stream.indirect.scatter.add.f32 [tilespmem:s26], [sflag:$0x3], $0x80, s17, s1, $0xb8;
	[tilespmem:$0x1E000] =	vst v63  }
0x1b3: {  	_ =	swait.ge [sflag:s23], $0x4000  }
0x1b4: {  	[sflag:s23] =	ssyncset.done $0x0  }
0x1b5: {  	[sflag:s23] =	ssyncadd.s32 $0xFFFFC000  }
0x1b6: {  	_ =	swait.ge [sflag:s0], $0x4000  }
0x1b7: {  	[sflag:s0] =	ssyncset.done $0x0  }
0x1b8: {  	s17 =	simm.s32 $0x700;
	[sflag:s0] =	ssyncadd.s32 $0xFFFFC000  }
0x1b9: {  	[tilespmem:s26], [sflag:$0x1] =	stream.indirect.gather [hbm4b:s2+s1], $0x80, s17, s1, $0xb8;
	[tilespmem:$0x1E000] =	vst v63  }
0x1ba: {  	s17 =	simm.s32 $0xE80  }
0x1bb: {  	[spmem:s3] =	stream.indirect.scatter.add.f32 [tilespmem:s22], [sflag:$0x4], $0x80, s17, s1, $0xb8;
	[tilespmem:$0x1E000] =	vst v63  }
0x1bc: {  	_ =	swait.ge [sflag:s16], $0x4000  }
0x1bd: {  	[sflag:s16] =	ssyncset.done $0x0  }
0x1be: {  	s17 =	simm.s32 $0x780;
	[sflag:s16] =	ssyncadd.s32 $0xFFFFC000  }
0x1bf: {  	[tilespmem:s22], [sflag:$0x2] =	stream.indirect.gather [hbm4b:s2+s1], $0x80, s17, s1, $0xb8;
	[tilespmem:$0x1E000] =	vst v63  }
0x1c0: {  	_ =	swait.ge [sflag:s14], $0x4000  }
0x1c1: {  	[sflag:s14] =	ssyncset.done $0x0  }
0x1c2: {  	s17 =	simm.s32 $0xF00;
	[sflag:s14] =	ssyncadd.s32 $0xFFFFC000  }
0x1c3: {  	[spmem:s3] =	stream.indirect.scatter.add.f32 [tilespmem:s26], [sflag:$0x3], $0x80, s17, s1, $0xb8;
	[tilespmem:$0x1E000] =	vst v63  }
0x1c4: {  	_ =	swait.ge [sflag:s23], $0x4000  }
0x1c5: {  	[sflag:s23] =	ssyncset.done $0x0  }
0x1c6: {  	[sflag:s23] =	ssyncadd.s32 $0xFFFFC000  }
0x1c7: {  	_ =	swait.ge [sflag:s0], $0x4000  }
0x1c8: {  	[sflag:s0] =	ssyncset.done $0x0  }
0x1c9: {  	[sflag:s0] =	ssyncadd.s32 $0xFFFFC000  }
0x1ca: {  	_ =	swait.ge [sflag:s19], $0x800  }
0x1cb: {  	[sflag:s19] =	ssyncset.done $0x0  }
0x1cc: {  	[sflag:s19] =	ssyncadd.s32 $0xFFFFF800  }
0x1cd: {  	_ =	swait.ge [sflag:s19], $0x800  }
0x1ce: {  	[sflag:s19] =	ssyncset.done $0x0  }
0x1cf: {  	[sflag:s19] =	ssyncadd.s32 $0xFFFFF800  }
0x1d0: {  	[tilespmem:s26], [sflag:$0x1] =	stream.indirect.gather [hbm4b:s2+s1], $0x80, s30, s1, $0xb8;
	[tilespmem:$0x1E000] =	vst v63  }
0x1d1: {  	s17 =	simm.s32 $0xF80  }
0x1d2: {  	[spmem:s3] =	stream.indirect.scatter.add.f32 [tilespmem:s22], [sflag:$0x4], $0x80, s17, s1, $0xb8;
	[tilespmem:$0x1E000] =	vst v63  }
0x1d3: {  	_ =	swait.ge [sflag:s16], $0x4000  }
0x1d4: {  	[sflag:s16] =	ssyncset.done $0x0  }
0x1d5: {  	[sflag:s16] =	ssyncadd.s32 $0xFFFFC000  }
0x1d6: {  	[tilespmem:s22], [sflag:$0x2] =	stream.indirect.gather [hbm4b:s2+s1], $0x80, s29, s1, $0xb8;
	[tilespmem:$0x1E000] =	vst v63  }
0x1d7: {  	s17 =	rddreg [dreg:$0x8]  }
0x1d8: {  	[tilespmem:s20], [sflag:$0x5] =	stream.linear.gather [hbm4b:s17+s20], $0x800, $0x38;
	[tilespmem:$0x1E000] =	vst v63  }
0x1d9: {  	s17 =	rddreg [dreg:$0x9]  }
0x1da: {  	[tilespmem:s8], [sflag:$0x5] =	stream.linear.gather [hbm4b:s17+s20], $0x800, $0x38;
	[tilespmem:$0x1E000] =	vst v63  }
0x1db: {  	_ =	swait.ge [sflag:s14], $0x4000  }
0x1dc: {  	[sflag:s14] =	ssyncset.done $0x0  }
0x1dd: {  	[sflag:s14] =	ssyncadd.s32 $0xFFFFC000  }
0x1de: {  	[spmem:s3] =	stream.indirect.scatter.add.f32 [tilespmem:s26], [sflag:$0x3], $0x80, s18, s1, $0xb8;
	[tilespmem:$0x1E000] =	vst v63  }
0x1df: {  	_ =	swait.ge [sflag:s23], $0x4000  }
0x1e0: {  	[sflag:s23] =	ssyncset.done $0x0  }
0x1e1: {  	[sflag:s23] =	ssyncadd.s32 $0xFFFFC000  }
0x1e2: {  	_ =	swait.ge [sflag:s0], $0x4000  }
0x1e3: {  	[sflag:s0] =	ssyncset.done $0x0  }
0x1e4: {  	[sflag:s0] =	ssyncadd.s32 $0xFFFFC000  }
0x1e5: {  	[tilespmem:s26], [sflag:$0x1] =	stream.indirect.gather [hbm4b:s2+s1], $0x80, s5, s1, $0xb8;
	[tilespmem:$0x1E000] =	vst v63  }
0x1e6: {  	_ = 	snop  }
0x1e7: {  	[spmem:s3] =	stream.indirect.scatter.add.f32 [tilespmem:s22], [sflag:$0x4], $0x80, s25, s1, $0xb8;
	[tilespmem:$0x1E000] =	vst v63  }
0x1e8: {  	_ =	swait.ge [sflag:s16], $0x4000  }
0x1e9: {  	[sflag:s16] =	ssyncset.done $0x0  }
0x1ea: {  	s17 =	simm.s32 $0x1180;
	[sflag:s16] =	ssyncadd.s32 $0xFFFFC000  }
0x1eb: {  	[tilespmem:s22], [sflag:$0x2] =	stream.indirect.gather [hbm4b:s2+s1], $0x80, s17, s1, $0xb8;
	[tilespmem:$0x1E000] =	vst v63  }
0x1ec: {  	_ =	swait.ge [sflag:s14], $0x4000  }
0x1ed: {  	[sflag:s14] =	ssyncset.done $0x0  }
0x1ee: {  	[sflag:s14] =	ssyncadd.s32 $0xFFFFC000  }
0x1ef: {  	[spmem:s3] =	stream.indirect.scatter.add.f32 [tilespmem:s26], [sflag:$0x3], $0x80, s4, s1, $0xb8;
	[tilespmem:$0x1E000] =	vst v63  }
0x1f0: {  	_ =	swait.ge [sflag:s23], $0x4000  }
0x1f1: {  	[sflag:s23] =	ssyncset.done $0x0  }
0x1f2: {  	[sflag:s23] =	ssyncadd.s32 $0xFFFFC000  }
0x1f3: {  	_ =	swait.ge [sflag:s0], $0x4000  }
0x1f4: {  	[sflag:s0] =	ssyncset.done $0x0  }
0x1f5: {  	s25 =	simm.s32 $0x1200;
	[sflag:s0] =	ssyncadd.s32 $0xFFFFC000  }
0x1f6: {  	[tilespmem:s26], [sflag:$0x1] =	stream.indirect.gather [hbm4b:s2+s1], $0x80, s25, s1, $0xb8;
	[tilespmem:$0x1E000] =	vst v63  }
0x1f7: {  	s5 =	simm.s32 $0x1980  }
0x1f8: {  	[spmem:s3] =	stream.indirect.scatter.add.f32 [tilespmem:s22], [sflag:$0x4], $0x80, s5, s1, $0xb8;
	[tilespmem:$0x1E000] =	vst v63  }
0x1f9: {  	_ =	swait.ge [sflag:s16], $0x4000  }
0x1fa: {  	[sflag:s16] =	ssyncset.done $0x0  }
0x1fb: {  	s17 =	simm.s32 $0x1280;
	[sflag:s16] =	ssyncadd.s32 $0xFFFFC000  }
0x1fc: {  	[tilespmem:s22], [sflag:$0x2] =	stream.indirect.gather [hbm4b:s2+s1], $0x80, s17, s1, $0xb8;
	[tilespmem:$0x1E000] =	vst v63  }
0x1fd: {  	_ =	swait.ge [sflag:s14], $0x4000  }
0x1fe: {  	[sflag:s14] =	ssyncset.done $0x0  }
0x1ff: {  	s25 =	simm.s32 $0x1A00;
	[sflag:s14] =	ssyncadd.s32 $0xFFFFC000  }
0x200: {  	[spmem:s3] =	stream.indirect.scatter.add.f32 [tilespmem:s26], [sflag:$0x3], $0x80, s25, s1, $0xb8;
	[tilespmem:$0x1E000] =	vst v63  }
0x201: {  	_ =	swait.ge [sflag:s23], $0x4000  }
0x202: {  	[sflag:s23] =	ssyncset.done $0x0  }
0x203: {  	[sflag:s23] =	ssyncadd.s32 $0xFFFFC000  }
0x204: {  	_ =	swait.ge [sflag:s0], $0x4000  }
0x205: {  	[sflag:s0] =	ssyncset.done $0x0  }
0x206: {  	s5 =	simm.s32 $0x1300;
	[sflag:s0] =	ssyncadd.s32 $0xFFFFC000  }
0x207: {  	[tilespmem:s26], [sflag:$0x1] =	stream.indirect.gather [hbm4b:s2+s1], $0x80, s5, s1, $0xb8;
	[tilespmem:$0x1E000] =	vst v63  }
0x208: {  	s17 =	simm.s32 $0x1A80  }
0x209: {  	[spmem:s3] =	stream.indirect.scatter.add.f32 [tilespmem:s22], [sflag:$0x4], $0x80, s17, s1, $0xb8;
	[tilespmem:$0x1E000] =	vst v63  }
0x20a: {  	_ =	swait.ge [sflag:s16], $0x4000  }
0x20b: {  	[sflag:s16] =	ssyncset.done $0x0  }
0x20c: {  	s25 =	simm.s32 $0x1380;
	[sflag:s16] =	ssyncadd.s32 $0xFFFFC000  }
0x20d: {  	[tilespmem:s22], [sflag:$0x2] =	stream.indirect.gather [hbm4b:s2+s1], $0x80, s25, s1, $0xb8;
	[tilespmem:$0x1E000] =	vst v63  }
0x20e: {  	_ =	swait.ge [sflag:s14], $0x4000  }
0x20f: {  	[sflag:s14] =	ssyncset.done $0x0  }
0x210: {  	s5 =	simm.s32 $0x1B00;
	[sflag:s14] =	ssyncadd.s32 $0xFFFFC000  }
0x211: {  	[spmem:s3] =	stream.indirect.scatter.add.f32 [tilespmem:s26], [sflag:$0x3], $0x80, s5, s1, $0xb8;
	[tilespmem:$0x1E000] =	vst v63  }
0x212: {  	_ =	swait.ge [sflag:s23], $0x4000  }
0x213: {  	[sflag:s23] =	ssyncset.done $0x0  }
0x214: {  	[sflag:s23] =	ssyncadd.s32 $0xFFFFC000  }
0x215: {  	_ =	swait.ge [sflag:s0], $0x4000  }
0x216: {  	[sflag:s0] =	ssyncset.done $0x0  }
0x217: {  	s17 =	simm.s32 $0x1400;
	[sflag:s0] =	ssyncadd.s32 $0xFFFFC000  }
0x218: {  	[tilespmem:s26], [sflag:$0x1] =	stream.indirect.gather [hbm4b:s2+s1], $0x80, s17, s1, $0xb8;
	[tilespmem:$0x1E000] =	vst v63  }
0x219: {  	s25 =	simm.s32 $0x1B80  }
0x21a: {  	[spmem:s3] =	stream.indirect.scatter.add.f32 [tilespmem:s22], [sflag:$0x4], $0x80, s25, s1, $0xb8;
	[tilespmem:$0x1E000] =	vst v63  }
0x21b: {  	_ =	swait.ge [sflag:s16], $0x4000  }
0x21c: {  	[sflag:s16] =	ssyncset.done $0x0  }
0x21d: {  	s5 =	simm.s32 $0x1480;
	[sflag:s16] =	ssyncadd.s32 $0xFFFFC000  }
0x21e: {  	[tilespmem:s22], [sflag:$0x2] =	stream.indirect.gather [hbm4b:s2+s1], $0x80, s5, s1, $0xb8;
	[tilespmem:$0x1E000] =	vst v63  }
0x21f: {  	_ =	swait.ge [sflag:s14], $0x4000  }
0x220: {  	[sflag:s14] =	ssyncset.done $0x0  }
0x221: {  	s17 =	simm.s32 $0x1C00;
	[sflag:s14] =	ssyncadd.s32 $0xFFFFC000  }
0x222: {  	[spmem:s3] =	stream.indirect.scatter.add.f32 [tilespmem:s26], [sflag:$0x3], $0x80, s17, s1, $0xb8;
	[tilespmem:$0x1E000] =	vst v63  }
0x223: {  	_ =	swait.ge [sflag:s23], $0x4000  }
0x224: {  	[sflag:s23] =	ssyncset.done $0x0  }
0x225: {  	[sflag:s23] =	ssyncadd.s32 $0xFFFFC000  }
0x226: {  	_ =	swait.ge [sflag:s0], $0x4000  }
0x227: {  	[sflag:s0] =	ssyncset.done $0x0  }
0x228: {  	s25 =	simm.s32 $0x1500;
	[sflag:s0] =	ssyncadd.s32 $0xFFFFC000  }
0x229: {  	[tilespmem:s26], [sflag:$0x1] =	stream.indirect.gather [hbm4b:s2+s1], $0x80, s25, s1, $0xb8;
	[tilespmem:$0x1E000] =	vst v63  }
0x22a: {  	s5 =	simm.s32 $0x1C80  }
0x22b: {  	[spmem:s3] =	stream.indirect.scatter.add.f32 [tilespmem:s22], [sflag:$0x4], $0x80, s5, s1, $0xb8;
	[tilespmem:$0x1E000] =	vst v63  }
0x22c: {  	_ =	swait.ge [sflag:s16], $0x4000  }
0x22d: {  	[sflag:s16] =	ssyncset.done $0x0  }
0x22e: {  	s17 =	simm.s32 $0x1580;
	[sflag:s16] =	ssyncadd.s32 $0xFFFFC000  }
0x22f: {  	[tilespmem:s22], [sflag:$0x2] =	stream.indirect.gather [hbm4b:s2+s1], $0x80, s17, s1, $0xb8;
	[tilespmem:$0x1E000] =	vst v63  }
0x230: {  	_ =	swait.ge [sflag:s14], $0x4000  }
0x231: {  	[sflag:s14] =	ssyncset.done $0x0  }
0x232: {  	s25 =	simm.s32 $0x1D00;
	[sflag:s14] =	ssyncadd.s32 $0xFFFFC000  }
0x233: {  	[spmem:s3] =	stream.indirect.scatter.add.f32 [tilespmem:s26], [sflag:$0x3], $0x80, s25, s1, $0xb8;
	[tilespmem:$0x1E000] =	vst v63  }
0x234: {  	_ =	swait.ge [sflag:s23], $0x4000  }
0x235: {  	[sflag:s23] =	ssyncset.done $0x0  }
0x236: {  	[sflag:s23] =	ssyncadd.s32 $0xFFFFC000  }
0x237: {  	_ =	swait.ge [sflag:s0], $0x4000  }
0x238: {  	[sflag:s0] =	ssyncset.done $0x0  }
0x239: {  	s5 =	simm.s32 $0x1600;
	[sflag:s0] =	ssyncadd.s32 $0xFFFFC000  }
0x23a: {  	[tilespmem:s26], [sflag:$0x1] =	stream.indirect.gather [hbm4b:s2+s1], $0x80, s5, s1, $0xb8;
	[tilespmem:$0x1E000] =	vst v63  }
0x23b: {  	s17 =	simm.s32 $0x1D80  }
0x23c: {  	[spmem:s3] =	stream.indirect.scatter.add.f32 [tilespmem:s22], [sflag:$0x4], $0x80, s17, s1, $0xb8;
	[tilespmem:$0x1E000] =	vst v63  }
0x23d: {  	_ =	swait.ge [sflag:s16], $0x4000  }
0x23e: {  	[sflag:s16] =	ssyncset.done $0x0  }
0x23f: {  	s25 =	simm.s32 $0x1680;
	[sflag:s16] =	ssyncadd.s32 $0xFFFFC000  }
0x240: {  	[tilespmem:s22], [sflag:$0x2] =	stream.indirect.gather [hbm4b:s2+s1], $0x80, s25, s1, $0xb8;
	[tilespmem:$0x1E000] =	vst v63  }
0x241: {  	_ =	swait.ge [sflag:s14], $0x4000  }
0x242: {  	[sflag:s14] =	ssyncset.done $0x0  }
0x243: {  	s5 =	simm.s32 $0x1E00;
	[sflag:s14] =	ssyncadd.s32 $0xFFFFC000  }
0x244: {  	[spmem:s3] =	stream.indirect.scatter.add.f32 [tilespmem:s26], [sflag:$0x3], $0x80, s5, s1, $0xb8;
	[tilespmem:$0x1E000] =	vst v63  }
0x245: {  	_ =	swait.ge [sflag:s23], $0x4000  }
0x246: {  	[sflag:s23] =	ssyncset.done $0x0  }
0x247: {  	[sflag:s23] =	ssyncadd.s32 $0xFFFFC000  }
0x248: {  	_ =	swait.ge [sflag:s0], $0x4000  }
0x249: {  	[sflag:s0] =	ssyncset.done $0x0  }
0x24a: {  	s17 =	simm.s32 $0x1700;
	[sflag:s0] =	ssyncadd.s32 $0xFFFFC000  }
0x24b: {  	[tilespmem:s26], [sflag:$0x1] =	stream.indirect.gather [hbm4b:s2+s1], $0x80, s17, s1, $0xb8;
	[tilespmem:$0x1E000] =	vst v63  }
0x24c: {  	s25 =	simm.s32 $0x1E80  }
0x24d: {  	[spmem:s3] =	stream.indirect.scatter.add.f32 [tilespmem:s22], [sflag:$0x4], $0x80, s25, s1, $0xb8;
	[tilespmem:$0x1E000] =	vst v63  }
0x24e: {  	_ =	swait.ge [sflag:s16], $0x4000  }
0x24f: {  	[sflag:s16] =	ssyncset.done $0x0  }
0x250: {  	s5 =	simm.s32 $0x1780;
	[sflag:s16] =	ssyncadd.s32 $0xFFFFC000  }
0x251: {  	[tilespmem:s22], [sflag:$0x2] =	stream.indirect.gather [hbm4b:s2+s1], $0x80, s5, s1, $0xb8;
	[tilespmem:$0x1E000] =	vst v63  }
0x252: {  	_ =	swait.ge [sflag:s14], $0x4000  }
0x253: {  	[sflag:s14] =	ssyncset.done $0x0  }
0x254: {  	s17 =	simm.s32 $0x1F00;
	[sflag:s14] =	ssyncadd.s32 $0xFFFFC000  }
0x255: {  	[spmem:s3] =	stream.indirect.scatter.add.f32 [tilespmem:s26], [sflag:$0x3], $0x80, s17, s1, $0xb8;
	[tilespmem:$0x1E000] =	vst v63  }
0x256: {  	_ =	swait.ge [sflag:s23], $0x4000  }
0x257: {  	[sflag:s23] =	ssyncset.done $0x0  }
0x258: {  	[sflag:s23] =	ssyncadd.s32 $0xFFFFC000  }
0x259: {  	_ =	swait.ge [sflag:s0], $0x4000  }
0x25a: {  	[sflag:s0] =	ssyncset.done $0x0  }
0x25b: {  	[sflag:s0] =	ssyncadd.s32 $0xFFFFC000  }
0x25c: {  	_ =	swait.ge [sflag:s21], $0x800  }
0x25d: {  	[sflag:s21] =	ssyncset.done $0x0  }
0x25e: {  	[sflag:s21] =	ssyncadd.s32 $0xFFFFF800  }
0x25f: {  	_ =	swait.ge [sflag:s21], $0x800  }
0x260: {  	[sflag:s21] =	ssyncset.done $0x0  }
0x261: {  	[sflag:s21] =	ssyncadd.s32 $0xFFFFF800  }
0x262: {  	[tilespmem:s26], [sflag:$0x1] =	stream.indirect.gather [hbm4b:s2+s1], $0x80, s20, s1, $0xb8;
	[tilespmem:$0x1E000] =	vst v63  }
0x263: {  	s20 =	simm.s32 $0x1F80  }
0x264: {  	[spmem:s3] =	stream.indirect.scatter.add.f32 [tilespmem:s22], [sflag:$0x4], $0x80, s20, s1, $0xb8;
	[tilespmem:$0x1E000] =	vst v63  }
0x265: {  	_ =	swait.ge [sflag:s16], $0x4000  }
0x266: {  	[sflag:s16] =	ssyncset.done $0x0  }
0x267: {  	[sflag:s16] =	ssyncadd.s32 $0xFFFFC000  }
0x268: {  	[tilespmem:s22], [sflag:$0x2] =	stream.indirect.gather [hbm4b:s2+s1], $0x80, s1, s1, $0xb8;
	[tilespmem:$0x1E000] =	vst v63  }
0x269: {  	_ =	swait.ge [sflag:s14], $0x4000  }
0x26a: {  	[sflag:s14] =	ssyncset.done $0x0  }
0x26b: {  	[sflag:s14] =	ssyncadd.s32 $0xFFFFC000  }
0x26c: {  	[spmem:s3] =	stream.indirect.scatter.add.f32 [tilespmem:s26], [sflag:$0x3], $0x80, s8, s1, $0xb8;
	[tilespmem:$0x1E000] =	vst v63  }
0x26d: {  	_ =	swait.ge [sflag:s23], $0x4000  }
0x26e: {  	[sflag:s23] =	ssyncset.done $0x0  }
0x26f: {  	[sflag:s23] =	ssyncadd.s32 $0xFFFFC000  }
0x270: {  	_ =	swait.ge [sflag:s0], $0x4000  }
0x271: {  	[sflag:s0] =	ssyncset.done $0x0  }
0x272: {  	s25 =	simm.s32 $0x100;
	[sflag:s0] =	ssyncadd.s32 $0xFFFFC000  }
0x273: {  	[tilespmem:s26], [sflag:$0x1] =	stream.indirect.gather [hbm4b:s2+s1], $0x80, s25, s1, $0xb8;
	[tilespmem:$0x1E000] =	vst v63  }
0x274: {  	s8 =	simm.s32 $0x880  }
0x275: {  	[spmem:s3] =	stream.indirect.scatter.add.f32 [tilespmem:s22], [sflag:$0x4], $0x80, s8, s1, $0xb8;
	[tilespmem:$0x1E000] =	vst v63  }
0x276: {  	_ =	swait.ge [sflag:s16], $0x4000  }
0x277: {  	[sflag:s16] =	ssyncset.done $0x0  }
0x278: {  	s17 =	simm.s32 $0x180;
	[sflag:s16] =	ssyncadd.s32 $0xFFFFC000  }
0x279: {  	[tilespmem:s22], [sflag:$0x2] =	stream.indirect.gather [hbm4b:s2+s1], $0x80, s17, s1, $0xb8;
	[tilespmem:$0x1E000] =	vst v63  }
0x27a: {  	_ =	swait.ge [sflag:s14], $0x4000  }
0x27b: {  	[sflag:s14] =	ssyncset.done $0x0  }
0x27c: {  	s20 =	simm.s32 $0x900;
	[sflag:s14] =	ssyncadd.s32 $0xFFFFC000  }
0x27d: {  	[spmem:s3] =	stream.indirect.scatter.add.f32 [tilespmem:s26], [sflag:$0x3], $0x80, s20, s1, $0xb8;
	[tilespmem:$0x1E000] =	vst v63  }
0x27e: {  	_ =	swait.ge [sflag:s23], $0x4000  }
0x27f: {  	[sflag:s23] =	ssyncset.done $0x0  }
0x280: {  	[sflag:s23] =	ssyncadd.s32 $0xFFFFC000  }
0x281: {  	_ =	swait.ge [sflag:s0], $0x4000  }
0x282: {  	[sflag:s0] =	ssyncset.done $0x0  }
0x283: {  	s25 =	simm.s32 $0x200;
	[sflag:s0] =	ssyncadd.s32 $0xFFFFC000  }
0x284: {  	[tilespmem:s26], [sflag:$0x1] =	stream.indirect.gather [hbm4b:s2+s1], $0x80, s25, s1, $0xb8;
	[tilespmem:$0x1E000] =	vst v63  }
0x285: {  	s8 =	simm.s32 $0x980  }
0x286: {  	[spmem:s3] =	stream.indirect.scatter.add.f32 [tilespmem:s22], [sflag:$0x4], $0x80, s8, s1, $0xb8;
	[tilespmem:$0x1E000] =	vst v63  }
0x287: {  	_ =	swait.ge [sflag:s16], $0x4000  }
0x288: {  	[sflag:s16] =	ssyncset.done $0x0  }
0x289: {  	s17 =	simm.s32 $0x280;
	[sflag:s16] =	ssyncadd.s32 $0xFFFFC000  }
0x28a: {  	[tilespmem:s22], [sflag:$0x2] =	stream.indirect.gather [hbm4b:s2+s1], $0x80, s17, s1, $0xb8;
	[tilespmem:$0x1E000] =	vst v63  }
0x28b: {  	_ =	swait.ge [sflag:s14], $0x4000  }
0x28c: {  	[sflag:s14] =	ssyncset.done $0x0  }
0x28d: {  	s20 =	simm.s32 $0xA00;
	[sflag:s14] =	ssyncadd.s32 $0xFFFFC000  }
0x28e: {  	[spmem:s3] =	stream.indirect.scatter.add.f32 [tilespmem:s26], [sflag:$0x3], $0x80, s20, s1, $0xb8;
	[tilespmem:$0x1E000] =	vst v63  }
0x28f: {  	_ =	swait.ge [sflag:s23], $0x4000  }
0x290: {  	[sflag:s23] =	ssyncset.done $0x0  }
0x291: {  	[sflag:s23] =	ssyncadd.s32 $0xFFFFC000  }
0x292: {  	_ =	swait.ge [sflag:s0], $0x4000  }
0x293: {  	[sflag:s0] =	ssyncset.done $0x0  }
0x294: {  	s25 =	simm.s32 $0x300;
	[sflag:s0] =	ssyncadd.s32 $0xFFFFC000  }
0x295: {  	[tilespmem:s26], [sflag:$0x1] =	stream.indirect.gather [hbm4b:s2+s1], $0x80, s25, s1, $0xb8;
	[tilespmem:$0x1E000] =	vst v63  }
0x296: {  	s8 =	simm.s32 $0xA80  }
0x297: {  	[spmem:s3] =	stream.indirect.scatter.add.f32 [tilespmem:s22], [sflag:$0x4], $0x80, s8, s1, $0xb8;
	[tilespmem:$0x1E000] =	vst v63  }
0x298: {  	_ =	swait.ge [sflag:s16], $0x4000  }
0x299: {  	[sflag:s16] =	ssyncset.done $0x0  }
0x29a: {  	s17 =	simm.s32 $0x380;
	[sflag:s16] =	ssyncadd.s32 $0xFFFFC000  }
0x29b: {  	[tilespmem:s22], [sflag:$0x2] =	stream.indirect.gather [hbm4b:s2+s1], $0x80, s17, s1, $0xb8;
	[tilespmem:$0x1E000] =	vst v63  }
0x29c: {  	_ =	swait.ge [sflag:s14], $0x4000  }
0x29d: {  	[sflag:s14] =	ssyncset.done $0x0  }
0x29e: {  	s20 =	simm.s32 $0xB00;
	[sflag:s14] =	ssyncadd.s32 $0xFFFFC000  }
0x29f: {  	[spmem:s3] =	stream.indirect.scatter.add.f32 [tilespmem:s26], [sflag:$0x3], $0x80, s20, s1, $0xb8;
	[tilespmem:$0x1E000] =	vst v63  }
0x2a0: {  	_ =	swait.ge [sflag:s23], $0x4000  }
0x2a1: {  	[sflag:s23] =	ssyncset.done $0x0  }
0x2a2: {  	[sflag:s23] =	ssyncadd.s32 $0xFFFFC000  }
0x2a3: {  	_ =	swait.ge [sflag:s0], $0x4000  }
0x2a4: {  	[sflag:s0] =	ssyncset.done $0x0  }
0x2a5: {  	s25 =	simm.s32 $0x400;
	[sflag:s0] =	ssyncadd.s32 $0xFFFFC000  }
0x2a6: {  	[tilespmem:s26], [sflag:$0x1] =	stream.indirect.gather [hbm4b:s2+s1], $0x80, s25, s1, $0xb8;
	[tilespmem:$0x1E000] =	vst v63  }
0x2a7: {  	s8 =	simm.s32 $0xB80  }
0x2a8: {  	[spmem:s3] =	stream.indirect.scatter.add.f32 [tilespmem:s22], [sflag:$0x4], $0x80, s8, s1, $0xb8;
	[tilespmem:$0x1E000] =	vst v63  }
0x2a9: {  	_ =	swait.ge [sflag:s16], $0x4000  }
0x2aa: {  	[sflag:s16] =	ssyncset.done $0x0  }
0x2ab: {  	s17 =	simm.s32 $0x480;
	[sflag:s16] =	ssyncadd.s32 $0xFFFFC000  }
0x2ac: {  	[tilespmem:s22], [sflag:$0x2] =	stream.indirect.gather [hbm4b:s2+s1], $0x80, s17, s1, $0xb8;
	[tilespmem:$0x1E000] =	vst v63  }
0x2ad: {  	_ =	swait.ge [sflag:s14], $0x4000  }
0x2ae: {  	[sflag:s14] =	ssyncset.done $0x0  }
0x2af: {  	s20 =	simm.s32 $0xC00;
	[sflag:s14] =	ssyncadd.s32 $0xFFFFC000  }
0x2b0: {  	[spmem:s3] =	stream.indirect.scatter.add.f32 [tilespmem:s26], [sflag:$0x3], $0x80, s20, s1, $0xb8;
	[tilespmem:$0x1E000] =	vst v63  }
0x2b1: {  	_ =	swait.ge [sflag:s23], $0x4000  }
0x2b2: {  	[sflag:s23] =	ssyncset.done $0x0  }
0x2b3: {  	[sflag:s23] =	ssyncadd.s32 $0xFFFFC000  }
0x2b4: {  	_ =	swait.ge [sflag:s0], $0x4000  }
0x2b5: {  	[sflag:s0] =	ssyncset.done $0x0  }
0x2b6: {  	s25 =	simm.s32 $0x500;
	[sflag:s0] =	ssyncadd.s32 $0xFFFFC000  }
0x2b7: {  	[tilespmem:s26], [sflag:$0x1] =	stream.indirect.gather [hbm4b:s2+s1], $0x80, s25, s1, $0xb8;
	[tilespmem:$0x1E000] =	vst v63  }
0x2b8: {  	s8 =	simm.s32 $0xC80  }
0x2b9: {  	[spmem:s3] =	stream.indirect.scatter.add.f32 [tilespmem:s22], [sflag:$0x4], $0x80, s8, s1, $0xb8;
	[tilespmem:$0x1E000] =	vst v63  }
0x2ba: {  	_ =	swait.ge [sflag:s16], $0x4000  }
0x2bb: {  	[sflag:s16] =	ssyncset.done $0x0  }
0x2bc: {  	s17 =	simm.s32 $0x580;
	[sflag:s16] =	ssyncadd.s32 $0xFFFFC000  }
0x2bd: {  	[tilespmem:s22], [sflag:$0x2] =	stream.indirect.gather [hbm4b:s2+s1], $0x80, s17, s1, $0xb8;
	[tilespmem:$0x1E000] =	vst v63  }
0x2be: {  	_ =	swait.ge [sflag:s14], $0x4000  }
0x2bf: {  	[sflag:s14] =	ssyncset.done $0x0  }
0x2c0: {  	s20 =	simm.s32 $0xD00;
	[sflag:s14] =	ssyncadd.s32 $0xFFFFC000  }
0x2c1: {  	[spmem:s3] =	stream.indirect.scatter.add.f32 [tilespmem:s26], [sflag:$0x3], $0x80, s20, s1, $0xb8;
	[tilespmem:$0x1E000] =	vst v63  }
0x2c2: {  	_ =	swait.ge [sflag:s23], $0x4000  }
0x2c3: {  	[sflag:s23] =	ssyncset.done $0x0  }
0x2c4: {  	[sflag:s23] =	ssyncadd.s32 $0xFFFFC000  }
0x2c5: {  	_ =	swait.ge [sflag:s0], $0x4000  }
0x2c6: {  	[sflag:s0] =	ssyncset.done $0x0  }
0x2c7: {  	s25 =	simm.s32 $0x600;
	[sflag:s0] =	ssyncadd.s32 $0xFFFFC000  }
0x2c8: {  	[tilespmem:s26], [sflag:$0x1] =	stream.indirect.gather [hbm4b:s2+s1], $0x80, s25, s1, $0xb8;
	[tilespmem:$0x1E000] =	vst v63  }
0x2c9: {  	s8 =	simm.s32 $0xD80  }
0x2ca: {  	[spmem:s3] =	stream.indirect.scatter.add.f32 [tilespmem:s22], [sflag:$0x4], $0x80, s8, s1, $0xb8;
	[tilespmem:$0x1E000] =	vst v63  }
0x2cb: {  	_ =	swait.ge [sflag:s16], $0x4000  }
0x2cc: {  	[sflag:s16] =	ssyncset.done $0x0  }
0x2cd: {  	s17 =	simm.s32 $0x680;
	[sflag:s16] =	ssyncadd.s32 $0xFFFFC000  }
0x2ce: {  	[tilespmem:s22], [sflag:$0x2] =	stream.indirect.gather [hbm4b:s2+s1], $0x80, s17, s1, $0xb8;
	[tilespmem:$0x1E000] =	vst v63  }
0x2cf: {  	_ =	swait.ge [sflag:s14], $0x4000  }
0x2d0: {  	[sflag:s14] =	ssyncset.done $0x0  }
0x2d1: {  	s20 =	simm.s32 $0xE00;
	[sflag:s14] =	ssyncadd.s32 $0xFFFFC000  }
0x2d2: {  	[spmem:s3] =	stream.indirect.scatter.add.f32 [tilespmem:s26], [sflag:$0x3], $0x80, s20, s1, $0xb8;
	[tilespmem:$0x1E000] =	vst v63  }
0x2d3: {  	_ =	swait.ge [sflag:s23], $0x4000  }
0x2d4: {  	[sflag:s23] =	ssyncset.done $0x0  }
0x2d5: {  	[sflag:s23] =	ssyncadd.s32 $0xFFFFC000  }
0x2d6: {  	_ =	swait.ge [sflag:s0], $0x4000  }
0x2d7: {  	[sflag:s0] =	ssyncset.done $0x0  }
0x2d8: {  	s25 =	simm.s32 $0x700;
	[sflag:s0] =	ssyncadd.s32 $0xFFFFC000  }
0x2d9: {  	[tilespmem:s26], [sflag:$0x1] =	stream.indirect.gather [hbm4b:s2+s1], $0x80, s25, s1, $0xb8;
	[tilespmem:$0x1E000] =	vst v63  }
0x2da: {  	s8 =	simm.s32 $0xE80  }
0x2db: {  	[spmem:s3] =	stream.indirect.scatter.add.f32 [tilespmem:s22], [sflag:$0x4], $0x80, s8, s1, $0xb8;
	[tilespmem:$0x1E000] =	vst v63  }
0x2dc: {  	_ =	swait.ge [sflag:s16], $0x4000  }
0x2dd: {  	[sflag:s16] =	ssyncset.done $0x0  }
0x2de: {  	s17 =	simm.s32 $0x780;
	[sflag:s16] =	ssyncadd.s32 $0xFFFFC000  }
0x2df: {  	[tilespmem:s22], [sflag:$0x2] =	stream.indirect.gather [hbm4b:s2+s1], $0x80, s17, s1, $0xb8;
	[tilespmem:$0x1E000] =	vst v63  }
0x2e0: {  	_ =	swait.ge [sflag:s14], $0x4000  }
0x2e1: {  	[sflag:s14] =	ssyncset.done $0x0  }
0x2e2: {  	s20 =	simm.s32 $0xF00;
	[sflag:s14] =	ssyncadd.s32 $0xFFFFC000  }
0x2e3: {  	[spmem:s3] =	stream.indirect.scatter.add.f32 [tilespmem:s26], [sflag:$0x3], $0x80, s20, s1, $0xb8;
	[tilespmem:$0x1E000] =	vst v63  }
0x2e4: {  	_ =	swait.ge [sflag:s23], $0x4000  }
0x2e5: {  	[sflag:s23] =	ssyncset.done $0x0  }
0x2e6: {  	[sflag:s23] =	ssyncadd.s32 $0xFFFFC000  }
0x2e7: {  	s31 =	simm.s32 $0x1000;
	s30 =	simm.s32 $0x1980;
	_ =	swait.ge [sflag:s0], $0x4000  }
0x2e8: {  	s29 =	simm.s32 $0x1800;
	s18 =	stileid.u32;
	[sflag:s0] =	ssyncset.done $0x0  }
0x2e9: {  	s5 =	simm.s32 $0x800;
	s25 =	simm.s32 $0xF80;
	[sflag:s0] =	ssyncadd.s32 $0xFFFFC000  }
0x2ea: {  	[spmem:s3] =	stream.indirect.scatter.add.f32 [tilespmem:s22], [sflag:$0x4], $0x80, s25, s1, $0xb8;
	[tilespmem:$0x1E000] =	vst v63  }
.LBB2_8:
0x2eb: {  	_ =	swait.ge [sflag:s16], $0x4000  }
0x2ec: {  	[sflag:s16] =	ssyncset.done $0x0  }
0x2ed: {  	[sflag:s16] =	ssyncadd.s32 $0xFFFFC000  }
0x2ee: {  	[bflag:$0x0] =	sbarrier.arrive $0xFFFF  }
0x2ef: {  	s20 =	sshll.u32 s18, $0x6;
	s8 =	rddreg [dreg:$0x10]  }
0x2f0: {  	s16 =	sor.u32 $0x1C07, s20;
	s25 =	rddreg [dreg:$0xe];
	s17 =	sshrl.u32 s8, $0x3  }
0x2f1: {  	[hbm:s25], [sflag:s16] =	dma.local [spmem:s17], $0x2800  }
0x2f2: {  	_ =	swait.ge [sflag:s28], $0x2800  }
0x2f3: {  	s15 =	sadd.s32 $0x1, s15;
	s25 =	rddreg [dreg:$0xf]  }
0x2f4: {  	p1 =	sne.s32 s15, s25  }
.Ltmp1:
0x2f5: {  	_ = 	snop;
	(pc) =	sbr.rel @!p1 .LBB2_9-.Ltmp1, $3  }
0x2f6: {  	_ =	sdelay $0x1  }
0x2f7: {  	[sflag:s28] =	ssyncset.done $0x0  }
0x2f8: {  	[sflag:s28] =	ssyncadd.s32 $0xFFFFD800  }
.LBB2_1:
0x2f9: {  	s16 =	simm.s32 @!p0 $0x0  }
0x2fa: {  	[tilespmem:s16], [sflag:$0x5] =	stream.linear.gather @!p0 [hbm4b:s6+s16], $0x800, $0x38;
	[tilespmem:$0x1E000] =	vst v63  }
0x2fb: {  	s17 =	simm.s32 @!p0 $0x800  }
0x2fc: {  	[tilespmem:s17], [sflag:$0x5] =	stream.linear.gather @!p0 [hbm4b:s7+s16], $0x800, $0x38;
	[tilespmem:$0x1E000] =	vst v63  }
0x2fd: {  	s17 =	simm.s32 @!p0 $0x1000  }
0x2fe: {  	[tilespmem:s17], [sflag:$0x6] =	stream.linear.gather @!p0 [hbm4b:s9+s16], $0x800, $0x38;
	[tilespmem:$0x1E000] =	vst v63  }
0x2ff: {  	s17 =	simm.s32 @!p0 $0x1800  }
0x300: {  	[tilespmem:s17], [sflag:$0x6] =	stream.linear.gather @!p0 [hbm4b:s10+s16], $0x800, $0x38;
	[tilespmem:$0x1E000] =	vst v63  }
0x301: {  	s16 =	simm.s32 $0x0;
	s17 =	simm.s32 $0x200  }
.LBB2_2:
0x302: {  	p1 =	sne.s32 s17, $0xFE00;
	[tilespmem:s16+$0x2070] =	vst v0  }
0x303: {  	[tilespmem:s16+$0x2000] =	vst v0  }
0x304: {  	[tilespmem:s16+$0x2010] =	vst v0  }
.Ltmp2:
0x305: {  	[tilespmem:s16+$0x2020] =	vst v0;
	(pc) =	sbr.rel @p1 .LBB2_2-.Ltmp2, $4  }
0x306: {  	[tilespmem:s16+$0x2030] =	vst v0  }
0x307: {  	[tilespmem:s16+$0x2040] =	vst v0  }
0x308: {  	[tilespmem:s16+$0x2050] =	vst v0  }
0x309: {  	[tilespmem:s16+$0x2060] =	vst v0;
	s16 =	sshra.s32 s17, $0x2;
	s17 =	sadd.s32 $0x200, s17  }
0x30a: {  	[tilespmem:s16+$0x2070] =	vst v0  }
0x30b: {  	[tilespmem:s16+$0x2000] =	vst v0  }
0x30c: {  	[tilespmem:s16+$0x2010] =	vst v0  }
0x30d: {  	[tilespmem:s16+$0x2020] =	vst v0  }
0x30e: {  	[tilespmem:s16+$0x2030] =	vst v0  }
0x30f: {  	[tilespmem:s16+$0x2040] =	vst v0  }
0x310: {  	[tilespmem:s16+$0x2050] =	vst v0  }
0x311: {  	[tilespmem:s16+$0x2060] =	vst v0  }
0x312: {  	[spmem:s8] =	stream.linear.scatter [tilespmem:s26], [sflag:$0x7], $0x4000, $0x38;
	[tilespmem:$0x1E000] =	vst v63  }
0x313: {  	_ =	swait.ge [sflag:s28], $0x4000  }
0x314: {  	[sflag:s28] =	ssyncset.done $0x0  }
0x315: {  	[sflag:s28] =	ssyncadd.s32 $0xFFFFC000  }
0x316: {  	[spmem:s11] =	stream.linear.scatter [tilespmem:s26], [sflag:$0x7], $0x4000, $0x38;
	[tilespmem:$0x1E000] =	vst v63  }
0x317: {  	_ =	swait.ge [sflag:s28], $0x4000  }
0x318: {  	[sflag:s28] =	ssyncset.done $0x0  }
0x319: {  	[sflag:s28] =	ssyncadd.s32 $0xFFFFC000  }
0x31a: {  	[spmem:s12] =	stream.linear.scatter [tilespmem:s26], [sflag:$0x7], $0x4000, $0x38;
	[tilespmem:$0x1E000] =	vst v63  }
0x31b: {  	_ =	swait.ge [sflag:s28], $0x4000  }
0x31c: {  	[sflag:s28] =	ssyncset.done $0x0  }
0x31d: {  	[sflag:s28] =	ssyncadd.s32 $0xFFFFC000  }
0x31e: {  	[spmem:s13] =	stream.linear.scatter [tilespmem:s26], [sflag:$0x7], $0x4000, $0x38;
	[tilespmem:$0x1E000] =	vst v63  }
0x31f: {  	_ =	swait.ge [sflag:s28], $0x4000  }
0x320: {  	[sflag:s28] =	ssyncset.done $0x0  }
0x321: {  	[sflag:s28] =	ssyncadd.s32 $0xFFFFC000  }
0x322: {  	[spmem:s24] =	stream.linear.scatter [tilespmem:s26], [sflag:$0x7], $0x4000, $0x38;
	[tilespmem:$0x1E000] =	vst v63  }
.Ltmp3:
0x323: {  	_ =	swait.ge [sflag:s28], $0x4000;
	(pc) =	sbr.rel @!p0 .LBB2_4-.Ltmp3, $3  }
0x324: {  	[sflag:s28] =	ssyncset.done $0x0  }
0x325: {  	[sflag:s28] =	ssyncadd.s32 $0xFFFFC000  }
0x326: {  	[bflag:$0x0] =	sbarrier.arrive $0xFFFF;
	_ =	sdelay $0x1  }
0x327: {  	s16 =	simm.s32 $0x0;
	s17 =	rddreg [dreg:$0xa]  }
0x328: {  	[tilespmem:s16], [sflag:$0x7] =	stream.linear.gather [hbm4b:s17+s16], $0x800, $0x38;
	[tilespmem:$0x1E000] =	vst v63  }
0x329: {  	_ =	swait.ge [sflag:s28], $0x800  }
0x32a: {  	[sflag:s28] =	ssyncset.done $0x0  }
0x32b: {  	s4 =	rddreg [dreg:$0xb];
	[sflag:s28] =	ssyncadd.s32 $0xFFFFF800  }
0x32c: {  	[tilespmem:s5], [sflag:$0x7] =	stream.linear.gather [hbm4b:s4+s16], $0x800, $0x38;
	[tilespmem:$0x1E000] =	vst v63  }
0x32d: {  	_ =	swait.ge [sflag:s28], $0x800  }
0x32e: {  	[sflag:s28] =	ssyncset.done $0x0  }
0x32f: {  	s8 =	rddreg [dreg:$0xc];
	[sflag:s28] =	ssyncadd.s32 $0xFFFFF800  }
0x330: {  	[tilespmem:s31], [sflag:$0x7] =	stream.linear.gather [hbm4b:s8+s16], $0x200, $0x38;
	[tilespmem:$0x1E000] =	vst v63  }
0x331: {  	_ =	swait.ge [sflag:s28], $0x200  }
0x332: {  	[sflag:s28] =	ssyncset.done $0x0  }
0x333: {  	s18 =	rddreg [dreg:$0xd];
	[sflag:s28] =	ssyncadd.s32 $0xFFFFFE00  }
0x334: {  	[tilespmem:s29], [sflag:$0x7] =	stream.linear.gather [hbm4b:s18+s16], $0x200, $0x38;
	[tilespmem:$0x1E000] =	vst v63  }
0x335: {  	_ =	swait.ge [sflag:s28], $0x200  }
0x336: {  	[sflag:s28] =	ssyncset.done $0x0  }
0x337: {  	s20 =	simm.s32 $0x0;
	[sflag:s28] =	ssyncadd.s32 $0xFFFFFE00  }
0x338: {  	[tilespmem:s26], [sflag:$0x1] =	stream.indirect.gather [hbm4b:s2+s1], $0x80, s20, s1, $0xb8;
	[tilespmem:$0x1E000] =	vst v63  }
0x339: {  	_ =	swait.ge [sflag:s14], $0x4000  }
0x33a: {  	[sflag:s14] =	ssyncset.done $0x0  }
0x33b: {  	s25 =	simm.s32 $0x800;
	[sflag:s14] =	ssyncadd.s32 $0xFFFFC000  }
0x33c: {  	[spmem:s3] =	stream.indirect.scatter.add.f32 [tilespmem:s26], [sflag:$0x7], $0x80, s25, s1, $0xb8;
	[tilespmem:$0x1E000] =	vst v63  }
0x33d: {  	_ =	swait.ge [sflag:s28], $0x4000  }
0x33e: {  	s17 =	simm.s32 $0x400;
	s16 =	simm.s32 $0x200;
	[sflag:s28] =	ssyncset.done $0x0  }
.LBB2_6:
0x33f: {  	s18 =	sshra.s32 s16, $0x2  }
0x340: {  	[sflag:s28] =	ssyncadd.s32 $0xFFFFC000;
	s16 =	smov.u32 s17;
	s20 =	sadd.s32 $0x200, s17  }
0x341: {  	[tilespmem:s26], [sflag:$0x1] =	stream.indirect.gather [hbm4b:s2+s1], $0x80, s18, s1, $0xb8;
	[tilespmem:$0x1E000] =	vst v63  }
0x342: {  	p1 =	sne.s32 s17, $0x1E00;
	_ =	swait.ge [sflag:s14], $0x4000  }
.Ltmp4:
0x343: {  	[sflag:s14] =	ssyncset.done $0x0;
	(pc) =	sbr.rel @p1 .LBB2_6-.Ltmp4, $4  }
0x344: {  	s17 =	sadd.s32 $0x800, s18;
	[sflag:s14] =	ssyncadd.s32 $0xFFFFC000  }
0x345: {  	[spmem:s3] =	stream.indirect.scatter.add.f32 [tilespmem:s26], [sflag:$0x7], $0x80, s17, s1, $0xb8;
	[tilespmem:$0x1E000] =	vst v63  }
0x346: {  	_ =	swait.ge [sflag:s28], $0x4000  }
0x347: {  	s17 =	smov.u32 s20;
	[sflag:s28] =	ssyncset.done $0x0  }
0x348: {  	s16 =	sshra.s32 s16, $0x2;
	[sflag:s28] =	ssyncadd.s32 $0xFFFFC000  }
0x349: {  	[tilespmem:s26], [sflag:$0x1] =	stream.indirect.gather [hbm4b:s2+s1], $0x80, s16, s1, $0xb8;
	[tilespmem:$0x1E000] =	vst v63  }
0x34a: {  	_ =	swait.ge [sflag:s14], $0x4000  }
0x34b: {  	[sflag:s14] =	ssyncset.done $0x0  }
0x34c: {  	s16 =	sadd.s32 $0x800, s16;
	[sflag:s14] =	ssyncadd.s32 $0xFFFFC000  }
0x34d: {  	[spmem:s3] =	stream.indirect.scatter.add.f32 [tilespmem:s26], [sflag:$0x7], $0x80, s16, s1, $0xb8;
	[tilespmem:$0x1E000] =	vst v63  }
0x34e: {  	_ =	swait.ge [sflag:s28], $0x4000  }
0x34f: {  	[sflag:s28] =	ssyncset.done $0x0  }
0x350: {  	[sflag:s28] =	ssyncadd.s32 $0xFFFFC000  }
0x351: {  	[tilespmem:s26], [sflag:$0x1] =	stream.indirect.gather [hbm4b:s2+s1], $0x80, s31, s1, $0xb8;
	[tilespmem:$0x1E000] =	vst v63  }
0x352: {  	_ =	swait.ge [sflag:s14], $0x4000  }
0x353: {  	[sflag:s14] =	ssyncset.done $0x0  }
0x354: {  	s16 =	simm.s32 $0x7;
	[sflag:s14] =	ssyncadd.s32 $0xFFFFC000  }
0x355: {  	[spmem:s3] =	stream.indirect.scatter.add.f32 [tilespmem:s26], [sflag:$0x7], $0x80, s29, s1, $0xb8;
	[tilespmem:$0x1E000] =	vst v63  }
0x356: {  	_ =	swait.ge [sflag:s16], $0x4000  }
0x357: {  	[sflag:s16] =	ssyncset.done $0x0  }
0x358: {  	s4 =	simm.s32 $0x1080;
	[sflag:s16] =	ssyncadd.s32 $0xFFFFC000  }
0x359: {  	[tilespmem:s26], [sflag:$0x1] =	stream.indirect.gather [hbm4b:s2+s1], $0x80, s4, s1, $0xb8;
	[tilespmem:$0x1E000] =	vst v63  }
0x35a: {  	_ =	swait.ge [sflag:s14], $0x4000  }
0x35b: {  	[sflag:s14] =	ssyncset.done $0x0  }
0x35c: {  	s8 =	simm.s32 $0x1880;
	[sflag:s14] =	ssyncadd.s32 $0xFFFFC000  }
0x35d: {  	[spmem:s3] =	stream.indirect.scatter.add.f32 [tilespmem:s26], [sflag:$0x7], $0x80, s8, s1, $0xb8;
	[tilespmem:$0x1E000] =	vst v63  }
0x35e: {  	_ =	swait.ge [sflag:s16], $0x4000  }
0x35f: {  	[sflag:s16] =	ssyncset.done $0x0  }
0x360: {  	s18 =	simm.s32 $0x1100;
	[sflag:s16] =	ssyncadd.s32 $0xFFFFC000  }
0x361: {  	[tilespmem:s26], [sflag:$0x1] =	stream.indirect.gather [hbm4b:s2+s1], $0x80, s18, s1, $0xb8;
	[tilespmem:$0x1E000] =	vst v63  }
0x362: {  	_ =	swait.ge [sflag:s14], $0x4000  }
0x363: {  	[sflag:s14] =	ssyncset.done $0x0  }
0x364: {  	s20 =	simm.s32 $0x1900;
	[sflag:s14] =	ssyncadd.s32 $0xFFFFC000  }
0x365: {  	[spmem:s3] =	stream.indirect.scatter.add.f32 [tilespmem:s26], [sflag:$0x7], $0x80, s20, s1, $0xb8;
	[tilespmem:$0x1E000] =	vst v63  }
0x366: {  	_ =	swait.ge [sflag:s16], $0x4000  }
0x367: {  	[sflag:s16] =	ssyncset.done $0x0  }
0x368: {  	s25 =	simm.s32 $0x1180;
	[sflag:s16] =	ssyncadd.s32 $0xFFFFC000  }
0x369: {  	[tilespmem:s26], [sflag:$0x1] =	stream.indirect.gather [hbm4b:s2+s1], $0x80, s25, s1, $0xb8;
	[tilespmem:$0x1E000] =	vst v63  }
.Ltmp5:
0x36a: {  	_ = 	snop;
	(pc) =	sbr.rel .LBB2_8-.Ltmp5, $4  }
0x36b: {  	_ =	swait.ge [sflag:s14], $0x4000  }
0x36c: {  	[sflag:s14] =	ssyncset.done $0x0  }
0x36d: {  	s18 =	stileid.u32;
	[sflag:s14] =	ssyncadd.s32 $0xFFFFC000  }
0x36e: {  	[spmem:s3] =	stream.indirect.scatter.add.f32 [tilespmem:s26], [sflag:$0x7], $0x80, s30, s1, $0xb8;
	[tilespmem:$0x1E000] =	vst v63  }
.LBB2_9:
0x36f: {  	_ =	sfence.sel $0x180000  }
0x370: {  	[bflag:$0x0] =	sbarrier.arrive $0xFFFF  }
0x371: {  	_ =	strace $0x9000004A  }
0x372: {  	[bflag:$0x2] =	sbarrier.arrive $0xFFFF  }
0x373: {  	p0 =	sne.s32 s18, $0x0;
	s0 =	rddreg [dreg:$0x3]  }
0x374: {  	s0 =	sadd.s32 @!p0 $0x100000, s0  }
0x375: {  	[sflag:s0] =	ssyncadd.tile.s32 @!p0 $0x1;
	_ =	shalt  }
.Lfunc_end2:
_tile_overlayer_lowered:
.L_overlay_start_2:
0x376: {  	(tag) =	ssettag $0x2  }
0x377: {  	s0 =	rddreg [dreg:$0x0];
	s2 =	stileid.u32  }
0x378: {  	s1 =	rddreg [dreg:$0x1];
	p0 =	sne.s32 s2, $0x0  }
0x379: {  	s3 =	rddreg [dreg:$0x2];
	[bflag:$0x3] =	sbarrier.arrive $0xFFFF;
	s2 =	simm.s32 @!p0 $0x1C07  }
0x37a: {  	[timem:s3], [sflag:s2] =	dma.local @!p0 [hbm:s0], s1  }
0x37b: {  	s0 =	simm.s32 @!p0 $0x7  }
0x37c: {  	_ =	swait.ge @!p0 [sflag:s0], s1  }
0x37d: {  	s1 =	ssub.s32 @!p0 $0x0, s1;
	[sflag:s0] =	ssyncset.done @!p0 $0x0  }
0x37e: {  	[sflag:s0] =	ssyncadd.s32 @!p0 s1  }
0x37f: {  	[bflag:$0x3] =	sbarrier.arrive $0xFFFF  }
0x380: {  	_ =	shalt  }

</sc_bundles>
